<compile_context>
chip_gen: v7x
topology: tpu7x:2x2x1
jax: 0.10.2.dev20260603
libtpu: 0.0.44.dev20260713+nightly
codegen_flags: <defaults>
</compile_context>

<pallas_src>
import jax
import jax.numpy as jnp
from jax import lax
from jax.experimental import pallas as pl
from jax.experimental.pallas import tpu as pltpu
from jax.experimental.pallas import tpu_sc as plsc

B = 16384
LEN = 50
D = 32
NW = 32
BPW = B // NW
HALF_BAGS = 32
NHALF = BPW // HALF_BAGS


def _body(ui_hbm, wi_hbm, l_hbm, U_hbm, W_hbm, out_hbm,
          widx, rows, uidx, urows, lv, outv, sem0, sem1, semu):
    cid = lax.axis_index("c")
    sid = lax.axis_index("s")
    w = sid * 2 + cid
    base = w * BPW

    for i in range(4):
        pltpu.sync_copy(ui_hbm.at[pl.ds(base + i * 128, 128)], uidx.at[i])
    for i in range(4):
        pltpu.async_copy(U_hbm.at[uidx.at[i]], urows.at[pl.ds(i * 128, 128)], semu)
    pltpu.sync_copy(l_hbm.at[pl.ds(base, BPW)], lv)

    sems = (sem0, sem1)

    def fire(h, slot):
        pltpu.sync_copy(
            wi_hbm.at[pl.ds(w * (BPW // 2) + h * (HALF_BAGS // 2),
                            HALF_BAGS // 2)],
            widx.at[slot])

        def one(i, carry):
            pltpu.async_copy(W_hbm.at[widx.at[slot, i]],
                             rows.at[slot, pl.ds(i * 100, 100)], sems[slot])
            return carry
        lax.fori_loop(0, HALF_BAGS // 2, one, 0)

    def drain(slot):
        pltpu.make_async_copy(W_hbm.at[pl.ds(0, HALF_BAGS * LEN)],
                              rows.at[slot], sems[slot]).wait()

    fire(0, 0)
    pltpu.make_async_copy(U_hbm.at[pl.ds(0, BPW)], urows, semu).wait()

    lanes = lax.iota(jnp.int32, 16)
    gdn = lax.GatherDimensionNumbers(
        offset_dims=(), collapsed_slice_dims=(0,), start_index_map=(0,))

    def hsum(t):
        for sh in (8, 4, 2, 1):
            g = lax.gather(t, (lanes ^ sh)[:, None], gdn, slice_sizes=(1,),
                           mode=lax.GatherScatterMode.PROMISE_IN_BOUNDS)
            t = t + g
        return t

    def accum_half(h, slot):
        def bag(i, vec):
            rb = i * LEN
            a00 = rows[slot, rb, pl.ds(0, 16)]
            a01 = rows[slot, rb, pl.ds(16, 16)]
            a10 = rows[slot, rb + 1, pl.ds(0, 16)]
            a11 = rows[slot, rb + 1, pl.ds(16, 16)]
            for j in range(2, LEN, 2):
                a00 = a00 + rows[slot, rb + j, pl.ds(0, 16)]
                a01 = a01 + rows[slot, rb + j, pl.ds(16, 16)]
                a10 = a10 + rows[slot, rb + j + 1, pl.ds(0, 16)]
                a11 = a11 + rows[slot, rb + j + 1, pl.ds(16, 16)]
            s0 = a00 + a10
            s1 = a01 + a11
            gi = h * HALF_BAGS + i
            u0 = urows[gi, pl.ds(0, 16)]
            u1 = urows[gi, pl.ds(16, 16)]
            s = hsum(s0 * u0 + s1 * u1)
            lane = i & 15
            vec = jnp.where(lanes == lane, s, vec)

            @pl.when(lane == 15)
            def _():
                start = pl.multiple_of(gi - 15, 16)
                outv[pl.ds(start, 16)] = vec

            return vec
        lax.fori_loop(0, HALF_BAGS, bag, jnp.zeros((16,), jnp.float32))

    def step(it, carry):
        for b2 in range(2):
            h = it * 2 + b2

            @pl.when(h + 1 < NHALF)
            def _():
                fire(h + 1, 1 - b2)

            drain(b2)
            accum_half(h, b2)
        return carry

    lax.fori_loop(0, NHALF // 2, step, 0)

    def divloop(k, carry):
        sl = pl.ds(k * 16, 16)
        outv[sl] = outv[sl] / lv[sl].astype(jnp.float32)
        return carry

    lax.fori_loop(0, BPW // 16, divloop, 0)
    pltpu.sync_copy(outv, out_hbm.at[pl.ds(base, BPW)])


BW = 65536
BQ = BW // 4


def _repack_body(wt_ref, out_ref):
    x = wt_ref[...]
    z = jnp.concatenate([x[:, BQ * j:BQ * (j + 1)] for j in range(4)], axis=0)
    out_ref[...] = z.T


def _pidx(r):
    return (r & ~jnp.int32(BW - 1)) | ((r & (BQ - 1)) << 2) | ((r >> 14) & 3)


def _repack(table):
    n = table.shape[0]
    nblk = (n + BW - 1) // BW
    packed = pl.pallas_call(
        _repack_body,
        grid=(nblk,),
        in_specs=[pl.BlockSpec((32, BW), lambda i: (0, i))],
        out_specs=pl.BlockSpec((BQ, 128), lambda i: (i, 0)),
        out_shape=jax.ShapeDtypeStruct((nblk * BQ, 128), jnp.float32),
    )(table.T)
    return packed.reshape(nblk * BW, 32)


def kernel(ui, wi, l, U, W):
    mesh = plsc.VectorSubcoreMesh(core_axis_name="c", subcore_axis_name="s")
    run = pl.kernel(
        _body,
        mesh=mesh,
        compiler_params=pltpu.CompilerParams(use_tc_tiling_on_sc=False),
        out_type=jax.ShapeDtypeStruct((B,), jnp.float32),
        scratch_types=[
            pltpu.VMEM((2, HALF_BAGS // 2, 100), jnp.int32),
            pltpu.VMEM((2, HALF_BAGS * LEN, D), jnp.float32),
            pltpu.VMEM((4, 128), jnp.int32),
            pltpu.VMEM((BPW, D), jnp.float32),
            pltpu.VMEM((BPW,), jnp.int32),
            pltpu.VMEM((BPW,), jnp.float32),
            pltpu.SemaphoreType.DMA,
            pltpu.SemaphoreType.DMA,
            pltpu.SemaphoreType.DMA,
        ],
    )
    wi2 = _pidx(wi.astype(jnp.int32)).reshape(B * LEN // 100, 100)
    return run(_pidx(ui.astype(jnp.int32)), wi2,
               l.astype(jnp.int32), _repack(U), _repack(W))

# --- scband reference (transcript-rebuilt; emitter-appended) ---
"""Pipeline reference for scband-bowranker-43602507989433 (READ-ONLY COPY).

The authoritative reference and input builder live on the scoring server;
editing this copy changes nothing except your own understanding.
"""

import jax, jax.numpy as jnp
import numpy as np

N_USERS = 100000
N_VOCAB = 1000000
EMBED = 32
BATCH = 16384
MAX_LEN = 50

def setup_inputs(seed: int = 0) -> dict:
    key = jax.random.key(seed)
    k1, k2, k3, k4, k5 = jax.random.split(key, 5)
    # Embedding tables (nn.Embedding with padding_idx=0 -> row 0 is zeros)
    U = jax.random.normal(k1, (N_USERS + 1, EMBED), dtype=jnp.float32) * 0.02
    U = U.at[0].set(0.0)
    W = jax.random.normal(k2, (N_VOCAB + 1, EMBED), dtype=jnp.float32) * 0.02
    W = W.at[0].set(0.0)
    # Indices: keep >= 1 so we stay off the padding row and avoid div-by-zero for l
    ui = jax.random.randint(k3, (BATCH,), 1, N_USERS + 1, dtype=jnp.int64 if jax.config.read('jax_enable_x64') else jnp.int32)
    wi = jax.random.randint(k4, (BATCH, MAX_LEN), 1, N_VOCAB + 1, dtype=jnp.int64 if jax.config.read('jax_enable_x64') else jnp.int32)
    l = jax.random.randint(k5, (BATCH,), 1, MAX_LEN + 1, dtype=jnp.int64 if jax.config.read('jax_enable_x64') else jnp.int32)
    return {"ui": ui, "wi": wi, "l": l, "U": U, "W": W}

def reference(ui, wi, l, U, W):
    # u = self.U(ui)  -> [B, d]
    u = jnp.take(U, ui, axis=0)
    # w = self.W(wi)  -> [B, L, d]
    w = jnp.take(W, wi, axis=0)
    # w_avg = w.sum(1) / l.float().unsqueeze(1)  -> [B, d]
    w_avg = w.sum(axis=1) / l.astype(jnp.float32)[:, None]
    # (u.unsqueeze(1) @ w_avg.unsqueeze(2)).view(-1)  -> batched dot, [B]
    return jnp.einsum('bd,bd->b', u, w_avg)

if __name__ == "__main__":
    import jax
    _d = setup_inputs()
    print(jax.jit(kernel)(*tuple(_d.values())))

</pallas_src>

<mosaic_0001>
#map = affine_map<(d0, d1) -> (0)>
#map1 = affine_map<(d0, d1) -> (0, 0)>
module attributes {stable_mosaic.version = 14 : i64} {
  func.func @_body(%arg0: i32, %arg1: i32, %arg2: memref<16384xi32, #tpu.memory_space<hbm>>, %arg3: memref<8192x100xi32, #tpu.memory_space<hbm>>, %arg4: memref<16384xi32, #tpu.memory_space<hbm>>, %arg5: memref<131072x32xf32, #tpu.memory_space<hbm>>, %arg6: memref<1048576x32xf32, #tpu.memory_space<hbm>>, %arg7: memref<16384xf32, #tpu.memory_space<hbm>>, %arg8: memref<2x16x100xi32, #tpu.memory_space<vmem>>, %arg9: memref<2x1600x32xf32, #tpu.memory_space<vmem>>, %arg10: memref<4x128xi32, #tpu.memory_space<vmem>>, %arg11: memref<512x32xf32, #tpu.memory_space<vmem>>, %arg12: memref<512xi32, #tpu.memory_space<vmem>>, %arg13: memref<512xf32, #tpu.memory_space<vmem>>, %arg14: memref<!tpu.dma_semaphore, #tpu.memory_space<semaphore_mem>>, %arg15: memref<!tpu.dma_semaphore, #tpu.memory_space<semaphore_mem>>, %arg16: memref<!tpu.dma_semaphore, #tpu.memory_space<semaphore_mem>>) attributes {dimension_semantics = [#tpu.dimension_semantics<core_parallel>, #tpu.dimension_semantics<subcore_parallel>], iteration_bounds = array<i64: 2, 16>, scalar_prefetch = 0 : i64, scratch_operands = 9 : i64, tpu.core_type = #tpu.core_type<sc_vector_subcore>, window_params = [{transform_indices = #map}, {transform_indices = #map1}, {transform_indices = #map}, {transform_indices = #map1}, {transform_indices = #map1}, {transform_indices = #map}]} {
    %mul3A = arith.constant 2 : i32
    %mul3A_0 = arith.muli %arg1, %mul3A : i32
    %add3A = arith.addi %mul3A_0, %arg0 : i32
    %mul3A_1 = arith.constant 512 : i32
    %mul3A_2 = arith.muli %add3A, %mul3A_1 : i32
    %add3A_3 = arith.constant 0 : i32
    %add3A_4 = arith.addi %mul3A_2, %add3A_3 : i32
    %run_scoped3A = arith.constant 0 : i32
    "tpu.region"() ({
      %run_scoped3A_80 = tpu.sem_alloc : memref<!tpu.dma_semaphore, #tpu.memory_space<semaphore_mem>>
      %dma_start3A_81 = arith.constant 0 : i32
      %dma_start3A_82 = tpu.memref_slice %arg10[%run_scoped3A, %dma_start3A_81] : memref<4x128xi32, #tpu.memory_space<vmem>> -> memref<1x128xi32, #tpu.memory_space<vmem>>
      %dma_start3A_83 = tpu.memref_squeeze %dma_start3A_82 : memref<1x128xi32, #tpu.memory_space<vmem>> -> memref<128xi32, #tpu.memory_space<vmem>>
      %dma_start3A_84 = tpu.memref_slice %arg2[%add3A_4] : memref<16384xi32, #tpu.memory_space<hbm>> -> memref<128xi32, #tpu.memory_space<hbm>>
      %dma_start3A_85 = arith.constant 0 : i32
      %dma_start3A_86 = tpu.memref_slice %arg10[%run_scoped3A, %dma_start3A_85] : memref<4x128xi32, #tpu.memory_space<vmem>> -> memref<1x128xi32, #tpu.memory_space<vmem>>
      %dma_start3A_87 = tpu.memref_squeeze %dma_start3A_86 : memref<1x128xi32, #tpu.memory_space<vmem>> -> memref<128xi32, #tpu.memory_space<vmem>>
      %dma_start3A_88 = tpu.memref_slice %arg2[%add3A_4] : memref<16384xi32, #tpu.memory_space<hbm>> -> memref<128xi32, #tpu.memory_space<hbm>>
      tpu.enqueue_dma source(%dma_start3A_88 : memref<128xi32, #tpu.memory_space<hbm>>) target(%dma_start3A_87 : memref<128xi32, #tpu.memory_space<vmem>>) target_semaphore(%run_scoped3A_80 : memref<!tpu.dma_semaphore, #tpu.memory_space<semaphore_mem>>)
      %dma_wait3A_89 = arith.constant 0 : i32
      %dma_wait3A_90 = tpu.memref_slice %arg10[%run_scoped3A, %dma_wait3A_89] : memref<4x128xi32, #tpu.memory_space<vmem>> -> memref<1x128xi32, #tpu.memory_space<vmem>>
      %dma_wait3A_91 = tpu.memref_squeeze %dma_wait3A_90 : memref<1x128xi32, #tpu.memory_space<vmem>> -> memref<128xi32, #tpu.memory_space<vmem>>
      %dma_wait3A_92 = tpu.memref_slice %arg2[%add3A_4] : memref<16384xi32, #tpu.memory_space<hbm>> -> memref<128xi32, #tpu.memory_space<hbm>>
      %dma_wait3A_93 = arith.constant 0 : i32
      %dma_wait3A_94 = tpu.memref_slice %arg10[%run_scoped3A, %dma_wait3A_93] : memref<4x128xi32, #tpu.memory_space<vmem>> -> memref<1x128xi32, #tpu.memory_space<vmem>>
      %dma_wait3A_95 = tpu.memref_squeeze %dma_wait3A_94 : memref<1x128xi32, #tpu.memory_space<vmem>> -> memref<128xi32, #tpu.memory_space<vmem>>
      %dma_wait3A_96 = tpu.memref_slice %arg2[%add3A_4] : memref<16384xi32, #tpu.memory_space<hbm>> -> memref<128xi32, #tpu.memory_space<hbm>>
      tpu.wait_dma2 semaphore(%run_scoped3A_80 : memref<!tpu.dma_semaphore, #tpu.memory_space<semaphore_mem>>) src(%dma_wait3A_96 : memref<128xi32, #tpu.memory_space<hbm>>) dst(%dma_wait3A_95 : memref<128xi32, #tpu.memory_space<vmem>>)
      tpu.yield
    }) : () -> ()
    %add3A_5 = arith.constant 128 : i32
    %add3A_6 = arith.addi %mul3A_2, %add3A_5 : i32
    %run_scoped3A_7 = arith.constant 1 : i32
    "tpu.region"() ({
      %run_scoped3A_80 = tpu.sem_alloc : memref<!tpu.dma_semaphore, #tpu.memory_space<semaphore_mem>>
      %dma_start3A_81 = arith.constant 0 : i32
      %dma_start3A_82 = tpu.memref_slice %arg10[%run_scoped3A_7, %dma_start3A_81] : memref<4x128xi32, #tpu.memory_space<vmem>> -> memref<1x128xi32, #tpu.memory_space<vmem>>
      %dma_start3A_83 = tpu.memref_squeeze %dma_start3A_82 : memref<1x128xi32, #tpu.memory_space<vmem>> -> memref<128xi32, #tpu.memory_space<vmem>>
      %dma_start3A_84 = tpu.memref_slice %arg2[%add3A_6] : memref<16384xi32, #tpu.memory_space<hbm>> -> memref<128xi32, #tpu.memory_space<hbm>>
      %dma_start3A_85 = arith.constant 0 : i32
      %dma_start3A_86 = tpu.memref_slice %arg10[%run_scoped3A_7, %dma_start3A_85] : memref<4x128xi32, #tpu.memory_space<vmem>> -> memref<1x128xi32, #tpu.memory_space<vmem>>
      %dma_start3A_87 = tpu.memref_squeeze %dma_start3A_86 : memref<1x128xi32, #tpu.memory_space<vmem>> -> memref<128xi32, #tpu.memory_space<vmem>>
      %dma_start3A_88 = tpu.memref_slice %arg2[%add3A_6] : memref<16384xi32, #tpu.memory_space<hbm>> -> memref<128xi32, #tpu.memory_space<hbm>>
      tpu.enqueue_dma source(%dma_start3A_88 : memref<128xi32, #tpu.memory_space<hbm>>) target(%dma_start3A_87 : memref<128xi32, #tpu.memory_space<vmem>>) target_semaphore(%run_scoped3A_80 : memref<!tpu.dma_semaphore, #tpu.memory_space<semaphore_mem>>)
      %dma_wait3A_89 = arith.constant 0 : i32
      %dma_wait3A_90 = tpu.memref_slice %arg10[%run_scoped3A_7, %dma_wait3A_89] : memref<4x128xi32, #tpu.memory_space<vmem>> -> memref<1x128xi32, #tpu.memory_space<vmem>>
      %dma_wait3A_91 = tpu.memref_squeeze %dma_wait3A_90 : memref<1x128xi32, #tpu.memory_space<vmem>> -> memref<128xi32, #tpu.memory_space<vmem>>
      %dma_wait3A_92 = tpu.memref_slice %arg2[%add3A_6] : memref<16384xi32, #tpu.memory_space<hbm>> -> memref<128xi32, #tpu.memory_space<hbm>>
      %dma_wait3A_93 = arith.constant 0 : i32
      %dma_wait3A_94 = tpu.memref_slice %arg10[%run_scoped3A_7, %dma_wait3A_93] : memref<4x128xi32, #tpu.memory_space<vmem>> -> memref<1x128xi32, #tpu.memory_space<vmem>>
      %dma_wait3A_95 = tpu.memref_squeeze %dma_wait3A_94 : memref<1x128xi32, #tpu.memory_space<vmem>> -> memref<128xi32, #tpu.memory_space<vmem>>
      %dma_wait3A_96 = tpu.memref_slice %arg2[%add3A_6] : memref<16384xi32, #tpu.memory_space<hbm>> -> memref<128xi32, #tpu.memory_space<hbm>>
      tpu.wait_dma2 semaphore(%run_scoped3A_80 : memref<!tpu.dma_semaphore, #tpu.memory_space<semaphore_mem>>) src(%dma_wait3A_96 : memref<128xi32, #tpu.memory_space<hbm>>) dst(%dma_wait3A_95 : memref<128xi32, #tpu.memory_space<vmem>>)
      tpu.yield
    }) : () -> ()
    %add3A_8 = arith.constant 256 : i32
    %add3A_9 = arith.addi %mul3A_2, %add3A_8 : i32
    %run_scoped3A_10 = arith.constant 2 : i32
    "tpu.region"() ({
      %run_scoped3A_80 = tpu.sem_alloc : memref<!tpu.dma_semaphore, #tpu.memory_space<semaphore_mem>>
      %dma_start3A_81 = arith.constant 0 : i32
      %dma_start3A_82 = tpu.memref_slice %arg10[%run_scoped3A_10, %dma_start3A_81] : memref<4x128xi32, #tpu.memory_space<vmem>> -> memref<1x128xi32, #tpu.memory_space<vmem>>
      %dma_start3A_83 = tpu.memref_squeeze %dma_start3A_82 : memref<1x128xi32, #tpu.memory_space<vmem>> -> memref<128xi32, #tpu.memory_space<vmem>>
      %dma_start3A_84 = tpu.memref_slice %arg2[%add3A_9] : memref<16384xi32, #tpu.memory_space<hbm>> -> memref<128xi32, #tpu.memory_space<hbm>>
      %dma_start3A_85 = arith.constant 0 : i32
      %dma_start3A_86 = tpu.memref_slice %arg10[%run_scoped3A_10, %dma_start3A_85] : memref<4x128xi32, #tpu.memory_space<vmem>> -> memref<1x128xi32, #tpu.memory_space<vmem>>
      %dma_start3A_87 = tpu.memref_squeeze %dma_start3A_86 : memref<1x128xi32, #tpu.memory_space<vmem>> -> memref<128xi32, #tpu.memory_space<vmem>>
      %dma_start3A_88 = tpu.memref_slice %arg2[%add3A_9] : memref<16384xi32, #tpu.memory_space<hbm>> -> memref<128xi32, #tpu.memory_space<hbm>>
      tpu.enqueue_dma source(%dma_start3A_88 : memref<128xi32, #tpu.memory_space<hbm>>) target(%dma_start3A_87 : memref<128xi32, #tpu.memory_space<vmem>>) target_semaphore(%run_scoped3A_80 : memref<!tpu.dma_semaphore, #tpu.memory_space<semaphore_mem>>)
      %dma_wait3A_89 = arith.constant 0 : i32
      %dma_wait3A_90 = tpu.memref_slice %arg10[%run_scoped3A_10, %dma_wait3A_89] : memref<4x128xi32, #tpu.memory_space<vmem>> -> memref<1x128xi32, #tpu.memory_space<vmem>>
      %dma_wait3A_91 = tpu.memref_squeeze %dma_wait3A_90 : memref<1x128xi32, #tpu.memory_space<vmem>> -> memref<128xi32, #tpu.memory_space<vmem>>
      %dma_wait3A_92 = tpu.memref_slice %arg2[%add3A_9] : memref<16384xi32, #tpu.memory_space<hbm>> -> memref<128xi32, #tpu.memory_space<hbm>>
      %dma_wait3A_93 = arith.constant 0 : i32
      %dma_wait3A_94 = tpu.memref_slice %arg10[%run_scoped3A_10, %dma_wait3A_93] : memref<4x128xi32, #tpu.memory_space<vmem>> -> memref<1x128xi32, #tpu.memory_space<vmem>>
      %dma_wait3A_95 = tpu.memref_squeeze %dma_wait3A_94 : memref<1x128xi32, #tpu.memory_space<vmem>> -> memref<128xi32, #tpu.memory_space<vmem>>
      %dma_wait3A_96 = tpu.memref_slice %arg2[%add3A_9] : memref<16384xi32, #tpu.memory_space<hbm>> -> memref<128xi32, #tpu.memory_space<hbm>>
      tpu.wait_dma2 semaphore(%run_scoped3A_80 : memref<!tpu.dma_semaphore, #tpu.memory_space<semaphore_mem>>) src(%dma_wait3A_96 : memref<128xi32, #tpu.memory_space<hbm>>) dst(%dma_wait3A_95 : memref<128xi32, #tpu.memory_space<vmem>>)
      tpu.yield
    }) : () -> ()
    %add3A_11 = arith.constant 384 : i32
    %add3A_12 = arith.addi %mul3A_2, %add3A_11 : i32
    %run_scoped3A_13 = arith.constant 3 : i32
    "tpu.region"() ({
      %run_scoped3A_80 = tpu.sem_alloc : memref<!tpu.dma_semaphore, #tpu.memory_space<semaphore_mem>>
      %dma_start3A_81 = arith.constant 0 : i32
      %dma_start3A_82 = tpu.memref_slice %arg10[%run_scoped3A_13, %dma_start3A_81] : memref<4x128xi32, #tpu.memory_space<vmem>> -> memref<1x128xi32, #tpu.memory_space<vmem>>
      %dma_start3A_83 = tpu.memref_squeeze %dma_start3A_82 : memref<1x128xi32, #tpu.memory_space<vmem>> -> memref<128xi32, #tpu.memory_space<vmem>>
      %dma_start3A_84 = tpu.memref_slice %arg2[%add3A_12] : memref<16384xi32, #tpu.memory_space<hbm>> -> memref<128xi32, #tpu.memory_space<hbm>>
      %dma_start3A_85 = arith.constant 0 : i32
      %dma_start3A_86 = tpu.memref_slice %arg10[%run_scoped3A_13, %dma_start3A_85] : memref<4x128xi32, #tpu.memory_space<vmem>> -> memref<1x128xi32, #tpu.memory_space<vmem>>
      %dma_start3A_87 = tpu.memref_squeeze %dma_start3A_86 : memref<1x128xi32, #tpu.memory_space<vmem>> -> memref<128xi32, #tpu.memory_space<vmem>>
      %dma_start3A_88 = tpu.memref_slice %arg2[%add3A_12] : memref<16384xi32, #tpu.memory_space<hbm>> -> memref<128xi32, #tpu.memory_space<hbm>>
      tpu.enqueue_dma source(%dma_start3A_88 : memref<128xi32, #tpu.memory_space<hbm>>) target(%dma_start3A_87 : memref<128xi32, #tpu.memory_space<vmem>>) target_semaphore(%run_scoped3A_80 : memref<!tpu.dma_semaphore, #tpu.memory_space<semaphore_mem>>)
      %dma_wait3A_89 = arith.constant 0 : i32
      %dma_wait3A_90 = tpu.memref_slice %arg10[%run_scoped3A_13, %dma_wait3A_89] : memref<4x128xi32, #tpu.memory_space<vmem>> -> memref<1x128xi32, #tpu.memory_space<vmem>>
      %dma_wait3A_91 = tpu.memref_squeeze %dma_wait3A_90 : memref<1x128xi32, #tpu.memory_space<vmem>> -> memref<128xi32, #tpu.memory_space<vmem>>
      %dma_wait3A_92 = tpu.memref_slice %arg2[%add3A_12] : memref<16384xi32, #tpu.memory_space<hbm>> -> memref<128xi32, #tpu.memory_space<hbm>>
      %dma_wait3A_93 = arith.constant 0 : i32
      %dma_wait3A_94 = tpu.memref_slice %arg10[%run_scoped3A_13, %dma_wait3A_93] : memref<4x128xi32, #tpu.memory_space<vmem>> -> memref<1x128xi32, #tpu.memory_space<vmem>>
      %dma_wait3A_95 = tpu.memref_squeeze %dma_wait3A_94 : memref<1x128xi32, #tpu.memory_space<vmem>> -> memref<128xi32, #tpu.memory_space<vmem>>
      %dma_wait3A_96 = tpu.memref_slice %arg2[%add3A_12] : memref<16384xi32, #tpu.memory_space<hbm>> -> memref<128xi32, #tpu.memory_space<hbm>>
      tpu.wait_dma2 semaphore(%run_scoped3A_80 : memref<!tpu.dma_semaphore, #tpu.memory_space<semaphore_mem>>) src(%dma_wait3A_96 : memref<128xi32, #tpu.memory_space<hbm>>) dst(%dma_wait3A_95 : memref<128xi32, #tpu.memory_space<vmem>>)
      tpu.yield
    }) : () -> ()
    %dma_start3A = arith.constant 0 : i32
    %dma_start3A_14 = arith.constant 0 : i32
    %dma_start3A_15 = arith.constant 0 : i32
    %dma_start3A_16 = tpu.memref_slice %arg11[%dma_start3A_14, %dma_start3A_15] : memref<512x32xf32, #tpu.memory_space<vmem>> -> memref<128x32xf32, #tpu.memory_space<vmem>>
    %dma_start3A_17 = arith.constant 0 : i32
    %dma_start3A_18 = tpu.memref_slice %arg10[%dma_start3A, %dma_start3A_17] : memref<4x128xi32, #tpu.memory_space<vmem>> -> memref<1x128xi32, #tpu.memory_space<vmem>>
    %dma_start3A_19 = tpu.memref_squeeze %dma_start3A_18 : memref<1x128xi32, #tpu.memory_space<vmem>> -> memref<128xi32, #tpu.memory_space<vmem>>
    %dma_start3A_20 = arith.constant 0 : i32
    %dma_start3A_21 = arith.constant 0 : i32
    %dma_start3A_22 = tpu.memref_slice %arg5[%dma_start3A_20, %dma_start3A_21] : memref<131072x32xf32, #tpu.memory_space<hbm>> -> memref<131072x32xf32, #tpu.memory_space<hbm>>
    tpu.enqueue_indirect_dma source(%dma_start3A_22 : memref<131072x32xf32, #tpu.memory_space<hbm>>) target(%dma_start3A_16 : memref<128x32xf32, #tpu.memory_space<vmem>>) offsets(%dma_start3A_19 : memref<128xi32, #tpu.memory_space<vmem>>) semaphore(%arg16 : memref<!tpu.dma_semaphore, #tpu.memory_space<semaphore_mem>>)
    %dma_start3A_23 = arith.constant 1 : i32
    %dma_start3A_24 = arith.constant 128 : i32
    %dma_start3A_25 = arith.constant 0 : i32
    %dma_start3A_26 = tpu.memref_slice %arg11[%dma_start3A_24, %dma_start3A_25] : memref<512x32xf32, #tpu.memory_space<vmem>> -> memref<128x32xf32, #tpu.memory_space<vmem>>
    %dma_start3A_27 = arith.constant 0 : i32
    %dma_start3A_28 = tpu.memref_slice %arg10[%dma_start3A_23, %dma_start3A_27] : memref<4x128xi32, #tpu.memory_space<vmem>> -> memref<1x128xi32, #tpu.memory_space<vmem>>
    %dma_start3A_29 = tpu.memref_squeeze %dma_start3A_28 : memref<1x128xi32, #tpu.memory_space<vmem>> -> memref<128xi32, #tpu.memory_space<vmem>>
    %dma_start3A_30 = arith.constant 0 : i32
    %dma_start3A_31 = arith.constant 0 : i32
    %dma_start3A_32 = tpu.memref_slice %arg5[%dma_start3A_30, %dma_start3A_31] : memref<131072x32xf32, #tpu.memory_space<hbm>> -> memref<131072x32xf32, #tpu.memory_space<hbm>>
    tpu.enqueue_indirect_dma source(%dma_start3A_32 : memref<131072x32xf32, #tpu.memory_space<hbm>>) target(%dma_start3A_26 : memref<128x32xf32, #tpu.memory_space<vmem>>) offsets(%dma_start3A_29 : memref<128xi32, #tpu.memory_space<vmem>>) semaphore(%arg16 : memref<!tpu.dma_semaphore, #tpu.memory_space<semaphore_mem>>)
    %dma_start3A_33 = arith.constant 2 : i32
    %dma_start3A_34 = arith.constant 256 : i32
    %dma_start3A_35 = arith.constant 0 : i32
    %dma_start3A_36 = tpu.memref_slice %arg11[%dma_start3A_34, %dma_start3A_35] : memref<512x32xf32, #tpu.memory_space<vmem>> -> memref<128x32xf32, #tpu.memory_space<vmem>>
    %dma_start3A_37 = arith.constant 0 : i32
    %dma_start3A_38 = tpu.memref_slice %arg10[%dma_start3A_33, %dma_start3A_37] : memref<4x128xi32, #tpu.memory_space<vmem>> -> memref<1x128xi32, #tpu.memory_space<vmem>>
    %dma_start3A_39 = tpu.memref_squeeze %dma_start3A_38 : memref<1x128xi32, #tpu.memory_space<vmem>> -> memref<128xi32, #tpu.memory_space<vmem>>
    %dma_start3A_40 = arith.constant 0 : i32
    %dma_start3A_41 = arith.constant 0 : i32
    %dma_start3A_42 = tpu.memref_slice %arg5[%dma_start3A_40, %dma_start3A_41] : memref<131072x32xf32, #tpu.memory_space<hbm>> -> memref<131072x32xf32, #tpu.memory_space<hbm>>
    tpu.enqueue_indirect_dma source(%dma_start3A_42 : memref<131072x32xf32, #tpu.memory_space<hbm>>) target(%dma_start3A_36 : memref<128x32xf32, #tpu.memory_space<vmem>>) offsets(%dma_start3A_39 : memref<128xi32, #tpu.memory_space<vmem>>) semaphore(%arg16 : memref<!tpu.dma_semaphore, #tpu.memory_space<semaphore_mem>>)
    %dma_start3A_43 = arith.constant 3 : i32
    %dma_start3A_44 = arith.constant 384 : i32
    %dma_start3A_45 = arith.constant 0 : i32
    %dma_start3A_46 = tpu.memref_slice %arg11[%dma_start3A_44, %dma_start3A_45] : memref<512x32xf32, #tpu.memory_space<vmem>> -> memref<128x32xf32, #tpu.memory_space<vmem>>
    %dma_start3A_47 = arith.constant 0 : i32
    %dma_start3A_48 = tpu.memref_slice %arg10[%dma_start3A_43, %dma_start3A_47] : memref<4x128xi32, #tpu.memory_space<vmem>> -> memref<1x128xi32, #tpu.memory_space<vmem>>
    %dma_start3A_49 = tpu.memref_squeeze %dma_start3A_48 : memref<1x128xi32, #tpu.memory_space<vmem>> -> memref<128xi32, #tpu.memory_space<vmem>>
    %dma_start3A_50 = arith.constant 0 : i32
    %dma_start3A_51 = arith.constant 0 : i32
    %dma_start3A_52 = tpu.memref_slice %arg5[%dma_start3A_50, %dma_start3A_51] : memref<131072x32xf32, #tpu.memory_space<hbm>> -> memref<131072x32xf32, #tpu.memory_space<hbm>>
    tpu.enqueue_indirect_dma source(%dma_start3A_52 : memref<131072x32xf32, #tpu.memory_space<hbm>>) target(%dma_start3A_46 : memref<128x32xf32, #tpu.memory_space<vmem>>) offsets(%dma_start3A_49 : memref<128xi32, #tpu.memory_space<vmem>>) semaphore(%arg16 : memref<!tpu.dma_semaphore, #tpu.memory_space<semaphore_mem>>)
    "tpu.region"() ({
      %run_scoped3A_80 = tpu.sem_alloc : memref<!tpu.dma_semaphore, #tpu.memory_space<semaphore_mem>>
      %dma_start3A_81 = tpu.memref_slice %arg4[%mul3A_2] : memref<16384xi32, #tpu.memory_space<hbm>> -> memref<512xi32, #tpu.memory_space<hbm>>
      %dma_start3A_82 = tpu.memref_slice %arg4[%mul3A_2] : memref<16384xi32, #tpu.memory_space<hbm>> -> memref<512xi32, #tpu.memory_space<hbm>>
      tpu.enqueue_dma source(%dma_start3A_82 : memref<512xi32, #tpu.memory_space<hbm>>) target(%arg12 : memref<512xi32, #tpu.memory_space<vmem>>) target_semaphore(%run_scoped3A_80 : memref<!tpu.dma_semaphore, #tpu.memory_space<semaphore_mem>>)
      %dma_wait3A_83 = tpu.memref_slice %arg4[%mul3A_2] : memref<16384xi32, #tpu.memory_space<hbm>> -> memref<512xi32, #tpu.memory_space<hbm>>
      %dma_wait3A_84 = tpu.memref_slice %arg4[%mul3A_2] : memref<16384xi32, #tpu.memory_space<hbm>> -> memref<512xi32, #tpu.memory_space<hbm>>
      tpu.wait_dma2 semaphore(%run_scoped3A_80 : memref<!tpu.dma_semaphore, #tpu.memory_space<semaphore_mem>>) src(%dma_wait3A_84 : memref<512xi32, #tpu.memory_space<hbm>>) dst(%arg12 : memref<512xi32, #tpu.memory_space<vmem>>)
      tpu.yield
    }) : () -> ()
    %mul3A_53 = arith.constant 256 : i32
    %mul3A_54 = arith.muli %add3A, %mul3A_53 : i32
    %add3A_55 = arith.constant 0 : i32
    %add3A_56 = arith.addi %mul3A_54, %add3A_55 : i32
    %run_scoped3A_57 = arith.constant 0 : i32
    "tpu.region"() ({
      %run_scoped3A_80 = tpu.sem_alloc : memref<!tpu.dma_semaphore, #tpu.memory_space<semaphore_mem>>
      %dma_start3A_81 = arith.constant 0 : i32
      %dma_start3A_82 = arith.constant 0 : i32
      %dma_start3A_83 = tpu.memref_slice %arg8[%run_scoped3A_57, %dma_start3A_81, %dma_start3A_82] : memref<2x16x100xi32, #tpu.memory_space<vmem>> -> memref<1x16x100xi32, #tpu.memory_space<vmem>>
      %dma_start3A_84 = tpu.memref_squeeze %dma_start3A_83 : memref<1x16x100xi32, #tpu.memory_space<vmem>> -> memref<16x100xi32, #tpu.memory_space<vmem>>
      %dma_start3A_85 = arith.constant 0 : i32
      %dma_start3A_86 = tpu.memref_slice %arg3[%add3A_56, %dma_start3A_85] : memref<8192x100xi32, #tpu.memory_space<hbm>> -> memref<16x100xi32, #tpu.memory_space<hbm>>
      %dma_start3A_87 = arith.constant 0 : i32
      %dma_start3A_88 = arith.constant 0 : i32
      %dma_start3A_89 = tpu.memref_slice %arg8[%run_scoped3A_57, %dma_start3A_87, %dma_start3A_88] : memref<2x16x100xi32, #tpu.memory_space<vmem>> -> memref<1x16x100xi32, #tpu.memory_space<vmem>>
      %dma_start3A_90 = tpu.memref_squeeze %dma_start3A_89 : memref<1x16x100xi32, #tpu.memory_space<vmem>> -> memref<16x100xi32, #tpu.memory_space<vmem>>
      %dma_start3A_91 = arith.constant 0 : i32
      %dma_start3A_92 = tpu.memref_slice %arg3[%add3A_56, %dma_start3A_91] : memref<8192x100xi32, #tpu.memory_space<hbm>> -> memref<16x100xi32, #tpu.memory_space<hbm>>
      tpu.enqueue_dma source(%dma_start3A_92 : memref<16x100xi32, #tpu.memory_space<hbm>>) target(%dma_start3A_90 : memref<16x100xi32, #tpu.memory_space<vmem>>) target_semaphore(%run_scoped3A_80 : memref<!tpu.dma_semaphore, #tpu.memory_space<semaphore_mem>>)
      %dma_wait3A_93 = arith.constant 0 : i32
      %dma_wait3A_94 = arith.constant 0 : i32
      %dma_wait3A_95 = tpu.memref_slice %arg8[%run_scoped3A_57, %dma_wait3A_93, %dma_wait3A_94] : memref<2x16x100xi32, #tpu.memory_space<vmem>> -> memref<1x16x100xi32, #tpu.memory_space<vmem>>
      %dma_wait3A_96 = tpu.memref_squeeze %dma_wait3A_95 : memref<1x16x100xi32, #tpu.memory_space<vmem>> -> memref<16x100xi32, #tpu.memory_space<vmem>>
      %dma_wait3A_97 = arith.constant 0 : i32
      %dma_wait3A_98 = tpu.memref_slice %arg3[%add3A_56, %dma_wait3A_97] : memref<8192x100xi32, #tpu.memory_space<hbm>> -> memref<16x100xi32, #tpu.memory_space<hbm>>
      %dma_wait3A_99 = arith.constant 0 : i32
      %dma_wait3A_100 = arith.constant 0 : i32
      %dma_wait3A_101 = tpu.memref_slice %arg8[%run_scoped3A_57, %dma_wait3A_99, %dma_wait3A_100] : memref<2x16x100xi32, #tpu.memory_space<vmem>> -> memref<1x16x100xi32, #tpu.memory_space<vmem>>
      %dma_wait3A_102 = tpu.memref_squeeze %dma_wait3A_101 : memref<1x16x100xi32, #tpu.memory_space<vmem>> -> memref<16x100xi32, #tpu.memory_space<vmem>>
      %dma_wait3A_103 = arith.constant 0 : i32
      %dma_wait3A_104 = tpu.memref_slice %arg3[%add3A_56, %dma_wait3A_103] : memref<8192x100xi32, #tpu.memory_space<hbm>> -> memref<16x100xi32, #tpu.memory_space<hbm>>
      tpu.wait_dma2 semaphore(%run_scoped3A_80 : memref<!tpu.dma_semaphore, #tpu.memory_space<semaphore_mem>>) src(%dma_wait3A_104 : memref<16x100xi32, #tpu.memory_space<hbm>>) dst(%dma_wait3A_102 : memref<16x100xi32, #tpu.memory_space<vmem>>)
      tpu.yield
    }) : () -> ()
    %scan3A = arith.constant 0 : i32
    %scan3A_58 = arith.constant 0 : i32
    %scan3A_59 = arith.constant 16 : i32
    %scan3A_60 = arith.addi %scan3A_58, %scan3A_59 : i32
    %scan3A_61 = arith.constant 1 : i32
    scf.for %scan3A_80 = %scan3A_58 to %scan3A_60 step %scan3A_61  : i32 {
      %mul3A_81 = arith.constant 100 : i32
      %mul3A_82 = arith.muli %scan3A_80, %mul3A_81 : i32
      %dma_start3A_83 = arith.constant 0 : i32
      %dma_start3A_84 = arith.constant 0 : i32
      %dma_start3A_85 = arith.constant 0 : i32
      %dma_start3A_86 = tpu.memref_slice %arg9[%dma_start3A_84, %mul3A_82, %dma_start3A_85] : memref<2x1600x32xf32, #tpu.memory_space<vmem>> -> memref<1x100x32xf32, #tpu.memory_space<vmem>>
      %dma_start3A_87 = tpu.memref_squeeze %dma_start3A_86 : memref<1x100x32xf32, #tpu.memory_space<vmem>> -> memref<100x32xf32, #tpu.memory_space<vmem>>
      %dma_start3A_88 = arith.constant 0 : i32
      %dma_start3A_89 = tpu.memref_slice %arg8[%dma_start3A_83, %scan3A_80, %dma_start3A_88] : memref<2x16x100xi32, #tpu.memory_space<vmem>> -> memref<1x1x100xi32, #tpu.memory_space<vmem>>
      %dma_start3A_90 = tpu.memref_squeeze %dma_start3A_89 : memref<1x1x100xi32, #tpu.memory_space<vmem>> -> memref<100xi32, #tpu.memory_space<vmem>>
      %dma_start3A_91 = arith.constant 0 : i32
      %dma_start3A_92 = arith.constant 0 : i32
      %dma_start3A_93 = tpu.memref_slice %arg6[%dma_start3A_91, %dma_start3A_92] : memref<1048576x32xf32, #tpu.memory_space<hbm>> -> memref<1048576x32xf32, #tpu.memory_space<hbm>>
      tpu.enqueue_indirect_dma source(%dma_start3A_93 : memref<1048576x32xf32, #tpu.memory_space<hbm>>) target(%dma_start3A_87 : memref<100x32xf32, #tpu.memory_space<vmem>>) offsets(%dma_start3A_90 : memref<100xi32, #tpu.memory_space<vmem>>) semaphore(%arg14 : memref<!tpu.dma_semaphore, #tpu.memory_space<semaphore_mem>>)
    }
    %scan3A_62 = arith.constant 16 : i32
    %dma_wait3A = arith.constant 0 : i32
    %dma_wait3A_63 = arith.constant 0 : i32
    %dma_wait3A_64 = tpu.memref_slice %arg5[%dma_wait3A, %dma_wait3A_63] : memref<131072x32xf32, #tpu.memory_space<hbm>> -> memref<512x32xf32, #tpu.memory_space<hbm>>
    %dma_wait3A_65 = arith.constant 0 : i32
    %dma_wait3A_66 = arith.constant 0 : i32
    %dma_wait3A_67 = tpu.memref_slice %arg5[%dma_wait3A_65, %dma_wait3A_66] : memref<131072x32xf32, #tpu.memory_space<hbm>> -> memref<512x32xf32, #tpu.memory_space<hbm>>
    tpu.wait_dma2 semaphore(%arg16 : memref<!tpu.dma_semaphore, #tpu.memory_space<semaphore_mem>>) src(%dma_wait3A_67 : memref<512x32xf32, #tpu.memory_space<hbm>>) dst(%arg11 : memref<512x32xf32, #tpu.memory_space<vmem>>)
    %iota3A = tpu.iota {dimensions = array<i32: 0>} : vector<16xi32>
    %scan3A_68 = arith.constant 0 : i32
    %scan3A_69 = arith.constant 0 : i32
    %scan3A_70 = arith.constant 8 : i32
    %scan3A_71 = arith.addi %scan3A_69, %scan3A_70 : i32
    %scan3A_72 = arith.constant 1 : i32
    scf.for %scan3A_80 = %scan3A_69 to %scan3A_71 step %scan3A_72  : i32 {
      %mul3A_81 = arith.constant 2 : i32
      %mul3A_82 = arith.muli %scan3A_80, %mul3A_81 : i32
      %add3A_83 = arith.constant 0 : i32
      %add3A_84 = arith.addi %mul3A_82, %add3A_83 : i32
      %add3A_85 = arith.constant 1 : i32
      %add3A_86 = arith.addi %add3A_84, %add3A_85 : i32
      %lt3A = arith.constant 16 : i32
      %lt3A_87 = arith.cmpi slt, %add3A_86, %lt3A : i32
      %convert_element_type3A = arith.extui %lt3A_87 : i1 to i32
      %cond3A = arith.constant 0 : i32
      %cond3A_88 = arith.cmpi ne, %convert_element_type3A, %cond3A : i32
      scf.if %cond3A_88 {
        %add3A_145 = arith.constant 1 : i32
        %add3A_146 = arith.addi %add3A_84, %add3A_145 : i32
        %mul3A_147 = arith.constant 256 : i32
        %mul3A_148 = arith.muli %add3A, %mul3A_147 : i32
        %mul3A_149 = arith.constant 16 : i32
        %mul3A_150 = arith.muli %add3A_146, %mul3A_149 : i32
        %add3A_151 = arith.addi %mul3A_148, %mul3A_150 : i32
        %run_scoped3A_152 = arith.constant 1 : i32
        "tpu.region"() ({
          %run_scoped3A_159 = tpu.sem_alloc : memref<!tpu.dma_semaphore, #tpu.memory_space<semaphore_mem>>
          %dma_start3A_160 = arith.constant 0 : i32
          %dma_start3A_161 = arith.constant 0 : i32
          %dma_start3A_162 = tpu.memref_slice %arg8[%run_scoped3A_152, %dma_start3A_160, %dma_start3A_161] : memref<2x16x100xi32, #tpu.memory_space<vmem>> -> memref<1x16x100xi32, #tpu.memory_space<vmem>>
          %dma_start3A_163 = tpu.memref_squeeze %dma_start3A_162 : memref<1x16x100xi32, #tpu.memory_space<vmem>> -> memref<16x100xi32, #tpu.memory_space<vmem>>
          %dma_start3A_164 = arith.constant 0 : i32
          %dma_start3A_165 = tpu.memref_slice %arg3[%add3A_151, %dma_start3A_164] : memref<8192x100xi32, #tpu.memory_space<hbm>> -> memref<16x100xi32, #tpu.memory_space<hbm>>
          %dma_start3A_166 = arith.constant 0 : i32
          %dma_start3A_167 = arith.constant 0 : i32
          %dma_start3A_168 = tpu.memref_slice %arg8[%run_scoped3A_152, %dma_start3A_166, %dma_start3A_167] : memref<2x16x100xi32, #tpu.memory_space<vmem>> -> memref<1x16x100xi32, #tpu.memory_space<vmem>>
          %dma_start3A_169 = tpu.memref_squeeze %dma_start3A_168 : memref<1x16x100xi32, #tpu.memory_space<vmem>> -> memref<16x100xi32, #tpu.memory_space<vmem>>
          %dma_start3A_170 = arith.constant 0 : i32
          %dma_start3A_171 = tpu.memref_slice %arg3[%add3A_151, %dma_start3A_170] : memref<8192x100xi32, #tpu.memory_space<hbm>> -> memref<16x100xi32, #tpu.memory_space<hbm>>
          tpu.enqueue_dma source(%dma_start3A_171 : memref<16x100xi32, #tpu.memory_space<hbm>>) target(%dma_start3A_169 : memref<16x100xi32, #tpu.memory_space<vmem>>) target_semaphore(%run_scoped3A_159 : memref<!tpu.dma_semaphore, #tpu.memory_space<semaphore_mem>>)
          %dma_wait3A_172 = arith.constant 0 : i32
          %dma_wait3A_173 = arith.constant 0 : i32
          %dma_wait3A_174 = tpu.memref_slice %arg8[%run_scoped3A_152, %dma_wait3A_172, %dma_wait3A_173] : memref<2x16x100xi32, #tpu.memory_space<vmem>> -> memref<1x16x100xi32, #tpu.memory_space<vmem>>
          %dma_wait3A_175 = tpu.memref_squeeze %dma_wait3A_174 : memref<1x16x100xi32, #tpu.memory_space<vmem>> -> memref<16x100xi32, #tpu.memory_space<vmem>>
          %dma_wait3A_176 = arith.constant 0 : i32
          %dma_wait3A_177 = tpu.memref_slice %arg3[%add3A_151, %dma_wait3A_176] : memref<8192x100xi32, #tpu.memory_space<hbm>> -> memref<16x100xi32, #tpu.memory_space<hbm>>
          %dma_wait3A_178 = arith.constant 0 : i32
          %dma_wait3A_179 = arith.constant 0 : i32
          %dma_wait3A_180 = tpu.memref_slice %arg8[%run_scoped3A_152, %dma_wait3A_178, %dma_wait3A_179] : memref<2x16x100xi32, #tpu.memory_space<vmem>> -> memref<1x16x100xi32, #tpu.memory_space<vmem>>
          %dma_wait3A_181 = tpu.memref_squeeze %dma_wait3A_180 : memref<1x16x100xi32, #tpu.memory_space<vmem>> -> memref<16x100xi32, #tpu.memory_space<vmem>>
          %dma_wait3A_182 = arith.constant 0 : i32
          %dma_wait3A_183 = tpu.memref_slice %arg3[%add3A_151, %dma_wait3A_182] : memref<8192x100xi32, #tpu.memory_space<hbm>> -> memref<16x100xi32, #tpu.memory_space<hbm>>
          tpu.wait_dma2 semaphore(%run_scoped3A_159 : memref<!tpu.dma_semaphore, #tpu.memory_space<semaphore_mem>>) src(%dma_wait3A_183 : memref<16x100xi32, #tpu.memory_space<hbm>>) dst(%dma_wait3A_181 : memref<16x100xi32, #tpu.memory_space<vmem>>)
          tpu.yield
        }) : () -> ()
        %scan3A_153 = arith.constant 0 : i32
        %scan3A_154 = arith.constant 0 : i32
        %scan3A_155 = arith.constant 16 : i32
        %scan3A_156 = arith.addi %scan3A_154, %scan3A_155 : i32
        %scan3A_157 = arith.constant 1 : i32
        scf.for %scan3A_159 = %scan3A_154 to %scan3A_156 step %scan3A_157  : i32 {
          %mul3A_160 = arith.constant 100 : i32
          %mul3A_161 = arith.muli %scan3A_159, %mul3A_160 : i32
          %dma_start3A_162 = arith.constant 1 : i32
          %dma_start3A_163 = arith.constant 1 : i32
          %dma_start3A_164 = arith.constant 0 : i32
          %dma_start3A_165 = tpu.memref_slice %arg9[%dma_start3A_163, %mul3A_161, %dma_start3A_164] : memref<2x1600x32xf32, #tpu.memory_space<vmem>> -> memref<1x100x32xf32, #tpu.memory_space<vmem>>
          %dma_start3A_166 = tpu.memref_squeeze %dma_start3A_165 : memref<1x100x32xf32, #tpu.memory_space<vmem>> -> memref<100x32xf32, #tpu.memory_space<vmem>>
          %dma_start3A_167 = arith.constant 0 : i32
          %dma_start3A_168 = tpu.memref_slice %arg8[%dma_start3A_162, %scan3A_159, %dma_start3A_167] : memref<2x16x100xi32, #tpu.memory_space<vmem>> -> memref<1x1x100xi32, #tpu.memory_space<vmem>>
          %dma_start3A_169 = tpu.memref_squeeze %dma_start3A_168 : memref<1x1x100xi32, #tpu.memory_space<vmem>> -> memref<100xi32, #tpu.memory_space<vmem>>
          %dma_start3A_170 = arith.constant 0 : i32
          %dma_start3A_171 = arith.constant 0 : i32
          %dma_start3A_172 = tpu.memref_slice %arg6[%dma_start3A_170, %dma_start3A_171] : memref<1048576x32xf32, #tpu.memory_space<hbm>> -> memref<1048576x32xf32, #tpu.memory_space<hbm>>
          tpu.enqueue_indirect_dma source(%dma_start3A_172 : memref<1048576x32xf32, #tpu.memory_space<hbm>>) target(%dma_start3A_166 : memref<100x32xf32, #tpu.memory_space<vmem>>) offsets(%dma_start3A_169 : memref<100xi32, #tpu.memory_space<vmem>>) semaphore(%arg15 : memref<!tpu.dma_semaphore, #tpu.memory_space<semaphore_mem>>)
        }
        %scan3A_158 = arith.constant 16 : i32
      } else {
      }
      %dma_wait3A_89 = arith.constant 0 : i32
      %dma_wait3A_90 = arith.constant 0 : i32
      %dma_wait3A_91 = arith.constant 0 : i32
      %dma_wait3A_92 = tpu.memref_slice %arg9[%dma_wait3A_89, %dma_wait3A_90, %dma_wait3A_91] : memref<2x1600x32xf32, #tpu.memory_space<vmem>> -> memref<1x1600x32xf32, #tpu.memory_space<vmem>>
      %dma_wait3A_93 = tpu.memref_squeeze %dma_wait3A_92 : memref<1x1600x32xf32, #tpu.memory_space<vmem>> -> memref<1600x32xf32, #tpu.memory_space<vmem>>
      %dma_wait3A_94 = arith.constant 0 : i32
      %dma_wait3A_95 = arith.constant 0 : i32
      %dma_wait3A_96 = tpu.memref_slice %arg6[%dma_wait3A_94, %dma_wait3A_95] : memref<1048576x32xf32, #tpu.memory_space<hbm>> -> memref<1600x32xf32, #tpu.memory_space<hbm>>
      %dma_wait3A_97 = arith.constant 0 : i32
      %dma_wait3A_98 = arith.constant 0 : i32
      %dma_wait3A_99 = tpu.memref_slice %arg9[%dma_wait3A_89, %dma_wait3A_97, %dma_wait3A_98] : memref<2x1600x32xf32, #tpu.memory_space<vmem>> -> memref<1x1600x32xf32, #tpu.memory_space<vmem>>
      %dma_wait3A_100 = tpu.memref_squeeze %dma_wait3A_99 : memref<1x1600x32xf32, #tpu.memory_space<vmem>> -> memref<1600x32xf32, #tpu.memory_space<vmem>>
      %dma_wait3A_101 = arith.constant 0 : i32
      %dma_wait3A_102 = arith.constant 0 : i32
      %dma_wait3A_103 = tpu.memref_slice %arg6[%dma_wait3A_101, %dma_wait3A_102] : memref<1048576x32xf32, #tpu.memory_space<hbm>> -> memref<1600x32xf32, #tpu.memory_space<hbm>>
      tpu.wait_dma2 semaphore(%arg14 : memref<!tpu.dma_semaphore, #tpu.memory_space<semaphore_mem>>) src(%dma_wait3A_103 : memref<1600x32xf32, #tpu.memory_space<hbm>>) dst(%dma_wait3A_100 : memref<1600x32xf32, #tpu.memory_space<vmem>>)
      %broadcast_in_dim3A = arith.constant 0.000000e+00 : f32
      %broadcast_in_dim3A_104 = vector.broadcast %broadcast_in_dim3A : f32 to vector<16xf32>
      %scan3A_105 = arith.constant 0 : i32
      %scan3A_106 = arith.constant 32 : i32
      %scan3A_107 = arith.addi %scan3A_105, %scan3A_106 : i32
      %scan3A_108 = arith.constant 1 : i32
      %scan3A_109 = scf.for %scan3A_145 = %scan3A_105 to %scan3A_107 step %scan3A_108 iter_args(%scan3A_146 = %broadcast_in_dim3A_104) -> (vector<16xf32>)  : i32 {
        %mul3A_147 = arith.constant 50 : i32
        %mul3A_148 = arith.muli %scan3A_145, %mul3A_147 : i32
        %get3A = arith.constant 0 : i32
        %get3A_149 = arith.index_cast %get3A : i32 to index
        %get3A_150 = arith.index_cast %mul3A_148 : i32 to index
        %get3A_151 = arith.constant 0 : index
        %get3A_152 = tpu.vector_load %arg9[%get3A_149, %get3A_150, %get3A_151] {strides = array<i32>} : memref<2x1600x32xf32, #tpu.memory_space<vmem>>, vector<1x1x16xf32>,
        %get3A_153 = vector.shape_cast %get3A_152 : vector<1x1x16xf32> to vector<16xf32>
        %get3A_154 = arith.constant 0 : i32
        %get3A_155 = arith.index_cast %get3A_154 : i32 to index
        %get3A_156 = arith.index_cast %mul3A_148 : i32 to index
        %get3A_157 = arith.constant 16 : index
        %get3A_158 = tpu.vector_load %arg9[%get3A_155, %get3A_156, %get3A_157] {strides = array<i32>} : memref<2x1600x32xf32, #tpu.memory_space<vmem>>, vector<1x1x16xf32>,
        %get3A_159 = vector.shape_cast %get3A_158 : vector<1x1x16xf32> to vector<16xf32>
        %add3A_160 = arith.constant 1 : i32
        %add3A_161 = arith.addi %mul3A_148, %add3A_160 : i32
        %get3A_162 = arith.constant 0 : i32
        %get3A_163 = arith.index_cast %get3A_162 : i32 to index
        %get3A_164 = arith.index_cast %add3A_161 : i32 to index
        %get3A_165 = arith.constant 0 : index
        %get3A_166 = tpu.vector_load %arg9[%get3A_163, %get3A_164, %get3A_165] {strides = array<i32>} : memref<2x1600x32xf32, #tpu.memory_space<vmem>>, vector<1x1x16xf32>,
        %get3A_167 = vector.shape_cast %get3A_166 : vector<1x1x16xf32> to vector<16xf32>
        %add3A_168 = arith.constant 1 : i32
        %add3A_169 = arith.addi %mul3A_148, %add3A_168 : i32
        %get3A_170 = arith.constant 0 : i32
        %get3A_171 = arith.index_cast %get3A_170 : i32 to index
        %get3A_172 = arith.index_cast %add3A_169 : i32 to index
        %get3A_173 = arith.constant 16 : index
        %get3A_174 = tpu.vector_load %arg9[%get3A_171, %get3A_172, %get3A_173] {strides = array<i32>} : memref<2x1600x32xf32, #tpu.memory_space<vmem>>, vector<1x1x16xf32>,
        %get3A_175 = vector.shape_cast %get3A_174 : vector<1x1x16xf32> to vector<16xf32>
        %add3A_176 = arith.constant 2 : i32
        %add3A_177 = arith.addi %mul3A_148, %add3A_176 : i32
        %get3A_178 = arith.constant 0 : i32
        %get3A_179 = arith.index_cast %get3A_178 : i32 to index
        %get3A_180 = arith.index_cast %add3A_177 : i32 to index
        %get3A_181 = arith.constant 0 : index
        %get3A_182 = tpu.vector_load %arg9[%get3A_179, %get3A_180, %get3A_181] {strides = array<i32>} : memref<2x1600x32xf32, #tpu.memory_space<vmem>>, vector<1x1x16xf32>,
        %get3A_183 = vector.shape_cast %get3A_182 : vector<1x1x16xf32> to vector<16xf32>
        %add3A_184 = arith.addf %get3A_153, %get3A_183 : vector<16xf32>
        %add3A_185 = arith.constant 2 : i32
        %add3A_186 = arith.addi %mul3A_148, %add3A_185 : i32
        %get3A_187 = arith.constant 0 : i32
        %get3A_188 = arith.index_cast %get3A_187 : i32 to index
        %get3A_189 = arith.index_cast %add3A_186 : i32 to index
        %get3A_190 = arith.constant 16 : index
        %get3A_191 = tpu.vector_load %arg9[%get3A_188, %get3A_189, %get3A_190] {strides = array<i32>} : memref<2x1600x32xf32, #tpu.memory_space<vmem>>, vector<1x1x16xf32>,
        %get3A_192 = vector.shape_cast %get3A_191 : vector<1x1x16xf32> to vector<16xf32>
        %add3A_193 = arith.addf %get3A_159, %get3A_192 : vector<16xf32>
        %add3A_194 = arith.constant 2 : i32
        %add3A_195 = arith.addi %mul3A_148, %add3A_194 : i32
        %add3A_196 = arith.constant 1 : i32
        %add3A_197 = arith.addi %add3A_195, %add3A_196 : i32
        %get3A_198 = arith.constant 0 : i32
        %get3A_199 = arith.index_cast %get3A_198 : i32 to index
        %get3A_200 = arith.index_cast %add3A_197 : i32 to index
        %get3A_201 = arith.constant 0 : index
        %get3A_202 = tpu.vector_load %arg9[%get3A_199, %get3A_200, %get3A_201] {strides = array<i32>} : memref<2x1600x32xf32, #tpu.memory_space<vmem>>, vector<1x1x16xf32>,
        %get3A_203 = vector.shape_cast %get3A_202 : vector<1x1x16xf32> to vector<16xf32>
        %add3A_204 = arith.addf %get3A_167, %get3A_203 : vector<16xf32>
        %add3A_205 = arith.constant 2 : i32
        %add3A_206 = arith.addi %mul3A_148, %add3A_205 : i32
        %add3A_207 = arith.constant 1 : i32
        %add3A_208 = arith.addi %add3A_206, %add3A_207 : i32
        %get3A_209 = arith.constant 0 : i32
        %get3A_210 = arith.index_cast %get3A_209 : i32 to index
        %get3A_211 = arith.index_cast %add3A_208 : i32 to index
        %get3A_212 = arith.constant 16 : index
        %get3A_213 = tpu.vector_load %arg9[%get3A_210, %get3A_211, %get3A_212] {strides = array<i32>} : memref<2x1600x32xf32, #tpu.memory_space<vmem>>, vector<1x1x16xf32>,
        %get3A_214 = vector.shape_cast %get3A_213 : vector<1x1x16xf32> to vector<16xf32>
        %add3A_215 = arith.addf %get3A_175, %get3A_214 : vector<16xf32>
        %add3A_216 = arith.constant 4 : i32
        %add3A_217 = arith.addi %mul3A_148, %add3A_216 : i32
        %get3A_218 = arith.constant 0 : i32
        %get3A_219 = arith.index_cast %get3A_218 : i32 to index
        %get3A_220 = arith.index_cast %add3A_217 : i32 to index
        %get3A_221 = arith.constant 0 : index
        %get3A_222 = tpu.vector_load %arg9[%get3A_219, %get3A_220, %get3A_221] {strides = array<i32>} : memref<2x1600x32xf32, #tpu.memory_space<vmem>>, vector<1x1x16xf32>,
        %get3A_223 = vector.shape_cast %get3A_222 : vector<1x1x16xf32> to vector<16xf32>
        %add3A_224 = arith.addf %add3A_184, %get3A_223 : vector<16xf32>
        %add3A_225 = arith.constant 4 : i32
        %add3A_226 = arith.addi %mul3A_148, %add3A_225 : i32
        %get3A_227 = arith.constant 0 : i32
        %get3A_228 = arith.index_cast %get3A_227 : i32 to index
        %get3A_229 = arith.index_cast %add3A_226 : i32 to index
        %get3A_230 = arith.constant 16 : index
        %get3A_231 = tpu.vector_load %arg9[%get3A_228, %get3A_229, %get3A_230] {strides = array<i32>} : memref<2x1600x32xf32, #tpu.memory_space<vmem>>, vector<1x1x16xf32>,
        %get3A_232 = vector.shape_cast %get3A_231 : vector<1x1x16xf32> to vector<16xf32>
        %add3A_233 = arith.addf %add3A_193, %get3A_232 : vector<16xf32>
        %add3A_234 = arith.constant 4 : i32
        %add3A_235 = arith.addi %mul3A_148, %add3A_234 : i32
        %add3A_236 = arith.constant 1 : i32
        %add3A_237 = arith.addi %add3A_235, %add3A_236 : i32
        %get3A_238 = arith.constant 0 : i32
        %get3A_239 = arith.index_cast %get3A_238 : i32 to index
        %get3A_240 = arith.index_cast %add3A_237 : i32 to index
        %get3A_241 = arith.constant 0 : index
        %get3A_242 = tpu.vector_load %arg9[%get3A_239, %get3A_240, %get3A_241] {strides = array<i32>} : memref<2x1600x32xf32, #tpu.memory_space<vmem>>, vector<1x1x16xf32>,
        %get3A_243 = vector.shape_cast %get3A_242 : vector<1x1x16xf32> to vector<16xf32>
        %add3A_244 = arith.addf %add3A_204, %get3A_243 : vector<16xf32>
        %add3A_245 = arith.constant 4 : i32
        %add3A_246 = arith.addi %mul3A_148, %add3A_245 : i32
        %add3A_247 = arith.constant 1 : i32
        %add3A_248 = arith.addi %add3A_246, %add3A_247 : i32
        %get3A_249 = arith.constant 0 : i32
        %get3A_250 = arith.index_cast %get3A_249 : i32 to index
        %get3A_251 = arith.index_cast %add3A_248 : i32 to index
        %get3A_252 = arith.constant 16 : index
        %get3A_253 = tpu.vector_load %arg9[%get3A_250, %get3A_251, %get3A_252] {strides = array<i32>} : memref<2x1600x32xf32, #tpu.memory_space<vmem>>, vector<1x1x16xf32>,
        %get3A_254 = vector.shape_cast %get3A_253 : vector<1x1x16xf32> to vector<16xf32>
        %add3A_255 = arith.addf %add3A_215, %get3A_254 : vector<16xf32>
        %add3A_256 = arith.constant 6 : i32
        %add3A_257 = arith.addi %mul3A_148, %add3A_256 : i32
        %get3A_258 = arith.constant 0 : i32
        %get3A_259 = arith.index_cast %get3A_258 : i32 to index
        %get3A_260 = arith.index_cast %add3A_257 : i32 to index
        %get3A_261 = arith.constant 0 : index
        %get3A_262 = tpu.vector_load %arg9[%get3A_259, %get3A_260, %get3A_261] {strides = array<i32>} : memref<2x1600x32xf32, #tpu.memory_space<vmem>>, vector<1x1x16xf32>,
        %get3A_263 = vector.shape_cast %get3A_262 : vector<1x1x16xf32> to vector<16xf32>
        %add3A_264 = arith.addf %add3A_224, %get3A_263 : vector<16xf32>
        %add3A_265 = arith.constant 6 : i32
        %add3A_266 = arith.addi %mul3A_148, %add3A_265 : i32
        %get3A_267 = arith.constant 0 : i32
        %get3A_268 = arith.index_cast %get3A_267 : i32 to index
        %get3A_269 = arith.index_cast %add3A_266 : i32 to index
        %get3A_270 = arith.constant 16 : index
        %get3A_271 = tpu.vector_load %arg9[%get3A_268, %get3A_269, %get3A_270] {strides = array<i32>} : memref<2x1600x32xf32, #tpu.memory_space<vmem>>, vector<1x1x16xf32>,
        %get3A_272 = vector.shape_cast %get3A_271 : vector<1x1x16xf32> to vector<16xf32>
        %add3A_273 = arith.addf %add3A_233, %get3A_272 : vector<16xf32>
        %add3A_274 = arith.constant 6 : i32
        %add3A_275 = arith.addi %mul3A_148, %add3A_274 : i32
        %add3A_276 = arith.constant 1 : i32
        %add3A_277 = arith.addi %add3A_275, %add3A_276 : i32
        %get3A_278 = arith.constant 0 : i32
        %get3A_279 = arith.index_cast %get3A_278 : i32 to index
        %get3A_280 = arith.index_cast %add3A_277 : i32 to index
        %get3A_281 = arith.constant 0 : index
        %get3A_282 = tpu.vector_load %arg9[%get3A_279, %get3A_280, %get3A_281] {strides = array<i32>} : memref<2x1600x32xf32, #tpu.memory_space<vmem>>, vector<1x1x16xf32>,
        %get3A_283 = vector.shape_cast %get3A_282 : vector<1x1x16xf32> to vector<16xf32>
        %add3A_284 = arith.addf %add3A_244, %get3A_283 : vector<16xf32>
        %add3A_285 = arith.constant 6 : i32
        %add3A_286 = arith.addi %mul3A_148, %add3A_285 : i32
        %add3A_287 = arith.constant 1 : i32
        %add3A_288 = arith.addi %add3A_286, %add3A_287 : i32
        %get3A_289 = arith.constant 0 : i32
        %get3A_290 = arith.index_cast %get3A_289 : i32 to index
        %get3A_291 = arith.index_cast %add3A_288 : i32 to index
        %get3A_292 = arith.constant 16 : index
        %get3A_293 = tpu.vector_load %arg9[%get3A_290, %get3A_291, %get3A_292] {strides = array<i32>} : memref<2x1600x32xf32, #tpu.memory_space<vmem>>, vector<1x1x16xf32>,
        %get3A_294 = vector.shape_cast %get3A_293 : vector<1x1x16xf32> to vector<16xf32>
        %add3A_295 = arith.addf %add3A_255, %get3A_294 : vector<16xf32>
        %add3A_296 = arith.constant 8 : i32
        %add3A_297 = arith.addi %mul3A_148, %add3A_296 : i32
        %get3A_298 = arith.constant 0 : i32
        %get3A_299 = arith.index_cast %get3A_298 : i32 to index
        %get3A_300 = arith.index_cast %add3A_297 : i32 to index
        %get3A_301 = arith.constant 0 : index
        %get3A_302 = tpu.vector_load %arg9[%get3A_299, %get3A_300, %get3A_301] {strides = array<i32>} : memref<2x1600x32xf32, #tpu.memory_space<vmem>>, vector<1x1x16xf32>,
        %get3A_303 = vector.shape_cast %get3A_302 : vector<1x1x16xf32> to vector<16xf32>
        %add3A_304 = arith.addf %add3A_264, %get3A_303 : vector<16xf32>
        %add3A_305 = arith.constant 8 : i32
        %add3A_306 = arith.addi %mul3A_148, %add3A_305 : i32
        %get3A_307 = arith.constant 0 : i32
        %get3A_308 = arith.index_cast %get3A_307 : i32 to index
        %get3A_309 = arith.index_cast %add3A_306 : i32 to index
        %get3A_310 = arith.constant 16 : index
        %get3A_311 = tpu.vector_load %arg9[%get3A_308, %get3A_309, %get3A_310] {strides = array<i32>} : memref<2x1600x32xf32, #tpu.memory_space<vmem>>, vector<1x1x16xf32>,
        %get3A_312 = vector.shape_cast %get3A_311 : vector<1x1x16xf32> to vector<16xf32>
        %add3A_313 = arith.addf %add3A_273, %get3A_312 : vector<16xf32>
        %add3A_314 = arith.constant 8 : i32
        %add3A_315 = arith.addi %mul3A_148, %add3A_314 : i32
        %add3A_316 = arith.constant 1 : i32
        %add3A_317 = arith.addi %add3A_315, %add3A_316 : i32
        %get3A_318 = arith.constant 0 : i32
        %get3A_319 = arith.index_cast %get3A_318 : i32 to index
        %get3A_320 = arith.index_cast %add3A_317 : i32 to index
        %get3A_321 = arith.constant 0 : index
        %get3A_322 = tpu.vector_load %arg9[%get3A_319, %get3A_320, %get3A_321] {strides = array<i32>} : memref<2x1600x32xf32, #tpu.memory_space<vmem>>, vector<1x1x16xf32>,
        %get3A_323 = vector.shape_cast %get3A_322 : vector<1x1x16xf32> to vector<16xf32>
        %add3A_324 = arith.addf %add3A_284, %get3A_323 : vector<16xf32>
        %add3A_325 = arith.constant 8 : i32
        %add3A_326 = arith.addi %mul3A_148, %add3A_325 : i32
        %add3A_327 = arith.constant 1 : i32
        %add3A_328 = arith.addi %add3A_326, %add3A_327 : i32
        %get3A_329 = arith.constant 0 : i32
        %get3A_330 = arith.index_cast %get3A_329 : i32 to index
        %get3A_331 = arith.index_cast %add3A_328 : i32 to index
        %get3A_332 = arith.constant 16 : index
        %get3A_333 = tpu.vector_load %arg9[%get3A_330, %get3A_331, %get3A_332] {strides = array<i32>} : memref<2x1600x32xf32, #tpu.memory_space<vmem>>, vector<1x1x16xf32>,
        %get3A_334 = vector.shape_cast %get3A_333 : vector<1x1x16xf32> to vector<16xf32>
        %add3A_335 = arith.addf %add3A_295, %get3A_334 : vector<16xf32>
        %add3A_336 = arith.constant 10 : i32
        %add3A_337 = arith.addi %mul3A_148, %add3A_336 : i32
        %get3A_338 = arith.constant 0 : i32
        %get3A_339 = arith.index_cast %get3A_338 : i32 to index
        %get3A_340 = arith.index_cast %add3A_337 : i32 to index
        %get3A_341 = arith.constant 0 : index
        %get3A_342 = tpu.vector_load %arg9[%get3A_339, %get3A_340, %get3A_341] {strides = array<i32>} : memref<2x1600x32xf32, #tpu.memory_space<vmem>>, vector<1x1x16xf32>,
        %get3A_343 = vector.shape_cast %get3A_342 : vector<1x1x16xf32> to vector<16xf32>
        %add3A_344 = arith.addf %add3A_304, %get3A_343 : vector<16xf32>
        %add3A_345 = arith.constant 10 : i32
        %add3A_346 = arith.addi %mul3A_148, %add3A_345 : i32
        %get3A_347 = arith.constant 0 : i32
        %get3A_348 = arith.index_cast %get3A_347 : i32 to index
        %get3A_349 = arith.index_cast %add3A_346 : i32 to index
        %get3A_350 = arith.constant 16 : index
        %get3A_351 = tpu.vector_load %arg9[%get3A_348, %get3A_349, %get3A_350] {strides = array<i32>} : memref<2x1600x32xf32, #tpu.memory_space<vmem>>, vector<1x1x16xf32>,
        %get3A_352 = vector.shape_cast %get3A_351 : vector<1x1x16xf32> to vector<16xf32>
        %add3A_353 = arith.addf %add3A_313, %get3A_352 : vector<16xf32>
        %add3A_354 = arith.constant 10 : i32
        %add3A_355 = arith.addi %mul3A_148, %add3A_354 : i32
        %add3A_356 = arith.constant 1 : i32
        %add3A_357 = arith.addi %add3A_355, %add3A_356 : i32
        %get3A_358 = arith.constant 0 : i32
        %get3A_359 = arith.index_cast %get3A_358 : i32 to index
        %get3A_360 = arith.index_cast %add3A_357 : i32 to index
        %get3A_361 = arith.constant 0 : index
        %get3A_362 = tpu.vector_load %arg9[%get3A_359, %get3A_360, %get3A_361] {strides = array<i32>} : memref<2x1600x32xf32, #tpu.memory_space<vmem>>, vector<1x1x16xf32>,
        %get3A_363 = vector.shape_cast %get3A_362 : vector<1x1x16xf32> to vector<16xf32>
        %add3A_364 = arith.addf %add3A_324, %get3A_363 : vector<16xf32>
        %add3A_365 = arith.constant 10 : i32
        %add3A_366 = arith.addi %mul3A_148, %add3A_365 : i32
        %add3A_367 = arith.constant 1 : i32
        %add3A_368 = arith.addi %add3A_366, %add3A_367 : i32
        %get3A_369 = arith.constant 0 : i32
        %get3A_370 = arith.index_cast %get3A_369 : i32 to index
        %get3A_371 = arith.index_cast %add3A_368 : i32 to index
        %get3A_372 = arith.constant 16 : index
        %get3A_373 = tpu.vector_load %arg9[%get3A_370, %get3A_371, %get3A_372] {strides = array<i32>} : memref<2x1600x32xf32, #tpu.memory_space<vmem>>, vector<1x1x16xf32>,
        %get3A_374 = vector.shape_cast %get3A_373 : vector<1x1x16xf32> to vector<16xf32>
        %add3A_375 = arith.addf %add3A_335, %get3A_374 : vector<16xf32>
        %add3A_376 = arith.constant 12 : i32
        %add3A_377 = arith.addi %mul3A_148, %add3A_376 : i32
        %get3A_378 = arith.constant 0 : i32
        %get3A_379 = arith.index_cast %get3A_378 : i32 to index
        %get3A_380 = arith.index_cast %add3A_377 : i32 to index
        %get3A_381 = arith.constant 0 : index
        %get3A_382 = tpu.vector_load %arg9[%get3A_379, %get3A_380, %get3A_381] {strides = array<i32>} : memref<2x1600x32xf32, #tpu.memory_space<vmem>>, vector<1x1x16xf32>,
        %get3A_383 = vector.shape_cast %get3A_382 : vector<1x1x16xf32> to vector<16xf32>
        %add3A_384 = arith.addf %add3A_344, %get3A_383 : vector<16xf32>
        %add3A_385 = arith.constant 12 : i32
        %add3A_386 = arith.addi %mul3A_148, %add3A_385 : i32
        %get3A_387 = arith.constant 0 : i32
        %get3A_388 = arith.index_cast %get3A_387 : i32 to index
        %get3A_389 = arith.index_cast %add3A_386 : i32 to index
        %get3A_390 = arith.constant 16 : index
        %get3A_391 = tpu.vector_load %arg9[%get3A_388, %get3A_389, %get3A_390] {strides = array<i32>} : memref<2x1600x32xf32, #tpu.memory_space<vmem>>, vector<1x1x16xf32>,
        %get3A_392 = vector.shape_cast %get3A_391 : vector<1x1x16xf32> to vector<16xf32>
        %add3A_393 = arith.addf %add3A_353, %get3A_392 : vector<16xf32>
        %add3A_394 = arith.constant 12 : i32
        %add3A_395 = arith.addi %mul3A_148, %add3A_394 : i32
        %add3A_396 = arith.constant 1 : i32
        %add3A_397 = arith.addi %add3A_395, %add3A_396 : i32
        %get3A_398 = arith.constant 0 : i32
        %get3A_399 = arith.index_cast %get3A_398 : i32 to index
        %get3A_400 = arith.index_cast %add3A_397 : i32 to index
        %get3A_401 = arith.constant 0 : index
        %get3A_402 = tpu.vector_load %arg9[%get3A_399, %get3A_400, %get3A_401] {strides = array<i32>} : memref<2x1600x32xf32, #tpu.memory_space<vmem>>, vector<1x1x16xf32>,
        %get3A_403 = vector.shape_cast %get3A_402 : vector<1x1x16xf32> to vector<16xf32>
        %add3A_404 = arith.addf %add3A_364, %get3A_403 : vector<16xf32>
        %add3A_405 = arith.constant 12 : i32
        %add3A_406 = arith.addi %mul3A_148, %add3A_405 : i32
        %add3A_407 = arith.constant 1 : i32
        %add3A_408 = arith.addi %add3A_406, %add3A_407 : i32
        %get3A_409 = arith.constant 0 : i32
        %get3A_410 = arith.index_cast %get3A_409 : i32 to index
        %get3A_411 = arith.index_cast %add3A_408 : i32 to index
        %get3A_412 = arith.constant 16 : index
        %get3A_413 = tpu.vector_load %arg9[%get3A_410, %get3A_411, %get3A_412] {strides = array<i32>} : memref<2x1600x32xf32, #tpu.memory_space<vmem>>, vector<1x1x16xf32>,
        %get3A_414 = vector.shape_cast %get3A_413 : vector<1x1x16xf32> to vector<16xf32>
        %add3A_415 = arith.addf %add3A_375, %get3A_414 : vector<16xf32>
        %add3A_416 = arith.constant 14 : i32
        %add3A_417 = arith.addi %mul3A_148, %add3A_416 : i32
        %get3A_418 = arith.constant 0 : i32
        %get3A_419 = arith.index_cast %get3A_418 : i32 to index
        %get3A_420 = arith.index_cast %add3A_417 : i32 to index
        %get3A_421 = arith.constant 0 : index
        %get3A_422 = tpu.vector_load %arg9[%get3A_419, %get3A_420, %get3A_421] {strides = array<i32>} : memref<2x1600x32xf32, #tpu.memory_space<vmem>>, vector<1x1x16xf32>,
        %get3A_423 = vector.shape_cast %get3A_422 : vector<1x1x16xf32> to vector<16xf32>
        %add3A_424 = arith.addf %add3A_384, %get3A_423 : vector<16xf32>
        %add3A_425 = arith.constant 14 : i32
        %add3A_426 = arith.addi %mul3A_148, %add3A_425 : i32
        %get3A_427 = arith.constant 0 : i32
        %get3A_428 = arith.index_cast %get3A_427 : i32 to index
        %get3A_429 = arith.index_cast %add3A_426 : i32 to index
        %get3A_430 = arith.constant 16 : index
        %get3A_431 = tpu.vector_load %arg9[%get3A_428, %get3A_429, %get3A_430] {strides = array<i32>} : memref<2x1600x32xf32, #tpu.memory_space<vmem>>, vector<1x1x16xf32>,
        %get3A_432 = vector.shape_cast %get3A_431 : vector<1x1x16xf32> to vector<16xf32>
        %add3A_433 = arith.addf %add3A_393, %get3A_432 : vector<16xf32>
        %add3A_434 = arith.constant 14 : i32
        %add3A_435 = arith.addi %mul3A_148, %add3A_434 : i32
        %add3A_436 = arith.constant 1 : i32
        %add3A_437 = arith.addi %add3A_435, %add3A_436 : i32
        %get3A_438 = arith.constant 0 : i32
        %get3A_439 = arith.index_cast %get3A_438 : i32 to index
        %get3A_440 = arith.index_cast %add3A_437 : i32 to index
        %get3A_441 = arith.constant 0 : index
        %get3A_442 = tpu.vector_load %arg9[%get3A_439, %get3A_440, %get3A_441] {strides = array<i32>} : memref<2x1600x32xf32, #tpu.memory_space<vmem>>, vector<1x1x16xf32>,
        %get3A_443 = vector.shape_cast %get3A_442 : vector<1x1x16xf32> to vector<16xf32>
        %add3A_444 = arith.addf %add3A_404, %get3A_443 : vector<16xf32>
        %add3A_445 = arith.constant 14 : i32
        %add3A_446 = arith.addi %mul3A_148, %add3A_445 : i32
        %add3A_447 = arith.constant 1 : i32
        %add3A_448 = arith.addi %add3A_446, %add3A_447 : i32
        %get3A_449 = arith.constant 0 : i32
        %get3A_450 = arith.index_cast %get3A_449 : i32 to index
        %get3A_451 = arith.index_cast %add3A_448 : i32 to index
        %get3A_452 = arith.constant 16 : index
        %get3A_453 = tpu.vector_load %arg9[%get3A_450, %get3A_451, %get3A_452] {strides = array<i32>} : memref<2x1600x32xf32, #tpu.memory_space<vmem>>, vector<1x1x16xf32>,
        %get3A_454 = vector.shape_cast %get3A_453 : vector<1x1x16xf32> to vector<16xf32>
        %add3A_455 = arith.addf %add3A_415, %get3A_454 : vector<16xf32>
        %add3A_456 = arith.constant 16 : i32
        %add3A_457 = arith.addi %mul3A_148, %add3A_456 : i32
        %get3A_458 = arith.constant 0 : i32
        %get3A_459 = arith.index_cast %get3A_458 : i32 to index
        %get3A_460 = arith.index_cast %add3A_457 : i32 to index
        %get3A_461 = arith.constant 0 : index
        %get3A_462 = tpu.vector_load %arg9[%get3A_459, %get3A_460, %get3A_461] {strides = array<i32>} : memref<2x1600x32xf32, #tpu.memory_space<vmem>>, vector<1x1x16xf32>,
        %get3A_463 = vector.shape_cast %get3A_462 : vector<1x1x16xf32> to vector<16xf32>
        %add3A_464 = arith.addf %add3A_424, %get3A_463 : vector<16xf32>
        %add3A_465 = arith.constant 16 : i32
        %add3A_466 = arith.addi %mul3A_148, %add3A_465 : i32
        %get3A_467 = arith.constant 0 : i32
        %get3A_468 = arith.index_cast %get3A_467 : i32 to index
        %get3A_469 = arith.index_cast %add3A_466 : i32 to index
        %get3A_470 = arith.constant 16 : index
        %get3A_471 = tpu.vector_load %arg9[%get3A_468, %get3A_469, %get3A_470] {strides = array<i32>} : memref<2x1600x32xf32, #tpu.memory_space<vmem>>, vector<1x1x16xf32>,
        %get3A_472 = vector.shape_cast %get3A_471 : vector<1x1x16xf32> to vector<16xf32>
        %add3A_473 = arith.addf %add3A_433, %get3A_472 : vector<16xf32>
        %add3A_474 = arith.constant 16 : i32
        %add3A_475 = arith.addi %mul3A_148, %add3A_474 : i32
        %add3A_476 = arith.constant 1 : i32
        %add3A_477 = arith.addi %add3A_475, %add3A_476 : i32
        %get3A_478 = arith.constant 0 : i32
        %get3A_479 = arith.index_cast %get3A_478 : i32 to index
        %get3A_480 = arith.index_cast %add3A_477 : i32 to index
        %get3A_481 = arith.constant 0 : index
        %get3A_482 = tpu.vector_load %arg9[%get3A_479, %get3A_480, %get3A_481] {strides = array<i32>} : memref<2x1600x32xf32, #tpu.memory_space<vmem>>, vector<1x1x16xf32>,
        %get3A_483 = vector.shape_cast %get3A_482 : vector<1x1x16xf32> to vector<16xf32>
        %add3A_484 = arith.addf %add3A_444, %get3A_483 : vector<16xf32>
        %add3A_485 = arith.constant 16 : i32
        %add3A_486 = arith.addi %mul3A_148, %add3A_485 : i32
        %add3A_487 = arith.constant 1 : i32
        %add3A_488 = arith.addi %add3A_486, %add3A_487 : i32
        %get3A_489 = arith.constant 0 : i32
        %get3A_490 = arith.index_cast %get3A_489 : i32 to index
        %get3A_491 = arith.index_cast %add3A_488 : i32 to index
        %get3A_492 = arith.constant 16 : index
        %get3A_493 = tpu.vector_load %arg9[%get3A_490, %get3A_491, %get3A_492] {strides = array<i32>} : memref<2x1600x32xf32, #tpu.memory_space<vmem>>, vector<1x1x16xf32>,
        %get3A_494 = vector.shape_cast %get3A_493 : vector<1x1x16xf32> to vector<16xf32>
        %add3A_495 = arith.addf %add3A_455, %get3A_494 : vector<16xf32>
        %add3A_496 = arith.constant 18 : i32
        %add3A_497 = arith.addi %mul3A_148, %add3A_496 : i32
        %get3A_498 = arith.constant 0 : i32
        %get3A_499 = arith.index_cast %get3A_498 : i32 to index
        %get3A_500 = arith.index_cast %add3A_497 : i32 to index
        %get3A_501 = arith.constant 0 : index
        %get3A_502 = tpu.vector_load %arg9[%get3A_499, %get3A_500, %get3A_501] {strides = array<i32>} : memref<2x1600x32xf32, #tpu.memory_space<vmem>>, vector<1x1x16xf32>,
        %get3A_503 = vector.shape_cast %get3A_502 : vector<1x1x16xf32> to vector<16xf32>
        %add3A_504 = arith.addf %add3A_464, %get3A_503 : vector<16xf32>
        %add3A_505 = arith.constant 18 : i32
        %add3A_506 = arith.addi %mul3A_148, %add3A_505 : i32
        %get3A_507 = arith.constant 0 : i32
        %get3A_508 = arith.index_cast %get3A_507 : i32 to index
        %get3A_509 = arith.index_cast %add3A_506 : i32 to index
        %get3A_510 = arith.constant 16 : index
        %get3A_511 = tpu.vector_load %arg9[%get3A_508, %get3A_509, %get3A_510] {strides = array<i32>} : memref<2x1600x32xf32, #tpu.memory_space<vmem>>, vector<1x1x16xf32>,
        %get3A_512 = vector.shape_cast %get3A_511 : vector<1x1x16xf32> to vector<16xf32>
        %add3A_513 = arith.addf %add3A_473, %get3A_512 : vector<16xf32>
        %add3A_514 = arith.constant 18 : i32
        %add3A_515 = arith.addi %mul3A_148, %add3A_514 : i32
        %add3A_516 = arith.constant 1 : i32
        %add3A_517 = arith.addi %add3A_515, %add3A_516 : i32
        %get3A_518 = arith.constant 0 : i32
        %get3A_519 = arith.index_cast %get3A_518 : i32 to index
        %get3A_520 = arith.index_cast %add3A_517 : i32 to index
        %get3A_521 = arith.constant 0 : index
        %get3A_522 = tpu.vector_load %arg9[%get3A_519, %get3A_520, %get3A_521] {strides = array<i32>} : memref<2x1600x32xf32, #tpu.memory_space<vmem>>, vector<1x1x16xf32>,
        %get3A_523 = vector.shape_cast %get3A_522 : vector<1x1x16xf32> to vector<16xf32>
        %add3A_524 = arith.addf %add3A_484, %get3A_523 : vector<16xf32>
        %add3A_525 = arith.constant 18 : i32
        %add3A_526 = arith.addi %mul3A_148, %add3A_525 : i32
        %add3A_527 = arith.constant 1 : i32
        %add3A_528 = arith.addi %add3A_526, %add3A_527 : i32
        %get3A_529 = arith.constant 0 : i32
        %get3A_530 = arith.index_cast %get3A_529 : i32 to index
        %get3A_531 = arith.index_cast %add3A_528 : i32 to index
        %get3A_532 = arith.constant 16 : index
        %get3A_533 = tpu.vector_load %arg9[%get3A_530, %get3A_531, %get3A_532] {strides = array<i32>} : memref<2x1600x32xf32, #tpu.memory_space<vmem>>, vector<1x1x16xf32>,
        %get3A_534 = vector.shape_cast %get3A_533 : vector<1x1x16xf32> to vector<16xf32>
        %add3A_535 = arith.addf %add3A_495, %get3A_534 : vector<16xf32>
        %add3A_536 = arith.constant 20 : i32
        %add3A_537 = arith.addi %mul3A_148, %add3A_536 : i32
        %get3A_538 = arith.constant 0 : i32
        %get3A_539 = arith.index_cast %get3A_538 : i32 to index
        %get3A_540 = arith.index_cast %add3A_537 : i32 to index
        %get3A_541 = arith.constant 0 : index
        %get3A_542 = tpu.vector_load %arg9[%get3A_539, %get3A_540, %get3A_541] {strides = array<i32>} : memref<2x1600x32xf32, #tpu.memory_space<vmem>>, vector<1x1x16xf32>,
        %get3A_543 = vector.shape_cast %get3A_542 : vector<1x1x16xf32> to vector<16xf32>
        %add3A_544 = arith.addf %add3A_504, %get3A_543 : vector<16xf32>
        %add3A_545 = arith.constant 20 : i32
        %add3A_546 = arith.addi %mul3A_148, %add3A_545 : i32
        %get3A_547 = arith.constant 0 : i32
        %get3A_548 = arith.index_cast %get3A_547 : i32 to index
        %get3A_549 = arith.index_cast %add3A_546 : i32 to index
        %get3A_550 = arith.constant 16 : index
        %get3A_551 = tpu.vector_load %arg9[%get3A_548, %get3A_549, %get3A_550] {strides = array<i32>} : memref<2x1600x32xf32, #tpu.memory_space<vmem>>, vector<1x1x16xf32>,
        %get3A_552 = vector.shape_cast %get3A_551 : vector<1x1x16xf32> to vector<16xf32>
        %add3A_553 = arith.addf %add3A_513, %get3A_552 : vector<16xf32>
        %add3A_554 = arith.constant 20 : i32
        %add3A_555 = arith.addi %mul3A_148, %add3A_554 : i32
        %add3A_556 = arith.constant 1 : i32
        %add3A_557 = arith.addi %add3A_555, %add3A_556 : i32
        %get3A_558 = arith.constant 0 : i32
        %get3A_559 = arith.index_cast %get3A_558 : i32 to index
        %get3A_560 = arith.index_cast %add3A_557 : i32 to index
        %get3A_561 = arith.constant 0 : index
        %get3A_562 = tpu.vector_load %arg9[%get3A_559, %get3A_560, %get3A_561] {strides = array<i32>} : memref<2x1600x32xf32, #tpu.memory_space<vmem>>, vector<1x1x16xf32>,
        %get3A_563 = vector.shape_cast %get3A_562 : vector<1x1x16xf32> to vector<16xf32>
        %add3A_564 = arith.addf %add3A_524, %get3A_563 : vector<16xf32>
        %add3A_565 = arith.constant 20 : i32
        %add3A_566 = arith.addi %mul3A_148, %add3A_565 : i32
        %add3A_567 = arith.constant 1 : i32
        %add3A_568 = arith.addi %add3A_566, %add3A_567 : i32
        %get3A_569 = arith.constant 0 : i32
        %get3A_570 = arith.index_cast %get3A_569 : i32 to index
        %get3A_571 = arith.index_cast %add3A_568 : i32 to index
        %get3A_572 = arith.constant 16 : index
        %get3A_573 = tpu.vector_load %arg9[%get3A_570, %get3A_571, %get3A_572] {strides = array<i32>} : memref<2x1600x32xf32, #tpu.memory_space<vmem>>, vector<1x1x16xf32>,
        %get3A_574 = vector.shape_cast %get3A_573 : vector<1x1x16xf32> to vector<16xf32>
        %add3A_575 = arith.addf %add3A_535, %get3A_574 : vector<16xf32>
        %add3A_576 = arith.constant 22 : i32
        %add3A_577 = arith.addi %mul3A_148, %add3A_576 : i32
        %get3A_578 = arith.constant 0 : i32
        %get3A_579 = arith.index_cast %get3A_578 : i32 to index
        %get3A_580 = arith.index_cast %add3A_577 : i32 to index
        %get3A_581 = arith.constant 0 : index
        %get3A_582 = tpu.vector_load %arg9[%get3A_579, %get3A_580, %get3A_581] {strides = array<i32>} : memref<2x1600x32xf32, #tpu.memory_space<vmem>>, vector<1x1x16xf32>,
        %get3A_583 = vector.shape_cast %get3A_582 : vector<1x1x16xf32> to vector<16xf32>
        %add3A_584 = arith.addf %add3A_544, %get3A_583 : vector<16xf32>
        %add3A_585 = arith.constant 22 : i32
        %add3A_586 = arith.addi %mul3A_148, %add3A_585 : i32
        %get3A_587 = arith.constant 0 : i32
        %get3A_588 = arith.index_cast %get3A_587 : i32 to index
        %get3A_589 = arith.index_cast %add3A_586 : i32 to index
        %get3A_590 = arith.constant 16 : index
        %get3A_591 = tpu.vector_load %arg9[%get3A_588, %get3A_589, %get3A_590] {strides = array<i32>} : memref<2x1600x32xf32, #tpu.memory_space<vmem>>, vector<1x1x16xf32>,
        %get3A_592 = vector.shape_cast %get3A_591 : vector<1x1x16xf32> to vector<16xf32>
        %add3A_593 = arith.addf %add3A_553, %get3A_592 : vector<16xf32>
        %add3A_594 = arith.constant 22 : i32
        %add3A_595 = arith.addi %mul3A_148, %add3A_594 : i32
        %add3A_596 = arith.constant 1 : i32
        %add3A_597 = arith.addi %add3A_595, %add3A_596 : i32
        %get3A_598 = arith.constant 0 : i32
        %get3A_599 = arith.index_cast %get3A_598 : i32 to index
        %get3A_600 = arith.index_cast %add3A_597 : i32 to index
        %get3A_601 = arith.constant 0 : index
        %get3A_602 = tpu.vector_load %arg9[%get3A_599, %get3A_600, %get3A_601] {strides = array<i32>} : memref<2x1600x32xf32, #tpu.memory_space<vmem>>, vector<1x1x16xf32>,
        %get3A_603 = vector.shape_cast %get3A_602 : vector<1x1x16xf32> to vector<16xf32>
        %add3A_604 = arith.addf %add3A_564, %get3A_603 : vector<16xf32>
        %add3A_605 = arith.constant 22 : i32
        %add3A_606 = arith.addi %mul3A_148, %add3A_605 : i32
        %add3A_607 = arith.constant 1 : i32
        %add3A_608 = arith.addi %add3A_606, %add3A_607 : i32
        %get3A_609 = arith.constant 0 : i32
        %get3A_610 = arith.index_cast %get3A_609 : i32 to index
        %get3A_611 = arith.index_cast %add3A_608 : i32 to index
        %get3A_612 = arith.constant 16 : index
        %get3A_613 = tpu.vector_load %arg9[%get3A_610, %get3A_611, %get3A_612] {strides = array<i32>} : memref<2x1600x32xf32, #tpu.memory_space<vmem>>, vector<1x1x16xf32>,
        %get3A_614 = vector.shape_cast %get3A_613 : vector<1x1x16xf32> to vector<16xf32>
        %add3A_615 = arith.addf %add3A_575, %get3A_614 : vector<16xf32>
        %add3A_616 = arith.constant 24 : i32
        %add3A_617 = arith.addi %mul3A_148, %add3A_616 : i32
        %get3A_618 = arith.constant 0 : i32
        %get3A_619 = arith.index_cast %get3A_618 : i32 to index
        %get3A_620 = arith.index_cast %add3A_617 : i32 to index
        %get3A_621 = arith.constant 0 : index
        %get3A_622 = tpu.vector_load %arg9[%get3A_619, %get3A_620, %get3A_621] {strides = array<i32>} : memref<2x1600x32xf32, #tpu.memory_space<vmem>>, vector<1x1x16xf32>,
        %get3A_623 = vector.shape_cast %get3A_622 : vector<1x1x16xf32> to vector<16xf32>
        %add3A_624 = arith.addf %add3A_584, %get3A_623 : vector<16xf32>
        %add3A_625 = arith.constant 24 : i32
        %add3A_626 = arith.addi %mul3A_148, %add3A_625 : i32
        %get3A_627 = arith.constant 0 : i32
        %get3A_628 = arith.index_cast %get3A_627 : i32 to index
        %get3A_629 = arith.index_cast %add3A_626 : i32 to index
        %get3A_630 = arith.constant 16 : index
        %get3A_631 = tpu.vector_load %arg9[%get3A_628, %get3A_629, %get3A_630] {strides = array<i32>} : memref<2x1600x32xf32, #tpu.memory_space<vmem>>, vector<1x1x16xf32>,
        %get3A_632 = vector.shape_cast %get3A_631 : vector<1x1x16xf32> to vector<16xf32>
        %add3A_633 = arith.addf %add3A_593, %get3A_632 : vector<16xf32>
        %add3A_634 = arith.constant 24 : i32
        %add3A_635 = arith.addi %mul3A_148, %add3A_634 : i32
        %add3A_636 = arith.constant 1 : i32
        %add3A_637 = arith.addi %add3A_635, %add3A_636 : i32
        %get3A_638 = arith.constant 0 : i32
        %get3A_639 = arith.index_cast %get3A_638 : i32 to index
        %get3A_640 = arith.index_cast %add3A_637 : i32 to index
        %get3A_641 = arith.constant 0 : index
        %get3A_642 = tpu.vector_load %arg9[%get3A_639, %get3A_640, %get3A_641] {strides = array<i32>} : memref<2x1600x32xf32, #tpu.memory_space<vmem>>, vector<1x1x16xf32>,
        %get3A_643 = vector.shape_cast %get3A_642 : vector<1x1x16xf32> to vector<16xf32>
        %add3A_644 = arith.addf %add3A_604, %get3A_643 : vector<16xf32>
        %add3A_645 = arith.constant 24 : i32
        %add3A_646 = arith.addi %mul3A_148, %add3A_645 : i32
        %add3A_647 = arith.constant 1 : i32
        %add3A_648 = arith.addi %add3A_646, %add3A_647 : i32
        %get3A_649 = arith.constant 0 : i32
        %get3A_650 = arith.index_cast %get3A_649 : i32 to index
        %get3A_651 = arith.index_cast %add3A_648 : i32 to index
        %get3A_652 = arith.constant 16 : index
        %get3A_653 = tpu.vector_load %arg9[%get3A_650, %get3A_651, %get3A_652] {strides = array<i32>} : memref<2x1600x32xf32, #tpu.memory_space<vmem>>, vector<1x1x16xf32>,
        %get3A_654 = vector.shape_cast %get3A_653 : vector<1x1x16xf32> to vector<16xf32>
        %add3A_655 = arith.addf %add3A_615, %get3A_654 : vector<16xf32>
        %add3A_656 = arith.constant 26 : i32
        %add3A_657 = arith.addi %mul3A_148, %add3A_656 : i32
        %get3A_658 = arith.constant 0 : i32
        %get3A_659 = arith.index_cast %get3A_658 : i32 to index
        %get3A_660 = arith.index_cast %add3A_657 : i32 to index
        %get3A_661 = arith.constant 0 : index
        %get3A_662 = tpu.vector_load %arg9[%get3A_659, %get3A_660, %get3A_661] {strides = array<i32>} : memref<2x1600x32xf32, #tpu.memory_space<vmem>>, vector<1x1x16xf32>,
        %get3A_663 = vector.shape_cast %get3A_662 : vector<1x1x16xf32> to vector<16xf32>
        %add3A_664 = arith.addf %add3A_624, %get3A_663 : vector<16xf32>
        %add3A_665 = arith.constant 26 : i32
        %add3A_666 = arith.addi %mul3A_148, %add3A_665 : i32
        %get3A_667 = arith.constant 0 : i32
        %get3A_668 = arith.index_cast %get3A_667 : i32 to index
        %get3A_669 = arith.index_cast %add3A_666 : i32 to index
        %get3A_670 = arith.constant 16 : index
        %get3A_671 = tpu.vector_load %arg9[%get3A_668, %get3A_669, %get3A_670] {strides = array<i32>} : memref<2x1600x32xf32, #tpu.memory_space<vmem>>, vector<1x1x16xf32>,
        %get3A_672 = vector.shape_cast %get3A_671 : vector<1x1x16xf32> to vector<16xf32>
        %add3A_673 = arith.addf %add3A_633, %get3A_672 : vector<16xf32>
        %add3A_674 = arith.constant 26 : i32
        %add3A_675 = arith.addi %mul3A_148, %add3A_674 : i32
        %add3A_676 = arith.constant 1 : i32
        %add3A_677 = arith.addi %add3A_675, %add3A_676 : i32
        %get3A_678 = arith.constant 0 : i32
        %get3A_679 = arith.index_cast %get3A_678 : i32 to index
        %get3A_680 = arith.index_cast %add3A_677 : i32 to index
        %get3A_681 = arith.constant 0 : index
        %get3A_682 = tpu.vector_load %arg9[%get3A_679, %get3A_680, %get3A_681] {strides = array<i32>} : memref<2x1600x32xf32, #tpu.memory_space<vmem>>, vector<1x1x16xf32>,
        %get3A_683 = vector.shape_cast %get3A_682 : vector<1x1x16xf32> to vector<16xf32>
        %add3A_684 = arith.addf %add3A_644, %get3A_683 : vector<16xf32>
        %add3A_685 = arith.constant 26 : i32
        %add3A_686 = arith.addi %mul3A_148, %add3A_685 : i32
        %add3A_687 = arith.constant 1 : i32
        %add3A_688 = arith.addi %add3A_686, %add3A_687 : i32
        %get3A_689 = arith.constant 0 : i32
        %get3A_690 = arith.index_cast %get3A_689 : i32 to index
        %get3A_691 = arith.index_cast %add3A_688 : i32 to index
        %get3A_692 = arith.constant 16 : index
        %get3A_693 = tpu.vector_load %arg9[%get3A_690, %get3A_691, %get3A_692] {strides = array<i32>} : memref<2x1600x32xf32, #tpu.memory_space<vmem>>, vector<1x1x16xf32>,
        %get3A_694 = vector.shape_cast %get3A_693 : vector<1x1x16xf32> to vector<16xf32>
        %add3A_695 = arith.addf %add3A_655, %get3A_694 : vector<16xf32>
        %add3A_696 = arith.constant 28 : i32
        %add3A_697 = arith.addi %mul3A_148, %add3A_696 : i32
        %get3A_698 = arith.constant 0 : i32
        %get3A_699 = arith.index_cast %get3A_698 : i32 to index
        %get3A_700 = arith.index_cast %add3A_697 : i32 to index
        %get3A_701 = arith.constant 0 : index
        %get3A_702 = tpu.vector_load %arg9[%get3A_699, %get3A_700, %get3A_701] {strides = array<i32>} : memref<2x1600x32xf32, #tpu.memory_space<vmem>>, vector<1x1x16xf32>,
        %get3A_703 = vector.shape_cast %get3A_702 : vector<1x1x16xf32> to vector<16xf32>
        %add3A_704 = arith.addf %add3A_664, %get3A_703 : vector<16xf32>
        %add3A_705 = arith.constant 28 : i32
        %add3A_706 = arith.addi %mul3A_148, %add3A_705 : i32
        %get3A_707 = arith.constant 0 : i32
        %get3A_708 = arith.index_cast %get3A_707 : i32 to index
        %get3A_709 = arith.index_cast %add3A_706 : i32 to index
        %get3A_710 = arith.constant 16 : index
        %get3A_711 = tpu.vector_load %arg9[%get3A_708, %get3A_709, %get3A_710] {strides = array<i32>} : memref<2x1600x32xf32, #tpu.memory_space<vmem>>, vector<1x1x16xf32>,
        %get3A_712 = vector.shape_cast %get3A_711 : vector<1x1x16xf32> to vector<16xf32>
        %add3A_713 = arith.addf %add3A_673, %get3A_712 : vector<16xf32>
        %add3A_714 = arith.constant 28 : i32
        %add3A_715 = arith.addi %mul3A_148, %add3A_714 : i32
        %add3A_716 = arith.constant 1 : i32
        %add3A_717 = arith.addi %add3A_715, %add3A_716 : i32
        %get3A_718 = arith.constant 0 : i32
        %get3A_719 = arith.index_cast %get3A_718 : i32 to index
        %get3A_720 = arith.index_cast %add3A_717 : i32 to index
        %get3A_721 = arith.constant 0 : index
        %get3A_722 = tpu.vector_load %arg9[%get3A_719, %get3A_720, %get3A_721] {strides = array<i32>} : memref<2x1600x32xf32, #tpu.memory_space<vmem>>, vector<1x1x16xf32>,
        %get3A_723 = vector.shape_cast %get3A_722 : vector<1x1x16xf32> to vector<16xf32>
        %add3A_724 = arith.addf %add3A_684, %get3A_723 : vector<16xf32>
        %add3A_725 = arith.constant 28 : i32
        %add3A_726 = arith.addi %mul3A_148, %add3A_725 : i32
        %add3A_727 = arith.constant 1 : i32
        %add3A_728 = arith.addi %add3A_726, %add3A_727 : i32
        %get3A_729 = arith.constant 0 : i32
        %get3A_730 = arith.index_cast %get3A_729 : i32 to index
        %get3A_731 = arith.index_cast %add3A_728 : i32 to index
        %get3A_732 = arith.constant 16 : index
        %get3A_733 = tpu.vector_load %arg9[%get3A_730, %get3A_731, %get3A_732] {strides = array<i32>} : memref<2x1600x32xf32, #tpu.memory_space<vmem>>, vector<1x1x16xf32>,
        %get3A_734 = vector.shape_cast %get3A_733 : vector<1x1x16xf32> to vector<16xf32>
        %add3A_735 = arith.addf %add3A_695, %get3A_734 : vector<16xf32>
        %add3A_736 = arith.constant 30 : i32
        %add3A_737 = arith.addi %mul3A_148, %add3A_736 : i32
        %get3A_738 = arith.constant 0 : i32
        %get3A_739 = arith.index_cast %get3A_738 : i32 to index
        %get3A_740 = arith.index_cast %add3A_737 : i32 to index
        %get3A_741 = arith.constant 0 : index
        %get3A_742 = tpu.vector_load %arg9[%get3A_739, %get3A_740, %get3A_741] {strides = array<i32>} : memref<2x1600x32xf32, #tpu.memory_space<vmem>>, vector<1x1x16xf32>,
        %get3A_743 = vector.shape_cast %get3A_742 : vector<1x1x16xf32> to vector<16xf32>
        %add3A_744 = arith.addf %add3A_704, %get3A_743 : vector<16xf32>
        %add3A_745 = arith.constant 30 : i32
        %add3A_746 = arith.addi %mul3A_148, %add3A_745 : i32
        %get3A_747 = arith.constant 0 : i32
        %get3A_748 = arith.index_cast %get3A_747 : i32 to index
        %get3A_749 = arith.index_cast %add3A_746 : i32 to index
        %get3A_750 = arith.constant 16 : index
        %get3A_751 = tpu.vector_load %arg9[%get3A_748, %get3A_749, %get3A_750] {strides = array<i32>} : memref<2x1600x32xf32, #tpu.memory_space<vmem>>, vector<1x1x16xf32>,
        %get3A_752 = vector.shape_cast %get3A_751 : vector<1x1x16xf32> to vector<16xf32>
        %add3A_753 = arith.addf %add3A_713, %get3A_752 : vector<16xf32>
        %add3A_754 = arith.constant 30 : i32
        %add3A_755 = arith.addi %mul3A_148, %add3A_754 : i32
        %add3A_756 = arith.constant 1 : i32
        %add3A_757 = arith.addi %add3A_755, %add3A_756 : i32
        %get3A_758 = arith.constant 0 : i32
        %get3A_759 = arith.index_cast %get3A_758 : i32 to index
        %get3A_760 = arith.index_cast %add3A_757 : i32 to index
        %get3A_761 = arith.constant 0 : index
        %get3A_762 = tpu.vector_load %arg9[%get3A_759, %get3A_760, %get3A_761] {strides = array<i32>} : memref<2x1600x32xf32, #tpu.memory_space<vmem>>, vector<1x1x16xf32>,
        %get3A_763 = vector.shape_cast %get3A_762 : vector<1x1x16xf32> to vector<16xf32>
        %add3A_764 = arith.addf %add3A_724, %get3A_763 : vector<16xf32>
        %add3A_765 = arith.constant 30 : i32
        %add3A_766 = arith.addi %mul3A_148, %add3A_765 : i32
        %add3A_767 = arith.constant 1 : i32
        %add3A_768 = arith.addi %add3A_766, %add3A_767 : i32
        %get3A_769 = arith.constant 0 : i32
        %get3A_770 = arith.index_cast %get3A_769 : i32 to index
        %get3A_771 = arith.index_cast %add3A_768 : i32 to index
        %get3A_772 = arith.constant 16 : index
        %get3A_773 = tpu.vector_load %arg9[%get3A_770, %get3A_771, %get3A_772] {strides = array<i32>} : memref<2x1600x32xf32, #tpu.memory_space<vmem>>, vector<1x1x16xf32>,
        %get3A_774 = vector.shape_cast %get3A_773 : vector<1x1x16xf32> to vector<16xf32>
        %add3A_775 = arith.addf %add3A_735, %get3A_774 : vector<16xf32>
        %add3A_776 = arith.constant 32 : i32
        %add3A_777 = arith.addi %mul3A_148, %add3A_776 : i32
        %get3A_778 = arith.constant 0 : i32
        %get3A_779 = arith.index_cast %get3A_778 : i32 to index
        %get3A_780 = arith.index_cast %add3A_777 : i32 to index
        %get3A_781 = arith.constant 0 : index
        %get3A_782 = tpu.vector_load %arg9[%get3A_779, %get3A_780, %get3A_781] {strides = array<i32>} : memref<2x1600x32xf32, #tpu.memory_space<vmem>>, vector<1x1x16xf32>,
        %get3A_783 = vector.shape_cast %get3A_782 : vector<1x1x16xf32> to vector<16xf32>
        %add3A_784 = arith.addf %add3A_744, %get3A_783 : vector<16xf32>
        %add3A_785 = arith.constant 32 : i32
        %add3A_786 = arith.addi %mul3A_148, %add3A_785 : i32
        %get3A_787 = arith.constant 0 : i32
        %get3A_788 = arith.index_cast %get3A_787 : i32 to index
        %get3A_789 = arith.index_cast %add3A_786 : i32 to index
        %get3A_790 = arith.constant 16 : index
        %get3A_791 = tpu.vector_load %arg9[%get3A_788, %get3A_789, %get3A_790] {strides = array<i32>} : memref<2x1600x32xf32, #tpu.memory_space<vmem>>, vector<1x1x16xf32>,
        %get3A_792 = vector.shape_cast %get3A_791 : vector<1x1x16xf32> to vector<16xf32>
        %add3A_793 = arith.addf %add3A_753, %get3A_792 : vector<16xf32>
        %add3A_794 = arith.constant 32 : i32
        %add3A_795 = arith.addi %mul3A_148, %add3A_794 : i32
        %add3A_796 = arith.constant 1 : i32
        %add3A_797 = arith.addi %add3A_795, %add3A_796 : i32
        %get3A_798 = arith.constant 0 : i32
        %get3A_799 = arith.index_cast %get3A_798 : i32 to index
        %get3A_800 = arith.index_cast %add3A_797 : i32 to index
        %get3A_801 = arith.constant 0 : index
        %get3A_802 = tpu.vector_load %arg9[%get3A_799, %get3A_800, %get3A_801] {strides = array<i32>} : memref<2x1600x32xf32, #tpu.memory_space<vmem>>, vector<1x1x16xf32>,
        %get3A_803 = vector.shape_cast %get3A_802 : vector<1x1x16xf32> to vector<16xf32>
        %add3A_804 = arith.addf %add3A_764, %get3A_803 : vector<16xf32>
        %add3A_805 = arith.constant 32 : i32
        %add3A_806 = arith.addi %mul3A_148, %add3A_805 : i32
        %add3A_807 = arith.constant 1 : i32
        %add3A_808 = arith.addi %add3A_806, %add3A_807 : i32
        %get3A_809 = arith.constant 0 : i32
        %get3A_810 = arith.index_cast %get3A_809 : i32 to index
        %get3A_811 = arith.index_cast %add3A_808 : i32 to index
        %get3A_812 = arith.constant 16 : index
        %get3A_813 = tpu.vector_load %arg9[%get3A_810, %get3A_811, %get3A_812] {strides = array<i32>} : memref<2x1600x32xf32, #tpu.memory_space<vmem>>, vector<1x1x16xf32>,
        %get3A_814 = vector.shape_cast %get3A_813 : vector<1x1x16xf32> to vector<16xf32>
        %add3A_815 = arith.addf %add3A_775, %get3A_814 : vector<16xf32>
        %add3A_816 = arith.constant 34 : i32
        %add3A_817 = arith.addi %mul3A_148, %add3A_816 : i32
        %get3A_818 = arith.constant 0 : i32
        %get3A_819 = arith.index_cast %get3A_818 : i32 to index
        %get3A_820 = arith.index_cast %add3A_817 : i32 to index
        %get3A_821 = arith.constant 0 : index
        %get3A_822 = tpu.vector_load %arg9[%get3A_819, %get3A_820, %get3A_821] {strides = array<i32>} : memref<2x1600x32xf32, #tpu.memory_space<vmem>>, vector<1x1x16xf32>,
        %get3A_823 = vector.shape_cast %get3A_822 : vector<1x1x16xf32> to vector<16xf32>
        %add3A_824 = arith.addf %add3A_784, %get3A_823 : vector<16xf32>
        %add3A_825 = arith.constant 34 : i32
        %add3A_826 = arith.addi %mul3A_148, %add3A_825 : i32
        %get3A_827 = arith.constant 0 : i32
        %get3A_828 = arith.index_cast %get3A_827 : i32 to index
        %get3A_829 = arith.index_cast %add3A_826 : i32 to index
        %get3A_830 = arith.constant 16 : index
        %get3A_831 = tpu.vector_load %arg9[%get3A_828, %get3A_829, %get3A_830] {strides = array<i32>} : memref<2x1600x32xf32, #tpu.memory_space<vmem>>, vector<1x1x16xf32>,
        %get3A_832 = vector.shape_cast %get3A_831 : vector<1x1x16xf32> to vector<16xf32>
        %add3A_833 = arith.addf %add3A_793, %get3A_832 : vector<16xf32>
        %add3A_834 = arith.constant 34 : i32
        %add3A_835 = arith.addi %mul3A_148, %add3A_834 : i32
        %add3A_836 = arith.constant 1 : i32
        %add3A_837 = arith.addi %add3A_835, %add3A_836 : i32
        %get3A_838 = arith.constant 0 : i32
        %get3A_839 = arith.index_cast %get3A_838 : i32 to index
        %get3A_840 = arith.index_cast %add3A_837 : i32 to index
        %get3A_841 = arith.constant 0 : index
        %get3A_842 = tpu.vector_load %arg9[%get3A_839, %get3A_840, %get3A_841] {strides = array<i32>} : memref<2x1600x32xf32, #tpu.memory_space<vmem>>, vector<1x1x16xf32>,
        %get3A_843 = vector.shape_cast %get3A_842 : vector<1x1x16xf32> to vector<16xf32>
        %add3A_844 = arith.addf %add3A_804, %get3A_843 : vector<16xf32>
        %add3A_845 = arith.constant 34 : i32
        %add3A_846 = arith.addi %mul3A_148, %add3A_845 : i32
        %add3A_847 = arith.constant 1 : i32
        %add3A_848 = arith.addi %add3A_846, %add3A_847 : i32
        %get3A_849 = arith.constant 0 : i32
        %get3A_850 = arith.index_cast %get3A_849 : i32 to index
        %get3A_851 = arith.index_cast %add3A_848 : i32 to index
        %get3A_852 = arith.constant 16 : index
        %get3A_853 = tpu.vector_load %arg9[%get3A_850, %get3A_851, %get3A_852] {strides = array<i32>} : memref<2x1600x32xf32, #tpu.memory_space<vmem>>, vector<1x1x16xf32>,
        %get3A_854 = vector.shape_cast %get3A_853 : vector<1x1x16xf32> to vector<16xf32>
        %add3A_855 = arith.addf %add3A_815, %get3A_854 : vector<16xf32>
        %add3A_856 = arith.constant 36 : i32
        %add3A_857 = arith.addi %mul3A_148, %add3A_856 : i32
        %get3A_858 = arith.constant 0 : i32
        %get3A_859 = arith.index_cast %get3A_858 : i32 to index
        %get3A_860 = arith.index_cast %add3A_857 : i32 to index
        %get3A_861 = arith.constant 0 : index
        %get3A_862 = tpu.vector_load %arg9[%get3A_859, %get3A_860, %get3A_861] {strides = array<i32>} : memref<2x1600x32xf32, #tpu.memory_space<vmem>>, vector<1x1x16xf32>,
        %get3A_863 = vector.shape_cast %get3A_862 : vector<1x1x16xf32> to vector<16xf32>
        %add3A_864 = arith.addf %add3A_824, %get3A_863 : vector<16xf32>
        %add3A_865 = arith.constant 36 : i32
        %add3A_866 = arith.addi %mul3A_148, %add3A_865 : i32
        %get3A_867 = arith.constant 0 : i32
        %get3A_868 = arith.index_cast %get3A_867 : i32 to index
        %get3A_869 = arith.index_cast %add3A_866 : i32 to index
        %get3A_870 = arith.constant 16 : index
        %get3A_871 = tpu.vector_load %arg9[%get3A_868, %get3A_869, %get3A_870] {strides = array<i32>} : memref<2x1600x32xf32, #tpu.memory_space<vmem>>, vector<1x1x16xf32>,
        %get3A_872 = vector.shape_cast %get3A_871 : vector<1x1x16xf32> to vector<16xf32>
        %add3A_873 = arith.addf %add3A_833, %get3A_872 : vector<16xf32>
        %add3A_874 = arith.constant 36 : i32
        %add3A_875 = arith.addi %mul3A_148, %add3A_874 : i32
        %add3A_876 = arith.constant 1 : i32
        %add3A_877 = arith.addi %add3A_875, %add3A_876 : i32
        %get3A_878 = arith.constant 0 : i32
        %get3A_879 = arith.index_cast %get3A_878 : i32 to index
        %get3A_880 = arith.index_cast %add3A_877 : i32 to index
        %get3A_881 = arith.constant 0 : index
        %get3A_882 = tpu.vector_load %arg9[%get3A_879, %get3A_880, %get3A_881] {strides = array<i32>} : memref<2x1600x32xf32, #tpu.memory_space<vmem>>, vector<1x1x16xf32>,
        %get3A_883 = vector.shape_cast %get3A_882 : vector<1x1x16xf32> to vector<16xf32>
        %add3A_884 = arith.addf %add3A_844, %get3A_883 : vector<16xf32>
        %add3A_885 = arith.constant 36 : i32
        %add3A_886 = arith.addi %mul3A_148, %add3A_885 : i32
        %add3A_887 = arith.constant 1 : i32
        %add3A_888 = arith.addi %add3A_886, %add3A_887 : i32
        %get3A_889 = arith.constant 0 : i32
        %get3A_890 = arith.index_cast %get3A_889 : i32 to index
        %get3A_891 = arith.index_cast %add3A_888 : i32 to index
        %get3A_892 = arith.constant 16 : index
        %get3A_893 = tpu.vector_load %arg9[%get3A_890, %get3A_891, %get3A_892] {strides = array<i32>} : memref<2x1600x32xf32, #tpu.memory_space<vmem>>, vector<1x1x16xf32>,
        %get3A_894 = vector.shape_cast %get3A_893 : vector<1x1x16xf32> to vector<16xf32>
        %add3A_895 = arith.addf %add3A_855, %get3A_894 : vector<16xf32>
        %add3A_896 = arith.constant 38 : i32
        %add3A_897 = arith.addi %mul3A_148, %add3A_896 : i32
        %get3A_898 = arith.constant 0 : i32
        %get3A_899 = arith.index_cast %get3A_898 : i32 to index
        %get3A_900 = arith.index_cast %add3A_897 : i32 to index
        %get3A_901 = arith.constant 0 : index
        %get3A_902 = tpu.vector_load %arg9[%get3A_899, %get3A_900, %get3A_901] {strides = array<i32>} : memref<2x1600x32xf32, #tpu.memory_space<vmem>>, vector<1x1x16xf32>,
        %get3A_903 = vector.shape_cast %get3A_902 : vector<1x1x16xf32> to vector<16xf32>
        %add3A_904 = arith.addf %add3A_864, %get3A_903 : vector<16xf32>
        %add3A_905 = arith.constant 38 : i32
        %add3A_906 = arith.addi %mul3A_148, %add3A_905 : i32
        %get3A_907 = arith.constant 0 : i32
        %get3A_908 = arith.index_cast %get3A_907 : i32 to index
        %get3A_909 = arith.index_cast %add3A_906 : i32 to index
        %get3A_910 = arith.constant 16 : index
        %get3A_911 = tpu.vector_load %arg9[%get3A_908, %get3A_909, %get3A_910] {strides = array<i32>} : memref<2x1600x32xf32, #tpu.memory_space<vmem>>, vector<1x1x16xf32>,
        %get3A_912 = vector.shape_cast %get3A_911 : vector<1x1x16xf32> to vector<16xf32>
        %add3A_913 = arith.addf %add3A_873, %get3A_912 : vector<16xf32>
        %add3A_914 = arith.constant 38 : i32
        %add3A_915 = arith.addi %mul3A_148, %add3A_914 : i32
        %add3A_916 = arith.constant 1 : i32
        %add3A_917 = arith.addi %add3A_915, %add3A_916 : i32
        %get3A_918 = arith.constant 0 : i32
        %get3A_919 = arith.index_cast %get3A_918 : i32 to index
        %get3A_920 = arith.index_cast %add3A_917 : i32 to index
        %get3A_921 = arith.constant 0 : index
        %get3A_922 = tpu.vector_load %arg9[%get3A_919, %get3A_920, %get3A_921] {strides = array<i32>} : memref<2x1600x32xf32, #tpu.memory_space<vmem>>, vector<1x1x16xf32>,
        %get3A_923 = vector.shape_cast %get3A_922 : vector<1x1x16xf32> to vector<16xf32>
        %add3A_924 = arith.addf %add3A_884, %get3A_923 : vector<16xf32>
        %add3A_925 = arith.constant 38 : i32
        %add3A_926 = arith.addi %mul3A_148, %add3A_925 : i32
        %add3A_927 = arith.constant 1 : i32
        %add3A_928 = arith.addi %add3A_926, %add3A_927 : i32
        %get3A_929 = arith.constant 0 : i32
        %get3A_930 = arith.index_cast %get3A_929 : i32 to index
        %get3A_931 = arith.index_cast %add3A_928 : i32 to index
        %get3A_932 = arith.constant 16 : index
        %get3A_933 = tpu.vector_load %arg9[%get3A_930, %get3A_931, %get3A_932] {strides = array<i32>} : memref<2x1600x32xf32, #tpu.memory_space<vmem>>, vector<1x1x16xf32>,
        %get3A_934 = vector.shape_cast %get3A_933 : vector<1x1x16xf32> to vector<16xf32>
        %add3A_935 = arith.addf %add3A_895, %get3A_934 : vector<16xf32>
        %add3A_936 = arith.constant 40 : i32
        %add3A_937 = arith.addi %mul3A_148, %add3A_936 : i32
        %get3A_938 = arith.constant 0 : i32
        %get3A_939 = arith.index_cast %get3A_938 : i32 to index
        %get3A_940 = arith.index_cast %add3A_937 : i32 to index
        %get3A_941 = arith.constant 0 : index
        %get3A_942 = tpu.vector_load %arg9[%get3A_939, %get3A_940, %get3A_941] {strides = array<i32>} : memref<2x1600x32xf32, #tpu.memory_space<vmem>>, vector<1x1x16xf32>,
        %get3A_943 = vector.shape_cast %get3A_942 : vector<1x1x16xf32> to vector<16xf32>
        %add3A_944 = arith.addf %add3A_904, %get3A_943 : vector<16xf32>
        %add3A_945 = arith.constant 40 : i32
        %add3A_946 = arith.addi %mul3A_148, %add3A_945 : i32
        %get3A_947 = arith.constant 0 : i32
        %get3A_948 = arith.index_cast %get3A_947 : i32 to index
        %get3A_949 = arith.index_cast %add3A_946 : i32 to index
        %get3A_950 = arith.constant 16 : index
        %get3A_951 = tpu.vector_load %arg9[%get3A_948, %get3A_949, %get3A_950] {strides = array<i32>} : memref<2x1600x32xf32, #tpu.memory_space<vmem>>, vector<1x1x16xf32>,
        %get3A_952 = vector.shape_cast %get3A_951 : vector<1x1x16xf32> to vector<16xf32>
        %add3A_953 = arith.addf %add3A_913, %get3A_952 : vector<16xf32>
        %add3A_954 = arith.constant 40 : i32
        %add3A_955 = arith.addi %mul3A_148, %add3A_954 : i32
        %add3A_956 = arith.constant 1 : i32
        %add3A_957 = arith.addi %add3A_955, %add3A_956 : i32
        %get3A_958 = arith.constant 0 : i32
        %get3A_959 = arith.index_cast %get3A_958 : i32 to index
        %get3A_960 = arith.index_cast %add3A_957 : i32 to index
        %get3A_961 = arith.constant 0 : index
        %get3A_962 = tpu.vector_load %arg9[%get3A_959, %get3A_960, %get3A_961] {strides = array<i32>} : memref<2x1600x32xf32, #tpu.memory_space<vmem>>, vector<1x1x16xf32>,
        %get3A_963 = vector.shape_cast %get3A_962 : vector<1x1x16xf32> to vector<16xf32>
        %add3A_964 = arith.addf %add3A_924, %get3A_963 : vector<16xf32>
        %add3A_965 = arith.constant 40 : i32
        %add3A_966 = arith.addi %mul3A_148, %add3A_965 : i32
        %add3A_967 = arith.constant 1 : i32
        %add3A_968 = arith.addi %add3A_966, %add3A_967 : i32
        %get3A_969 = arith.constant 0 : i32
        %get3A_970 = arith.index_cast %get3A_969 : i32 to index
        %get3A_971 = arith.index_cast %add3A_968 : i32 to index
        %get3A_972 = arith.constant 16 : index
        %get3A_973 = tpu.vector_load %arg9[%get3A_970, %get3A_971, %get3A_972] {strides = array<i32>} : memref<2x1600x32xf32, #tpu.memory_space<vmem>>, vector<1x1x16xf32>,
        %get3A_974 = vector.shape_cast %get3A_973 : vector<1x1x16xf32> to vector<16xf32>
        %add3A_975 = arith.addf %add3A_935, %get3A_974 : vector<16xf32>
        %add3A_976 = arith.constant 42 : i32
        %add3A_977 = arith.addi %mul3A_148, %add3A_976 : i32
        %get3A_978 = arith.constant 0 : i32
        %get3A_979 = arith.index_cast %get3A_978 : i32 to index
        %get3A_980 = arith.index_cast %add3A_977 : i32 to index
        %get3A_981 = arith.constant 0 : index
        %get3A_982 = tpu.vector_load %arg9[%get3A_979, %get3A_980, %get3A_981] {strides = array<i32>} : memref<2x1600x32xf32, #tpu.memory_space<vmem>>, vector<1x1x16xf32>,
        %get3A_983 = vector.shape_cast %get3A_982 : vector<1x1x16xf32> to vector<16xf32>
        %add3A_984 = arith.addf %add3A_944, %get3A_983 : vector<16xf32>
        %add3A_985 = arith.constant 42 : i32
        %add3A_986 = arith.addi %mul3A_148, %add3A_985 : i32
        %get3A_987 = arith.constant 0 : i32
        %get3A_988 = arith.index_cast %get3A_987 : i32 to index
        %get3A_989 = arith.index_cast %add3A_986 : i32 to index
        %get3A_990 = arith.constant 16 : index
        %get3A_991 = tpu.vector_load %arg9[%get3A_988, %get3A_989, %get3A_990] {strides = array<i32>} : memref<2x1600x32xf32, #tpu.memory_space<vmem>>, vector<1x1x16xf32>,
        %get3A_992 = vector.shape_cast %get3A_991 : vector<1x1x16xf32> to vector<16xf32>
        %add3A_993 = arith.addf %add3A_953, %get3A_992 : vector<16xf32>
        %add3A_994 = arith.constant 42 : i32
        %add3A_995 = arith.addi %mul3A_148, %add3A_994 : i32
        %add3A_996 = arith.constant 1 : i32
        %add3A_997 = arith.addi %add3A_995, %add3A_996 : i32
        %get3A_998 = arith.constant 0 : i32
        %get3A_999 = arith.index_cast %get3A_998 : i32 to index
        %get3A_1000 = arith.index_cast %add3A_997 : i32 to index
        %get3A_1001 = arith.constant 0 : index
        %get3A_1002 = tpu.vector_load %arg9[%get3A_999, %get3A_1000, %get3A_1001] {strides = array<i32>} : memref<2x1600x32xf32, #tpu.memory_space<vmem>>, vector<1x1x16xf32>,
        %get3A_1003 = vector.shape_cast %get3A_1002 : vector<1x1x16xf32> to vector<16xf32>
        %add3A_1004 = arith.addf %add3A_964, %get3A_1003 : vector<16xf32>
        %add3A_1005 = arith.constant 42 : i32
        %add3A_1006 = arith.addi %mul3A_148, %add3A_1005 : i32
        %add3A_1007 = arith.constant 1 : i32
        %add3A_1008 = arith.addi %add3A_1006, %add3A_1007 : i32
        %get3A_1009 = arith.constant 0 : i32
        %get3A_1010 = arith.index_cast %get3A_1009 : i32 to index
        %get3A_1011 = arith.index_cast %add3A_1008 : i32 to index
        %get3A_1012 = arith.constant 16 : index
        %get3A_1013 = tpu.vector_load %arg9[%get3A_1010, %get3A_1011, %get3A_1012] {strides = array<i32>} : memref<2x1600x32xf32, #tpu.memory_space<vmem>>, vector<1x1x16xf32>,
        %get3A_1014 = vector.shape_cast %get3A_1013 : vector<1x1x16xf32> to vector<16xf32>
        %add3A_1015 = arith.addf %add3A_975, %get3A_1014 : vector<16xf32>
        %add3A_1016 = arith.constant 44 : i32
        %add3A_1017 = arith.addi %mul3A_148, %add3A_1016 : i32
        %get3A_1018 = arith.constant 0 : i32
        %get3A_1019 = arith.index_cast %get3A_1018 : i32 to index
        %get3A_1020 = arith.index_cast %add3A_1017 : i32 to index
        %get3A_1021 = arith.constant 0 : index
        %get3A_1022 = tpu.vector_load %arg9[%get3A_1019, %get3A_1020, %get3A_1021] {strides = array<i32>} : memref<2x1600x32xf32, #tpu.memory_space<vmem>>, vector<1x1x16xf32>,
        %get3A_1023 = vector.shape_cast %get3A_1022 : vector<1x1x16xf32> to vector<16xf32>
        %add3A_1024 = arith.addf %add3A_984, %get3A_1023 : vector<16xf32>
        %add3A_1025 = arith.constant 44 : i32
        %add3A_1026 = arith.addi %mul3A_148, %add3A_1025 : i32
        %get3A_1027 = arith.constant 0 : i32
        %get3A_1028 = arith.index_cast %get3A_1027 : i32 to index
        %get3A_1029 = arith.index_cast %add3A_1026 : i32 to index
        %get3A_1030 = arith.constant 16 : index
        %get3A_1031 = tpu.vector_load %arg9[%get3A_1028, %get3A_1029, %get3A_1030] {strides = array<i32>} : memref<2x1600x32xf32, #tpu.memory_space<vmem>>, vector<1x1x16xf32>,
        %get3A_1032 = vector.shape_cast %get3A_1031 : vector<1x1x16xf32> to vector<16xf32>
        %add3A_1033 = arith.addf %add3A_993, %get3A_1032 : vector<16xf32>
        %add3A_1034 = arith.constant 44 : i32
        %add3A_1035 = arith.addi %mul3A_148, %add3A_1034 : i32
        %add3A_1036 = arith.constant 1 : i32
        %add3A_1037 = arith.addi %add3A_1035, %add3A_1036 : i32
        %get3A_1038 = arith.constant 0 : i32
        %get3A_1039 = arith.index_cast %get3A_1038 : i32 to index
        %get3A_1040 = arith.index_cast %add3A_1037 : i32 to index
        %get3A_1041 = arith.constant 0 : index
        %get3A_1042 = tpu.vector_load %arg9[%get3A_1039, %get3A_1040, %get3A_1041] {strides = array<i32>} : memref<2x1600x32xf32, #tpu.memory_space<vmem>>, vector<1x1x16xf32>,
        %get3A_1043 = vector.shape_cast %get3A_1042 : vector<1x1x16xf32> to vector<16xf32>
        %add3A_1044 = arith.addf %add3A_1004, %get3A_1043 : vector<16xf32>
        %add3A_1045 = arith.constant 44 : i32
        %add3A_1046 = arith.addi %mul3A_148, %add3A_1045 : i32
        %add3A_1047 = arith.constant 1 : i32
        %add3A_1048 = arith.addi %add3A_1046, %add3A_1047 : i32
        %get3A_1049 = arith.constant 0 : i32
        %get3A_1050 = arith.index_cast %get3A_1049 : i32 to index
        %get3A_1051 = arith.index_cast %add3A_1048 : i32 to index
        %get3A_1052 = arith.constant 16 : index
        %get3A_1053 = tpu.vector_load %arg9[%get3A_1050, %get3A_1051, %get3A_1052] {strides = array<i32>} : memref<2x1600x32xf32, #tpu.memory_space<vmem>>, vector<1x1x16xf32>,
        %get3A_1054 = vector.shape_cast %get3A_1053 : vector<1x1x16xf32> to vector<16xf32>
        %add3A_1055 = arith.addf %add3A_1015, %get3A_1054 : vector<16xf32>
        %add3A_1056 = arith.constant 46 : i32
        %add3A_1057 = arith.addi %mul3A_148, %add3A_1056 : i32
        %get3A_1058 = arith.constant 0 : i32
        %get3A_1059 = arith.index_cast %get3A_1058 : i32 to index
        %get3A_1060 = arith.index_cast %add3A_1057 : i32 to index
        %get3A_1061 = arith.constant 0 : index
        %get3A_1062 = tpu.vector_load %arg9[%get3A_1059, %get3A_1060, %get3A_1061] {strides = array<i32>} : memref<2x1600x32xf32, #tpu.memory_space<vmem>>, vector<1x1x16xf32>,
        %get3A_1063 = vector.shape_cast %get3A_1062 : vector<1x1x16xf32> to vector<16xf32>
        %add3A_1064 = arith.addf %add3A_1024, %get3A_1063 : vector<16xf32>
        %add3A_1065 = arith.constant 46 : i32
        %add3A_1066 = arith.addi %mul3A_148, %add3A_1065 : i32
        %get3A_1067 = arith.constant 0 : i32
        %get3A_1068 = arith.index_cast %get3A_1067 : i32 to index
        %get3A_1069 = arith.index_cast %add3A_1066 : i32 to index
        %get3A_1070 = arith.constant 16 : index
        %get3A_1071 = tpu.vector_load %arg9[%get3A_1068, %get3A_1069, %get3A_1070] {strides = array<i32>} : memref<2x1600x32xf32, #tpu.memory_space<vmem>>, vector<1x1x16xf32>,
        %get3A_1072 = vector.shape_cast %get3A_1071 : vector<1x1x16xf32> to vector<16xf32>
        %add3A_1073 = arith.addf %add3A_1033, %get3A_1072 : vector<16xf32>
        %add3A_1074 = arith.constant 46 : i32
        %add3A_1075 = arith.addi %mul3A_148, %add3A_1074 : i32
        %add3A_1076 = arith.constant 1 : i32
        %add3A_1077 = arith.addi %add3A_1075, %add3A_1076 : i32
        %get3A_1078 = arith.constant 0 : i32
        %get3A_1079 = arith.index_cast %get3A_1078 : i32 to index
        %get3A_1080 = arith.index_cast %add3A_1077 : i32 to index
        %get3A_1081 = arith.constant 0 : index
        %get3A_1082 = tpu.vector_load %arg9[%get3A_1079, %get3A_1080, %get3A_1081] {strides = array<i32>} : memref<2x1600x32xf32, #tpu.memory_space<vmem>>, vector<1x1x16xf32>,
        %get3A_1083 = vector.shape_cast %get3A_1082 : vector<1x1x16xf32> to vector<16xf32>
        %add3A_1084 = arith.addf %add3A_1044, %get3A_1083 : vector<16xf32>
        %add3A_1085 = arith.constant 46 : i32
        %add3A_1086 = arith.addi %mul3A_148, %add3A_1085 : i32
        %add3A_1087 = arith.constant 1 : i32
        %add3A_1088 = arith.addi %add3A_1086, %add3A_1087 : i32
        %get3A_1089 = arith.constant 0 : i32
        %get3A_1090 = arith.index_cast %get3A_1089 : i32 to index
        %get3A_1091 = arith.index_cast %add3A_1088 : i32 to index
        %get3A_1092 = arith.constant 16 : index
        %get3A_1093 = tpu.vector_load %arg9[%get3A_1090, %get3A_1091, %get3A_1092] {strides = array<i32>} : memref<2x1600x32xf32, #tpu.memory_space<vmem>>, vector<1x1x16xf32>,
        %get3A_1094 = vector.shape_cast %get3A_1093 : vector<1x1x16xf32> to vector<16xf32>
        %add3A_1095 = arith.addf %add3A_1055, %get3A_1094 : vector<16xf32>
        %add3A_1096 = arith.constant 48 : i32
        %add3A_1097 = arith.addi %mul3A_148, %add3A_1096 : i32
        %get3A_1098 = arith.constant 0 : i32
        %get3A_1099 = arith.index_cast %get3A_1098 : i32 to index
        %get3A_1100 = arith.index_cast %add3A_1097 : i32 to index
        %get3A_1101 = arith.constant 0 : index
        %get3A_1102 = tpu.vector_load %arg9[%get3A_1099, %get3A_1100, %get3A_1101] {strides = array<i32>} : memref<2x1600x32xf32, #tpu.memory_space<vmem>>, vector<1x1x16xf32>,
        %get3A_1103 = vector.shape_cast %get3A_1102 : vector<1x1x16xf32> to vector<16xf32>
        %add3A_1104 = arith.addf %add3A_1064, %get3A_1103 : vector<16xf32>
        %add3A_1105 = arith.constant 48 : i32
        %add3A_1106 = arith.addi %mul3A_148, %add3A_1105 : i32
        %get3A_1107 = arith.constant 0 : i32
        %get3A_1108 = arith.index_cast %get3A_1107 : i32 to index
        %get3A_1109 = arith.index_cast %add3A_1106 : i32 to index
        %get3A_1110 = arith.constant 16 : index
        %get3A_1111 = tpu.vector_load %arg9[%get3A_1108, %get3A_1109, %get3A_1110] {strides = array<i32>} : memref<2x1600x32xf32, #tpu.memory_space<vmem>>, vector<1x1x16xf32>,
        %get3A_1112 = vector.shape_cast %get3A_1111 : vector<1x1x16xf32> to vector<16xf32>
        %add3A_1113 = arith.addf %add3A_1073, %get3A_1112 : vector<16xf32>
        %add3A_1114 = arith.constant 48 : i32
        %add3A_1115 = arith.addi %mul3A_148, %add3A_1114 : i32
        %add3A_1116 = arith.constant 1 : i32
        %add3A_1117 = arith.addi %add3A_1115, %add3A_1116 : i32
        %get3A_1118 = arith.constant 0 : i32
        %get3A_1119 = arith.index_cast %get3A_1118 : i32 to index
        %get3A_1120 = arith.index_cast %add3A_1117 : i32 to index
        %get3A_1121 = arith.constant 0 : index
        %get3A_1122 = tpu.vector_load %arg9[%get3A_1119, %get3A_1120, %get3A_1121] {strides = array<i32>} : memref<2x1600x32xf32, #tpu.memory_space<vmem>>, vector<1x1x16xf32>,
        %get3A_1123 = vector.shape_cast %get3A_1122 : vector<1x1x16xf32> to vector<16xf32>
        %add3A_1124 = arith.addf %add3A_1084, %get3A_1123 : vector<16xf32>
        %add3A_1125 = arith.constant 48 : i32
        %add3A_1126 = arith.addi %mul3A_148, %add3A_1125 : i32
        %add3A_1127 = arith.constant 1 : i32
        %add3A_1128 = arith.addi %add3A_1126, %add3A_1127 : i32
        %get3A_1129 = arith.constant 0 : i32
        %get3A_1130 = arith.index_cast %get3A_1129 : i32 to index
        %get3A_1131 = arith.index_cast %add3A_1128 : i32 to index
        %get3A_1132 = arith.constant 16 : index
        %get3A_1133 = tpu.vector_load %arg9[%get3A_1130, %get3A_1131, %get3A_1132] {strides = array<i32>} : memref<2x1600x32xf32, #tpu.memory_space<vmem>>, vector<1x1x16xf32>,
        %get3A_1134 = vector.shape_cast %get3A_1133 : vector<1x1x16xf32> to vector<16xf32>
        %add3A_1135 = arith.addf %add3A_1095, %get3A_1134 : vector<16xf32>
        %add3A_1136 = arith.addf %add3A_1104, %add3A_1124 : vector<16xf32>
        %add3A_1137 = arith.addf %add3A_1113, %add3A_1135 : vector<16xf32>
        %mul3A_1138 = arith.constant 32 : i32
        %mul3A_1139 = arith.muli %add3A_84, %mul3A_1138 : i32
        %add3A_1140 = arith.addi %mul3A_1139, %scan3A_145 : i32
        %get3A_1141 = arith.index_cast %add3A_1140 : i32 to index
        %get3A_1142 = arith.constant 0 : index
        %get3A_1143 = tpu.vector_load %arg11[%get3A_1141, %get3A_1142] {strides = array<i32>} : memref<512x32xf32, #tpu.memory_space<vmem>>, vector<1x16xf32>,
        %get3A_1144 = vector.shape_cast %get3A_1143 : vector<1x16xf32> to vector<16xf32>
        %get3A_1145 = arith.index_cast %add3A_1140 : i32 to index
        %get3A_1146 = arith.constant 16 : index
        %get3A_1147 = tpu.vector_load %arg11[%get3A_1145, %get3A_1146] {strides = array<i32>} : memref<512x32xf32, #tpu.memory_space<vmem>>, vector<1x16xf32>,
        %get3A_1148 = vector.shape_cast %get3A_1147 : vector<1x16xf32> to vector<16xf32>
        %mul3A_1149 = arith.mulf %add3A_1136, %get3A_1144 : vector<16xf32>
        %mul3A_1150 = arith.mulf %add3A_1137, %get3A_1148 : vector<16xf32>
        %add3A_1151 = arith.addf %mul3A_1149, %mul3A_1150 : vector<16xf32>
        %xor3A = arith.constant 8 : i32
        %xor3A_1152 = vector.broadcast %xor3A : i32 to vector<16xi32>
        %xor3A_1153 = arith.xori %iota3A, %xor3A_1152 : vector<16xi32>
        %broadcast_in_dim3A_1154 = vector.shape_cast %xor3A_1153 : vector<16xi32> to vector<16x1xi32>
        %gather3A = vector.shape_cast %broadcast_in_dim3A_1154 : vector<16x1xi32> to vector<16xi32>
        %gather3A_1155 = tpu.dynamic_gather %add3A_1151[%gather3A] in [0] : vector<16xf32>, vector<16xi32> -> vector<16xf32>
        %add3A_1156 = arith.addf %add3A_1151, %gather3A_1155 : vector<16xf32>
        %xor3A_1157 = arith.constant 4 : i32
        %xor3A_1158 = vector.broadcast %xor3A_1157 : i32 to vector<16xi32>
        %xor3A_1159 = arith.xori %iota3A, %xor3A_1158 : vector<16xi32>
        %broadcast_in_dim3A_1160 = vector.shape_cast %xor3A_1159 : vector<16xi32> to vector<16x1xi32>
        %gather3A_1161 = vector.shape_cast %broadcast_in_dim3A_1160 : vector<16x1xi32> to vector<16xi32>
        %gather3A_1162 = tpu.dynamic_gather %add3A_1156[%gather3A_1161] in [0] : vector<16xf32>, vector<16xi32> -> vector<16xf32>
        %add3A_1163 = arith.addf %add3A_1156, %gather3A_1162 : vector<16xf32>
        %xor3A_1164 = arith.constant 2 : i32
        %xor3A_1165 = vector.broadcast %xor3A_1164 : i32 to vector<16xi32>
        %xor3A_1166 = arith.xori %iota3A, %xor3A_1165 : vector<16xi32>
        %broadcast_in_dim3A_1167 = vector.shape_cast %xor3A_1166 : vector<16xi32> to vector<16x1xi32>
        %gather3A_1168 = vector.shape_cast %broadcast_in_dim3A_1167 : vector<16x1xi32> to vector<16xi32>
        %gather3A_1169 = tpu.dynamic_gather %add3A_1163[%gather3A_1168] in [0] : vector<16xf32>, vector<16xi32> -> vector<16xf32>
        %add3A_1170 = arith.addf %add3A_1163, %gather3A_1169 : vector<16xf32>
        %xor3A_1171 = arith.constant 1 : i32
        %xor3A_1172 = vector.broadcast %xor3A_1171 : i32 to vector<16xi32>
        %xor3A_1173 = arith.xori %iota3A, %xor3A_1172 : vector<16xi32>
        %broadcast_in_dim3A_1174 = vector.shape_cast %xor3A_1173 : vector<16xi32> to vector<16x1xi32>
        %gather3A_1175 = vector.shape_cast %broadcast_in_dim3A_1174 : vector<16x1xi32> to vector<16xi32>
        %gather3A_1176 = tpu.dynamic_gather %add3A_1170[%gather3A_1175] in [0] : vector<16xf32>, vector<16xi32> -> vector<16xf32>
        %add3A_1177 = arith.addf %add3A_1170, %gather3A_1176 : vector<16xf32>
        %and3A = arith.constant 15 : i32
        %and3A_1178 = arith.andi %scan3A_145, %and3A : i32
        %eq3A = vector.broadcast %and3A_1178 : i32 to vector<16xi32>
        %eq3A_1179 = arith.cmpi eq, %iota3A, %eq3A : vector<16xi32>
        %select_n3A = arith.select %eq3A_1179, %add3A_1177, %scan3A_146 : vector<16xi1>, vector<16xf32>
        %eq3A_1180 = arith.constant 15 : i32
        %eq3A_1181 = arith.cmpi eq, %and3A_1178, %eq3A_1180 : i32
        %convert_element_type3A_1182 = arith.extui %eq3A_1181 : i1 to i32
        %cond3A_1183 = arith.constant 0 : i32
        %cond3A_1184 = arith.cmpi ne, %convert_element_type3A_1182, %cond3A_1183 : i32
        scf.if %cond3A_1184 {
          %sub3A = arith.constant 15 : i32
          %sub3A_1185 = arith.subi %add3A_1140, %sub3A : i32
          %multiple_of3A = tpu.assume_multiple %sub3A_1185, 16 : i32
          %swap3A = arith.index_cast %multiple_of3A : i32 to index
          %swap3A_1186 = tpu.vector_load %arg13[%swap3A] {strides = array<i32>} : memref<512xf32, #tpu.memory_space<vmem>>, vector<16xf32>,
          %swap3A_1187 = vector.shape_cast %swap3A_1186 : vector<16xf32> to vector<16xf32>
          %swap3A_1188 = vector.shape_cast %select_n3A : vector<16xf32> to vector<16xf32>
          tpu.vector_store %arg13[%swap3A], %swap3A_1188 {strides = array<i32>} : memref<512xf32, #tpu.memory_space<vmem>>, vector<16xf32>,
        } else {
        }
        scf.yield %select_n3A : vector<16xf32>
      }
      %scan3A_110 = arith.constant 32 : i32
      %mul3A_111 = arith.constant 2 : i32
      %mul3A_112 = arith.muli %scan3A_80, %mul3A_111 : i32
      %add3A_113 = arith.constant 1 : i32
      %add3A_114 = arith.addi %mul3A_112, %add3A_113 : i32
      %add3A_115 = arith.constant 1 : i32
      %add3A_116 = arith.addi %add3A_114, %add3A_115 : i32
      %lt3A_117 = arith.constant 16 : i32
      %lt3A_118 = arith.cmpi slt, %add3A_116, %lt3A_117 : i32
      %convert_element_type3A_119 = arith.extui %lt3A_118 : i1 to i32
      %cond3A_120 = arith.constant 0 : i32
      %cond3A_121 = arith.cmpi ne, %convert_element_type3A_119, %cond3A_120 : i32
      scf.if %cond3A_121 {
        %add3A_145 = arith.constant 1 : i32
        %add3A_146 = arith.addi %add3A_114, %add3A_145 : i32
        %mul3A_147 = arith.constant 256 : i32
        %mul3A_148 = arith.muli %add3A, %mul3A_147 : i32
        %mul3A_149 = arith.constant 16 : i32
        %mul3A_150 = arith.muli %add3A_146, %mul3A_149 : i32
        %add3A_151 = arith.addi %mul3A_148, %mul3A_150 : i32
        %run_scoped3A_152 = arith.constant 0 : i32
        "tpu.region"() ({
          %run_scoped3A_159 = tpu.sem_alloc : memref<!tpu.dma_semaphore, #tpu.memory_space<semaphore_mem>>
          %dma_start3A_160 = arith.constant 0 : i32
          %dma_start3A_161 = arith.constant 0 : i32
          %dma_start3A_162 = tpu.memref_slice %arg8[%run_scoped3A_152, %dma_start3A_160, %dma_start3A_161] : memref<2x16x100xi32, #tpu.memory_space<vmem>> -> memref<1x16x100xi32, #tpu.memory_space<vmem>>
          %dma_start3A_163 = tpu.memref_squeeze %dma_start3A_162 : memref<1x16x100xi32, #tpu.memory_space<vmem>> -> memref<16x100xi32, #tpu.memory_space<vmem>>
          %dma_start3A_164 = arith.constant 0 : i32
          %dma_start3A_165 = tpu.memref_slice %arg3[%add3A_151, %dma_start3A_164] : memref<8192x100xi32, #tpu.memory_space<hbm>> -> memref<16x100xi32, #tpu.memory_space<hbm>>
          %dma_start3A_166 = arith.constant 0 : i32
          %dma_start3A_167 = arith.constant 0 : i32
          %dma_start3A_168 = tpu.memref_slice %arg8[%run_scoped3A_152, %dma_start3A_166, %dma_start3A_167] : memref<2x16x100xi32, #tpu.memory_space<vmem>> -> memref<1x16x100xi32, #tpu.memory_space<vmem>>
          %dma_start3A_169 = tpu.memref_squeeze %dma_start3A_168 : memref<1x16x100xi32, #tpu.memory_space<vmem>> -> memref<16x100xi32, #tpu.memory_space<vmem>>
          %dma_start3A_170 = arith.constant 0 : i32
          %dma_start3A_171 = tpu.memref_slice %arg3[%add3A_151, %dma_start3A_170] : memref<8192x100xi32, #tpu.memory_space<hbm>> -> memref<16x100xi32, #tpu.memory_space<hbm>>
          tpu.enqueue_dma source(%dma_start3A_171 : memref<16x100xi32, #tpu.memory_space<hbm>>) target(%dma_start3A_169 : memref<16x100xi32, #tpu.memory_space<vmem>>) target_semaphore(%run_scoped3A_159 : memref<!tpu.dma_semaphore, #tpu.memory_space<semaphore_mem>>)
          %dma_wait3A_172 = arith.constant 0 : i32
          %dma_wait3A_173 = arith.constant 0 : i32
          %dma_wait3A_174 = tpu.memref_slice %arg8[%run_scoped3A_152, %dma_wait3A_172, %dma_wait3A_173] : memref<2x16x100xi32, #tpu.memory_space<vmem>> -> memref<1x16x100xi32, #tpu.memory_space<vmem>>
          %dma_wait3A_175 = tpu.memref_squeeze %dma_wait3A_174 : memref<1x16x100xi32, #tpu.memory_space<vmem>> -> memref<16x100xi32, #tpu.memory_space<vmem>>
          %dma_wait3A_176 = arith.constant 0 : i32
          %dma_wait3A_177 = tpu.memref_slice %arg3[%add3A_151, %dma_wait3A_176] : memref<8192x100xi32, #tpu.memory_space<hbm>> -> memref<16x100xi32, #tpu.memory_space<hbm>>
          %dma_wait3A_178 = arith.constant 0 : i32
          %dma_wait3A_179 = arith.constant 0 : i32
          %dma_wait3A_180 = tpu.memref_slice %arg8[%run_scoped3A_152, %dma_wait3A_178, %dma_wait3A_179] : memref<2x16x100xi32, #tpu.memory_space<vmem>> -> memref<1x16x100xi32, #tpu.memory_space<vmem>>
          %dma_wait3A_181 = tpu.memref_squeeze %dma_wait3A_180 : memref<1x16x100xi32, #tpu.memory_space<vmem>> -> memref<16x100xi32, #tpu.memory_space<vmem>>
          %dma_wait3A_182 = arith.constant 0 : i32
          %dma_wait3A_183 = tpu.memref_slice %arg3[%add3A_151, %dma_wait3A_182] : memref<8192x100xi32, #tpu.memory_space<hbm>> -> memref<16x100xi32, #tpu.memory_space<hbm>>
          tpu.wait_dma2 semaphore(%run_scoped3A_159 : memref<!tpu.dma_semaphore, #tpu.memory_space<semaphore_mem>>) src(%dma_wait3A_183 : memref<16x100xi32, #tpu.memory_space<hbm>>) dst(%dma_wait3A_181 : memref<16x100xi32, #tpu.memory_space<vmem>>)
          tpu.yield
        }) : () -> ()
        %scan3A_153 = arith.constant 0 : i32
        %scan3A_154 = arith.constant 0 : i32
        %scan3A_155 = arith.constant 16 : i32
        %scan3A_156 = arith.addi %scan3A_154, %scan3A_155 : i32
        %scan3A_157 = arith.constant 1 : i32
        scf.for %scan3A_159 = %scan3A_154 to %scan3A_156 step %scan3A_157  : i32 {
          %mul3A_160 = arith.constant 100 : i32
          %mul3A_161 = arith.muli %scan3A_159, %mul3A_160 : i32
          %dma_start3A_162 = arith.constant 0 : i32
          %dma_start3A_163 = arith.constant 0 : i32
          %dma_start3A_164 = arith.constant 0 : i32
          %dma_start3A_165 = tpu.memref_slice %arg9[%dma_start3A_163, %mul3A_161, %dma_start3A_164] : memref<2x1600x32xf32, #tpu.memory_space<vmem>> -> memref<1x100x32xf32, #tpu.memory_space<vmem>>
          %dma_start3A_166 = tpu.memref_squeeze %dma_start3A_165 : memref<1x100x32xf32, #tpu.memory_space<vmem>> -> memref<100x32xf32, #tpu.memory_space<vmem>>
          %dma_start3A_167 = arith.constant 0 : i32
          %dma_start3A_168 = tpu.memref_slice %arg8[%dma_start3A_162, %scan3A_159, %dma_start3A_167] : memref<2x16x100xi32, #tpu.memory_space<vmem>> -> memref<1x1x100xi32, #tpu.memory_space<vmem>>
          %dma_start3A_169 = tpu.memref_squeeze %dma_start3A_168 : memref<1x1x100xi32, #tpu.memory_space<vmem>> -> memref<100xi32, #tpu.memory_space<vmem>>
          %dma_start3A_170 = arith.constant 0 : i32
          %dma_start3A_171 = arith.constant 0 : i32
          %dma_start3A_172 = tpu.memref_slice %arg6[%dma_start3A_170, %dma_start3A_171] : memref<1048576x32xf32, #tpu.memory_space<hbm>> -> memref<1048576x32xf32, #tpu.memory_space<hbm>>
          tpu.enqueue_indirect_dma source(%dma_start3A_172 : memref<1048576x32xf32, #tpu.memory_space<hbm>>) target(%dma_start3A_166 : memref<100x32xf32, #tpu.memory_space<vmem>>) offsets(%dma_start3A_169 : memref<100xi32, #tpu.memory_space<vmem>>) semaphore(%arg14 : memref<!tpu.dma_semaphore, #tpu.memory_space<semaphore_mem>>)
        }
        %scan3A_158 = arith.constant 16 : i32
      } else {
      }
      %dma_wait3A_122 = arith.constant 1 : i32
      %dma_wait3A_123 = arith.constant 0 : i32
      %dma_wait3A_124 = arith.constant 0 : i32
      %dma_wait3A_125 = tpu.memref_slice %arg9[%dma_wait3A_122, %dma_wait3A_123, %dma_wait3A_124] : memref<2x1600x32xf32, #tpu.memory_space<vmem>> -> memref<1x1600x32xf32, #tpu.memory_space<vmem>>
      %dma_wait3A_126 = tpu.memref_squeeze %dma_wait3A_125 : memref<1x1600x32xf32, #tpu.memory_space<vmem>> -> memref<1600x32xf32, #tpu.memory_space<vmem>>
      %dma_wait3A_127 = arith.constant 0 : i32
      %dma_wait3A_128 = arith.constant 0 : i32
      %dma_wait3A_129 = tpu.memref_slice %arg6[%dma_wait3A_127, %dma_wait3A_128] : memref<1048576x32xf32, #tpu.memory_space<hbm>> -> memref<1600x32xf32, #tpu.memory_space<hbm>>
      %dma_wait3A_130 = arith.constant 0 : i32
      %dma_wait3A_131 = arith.constant 0 : i32
      %dma_wait3A_132 = tpu.memref_slice %arg9[%dma_wait3A_122, %dma_wait3A_130, %dma_wait3A_131] : memref<2x1600x32xf32, #tpu.memory_space<vmem>> -> memref<1x1600x32xf32, #tpu.memory_space<vmem>>
      %dma_wait3A_133 = tpu.memref_squeeze %dma_wait3A_132 : memref<1x1600x32xf32, #tpu.memory_space<vmem>> -> memref<1600x32xf32, #tpu.memory_space<vmem>>
      %dma_wait3A_134 = arith.constant 0 : i32
      %dma_wait3A_135 = arith.constant 0 : i32
      %dma_wait3A_136 = tpu.memref_slice %arg6[%dma_wait3A_134, %dma_wait3A_135] : memref<1048576x32xf32, #tpu.memory_space<hbm>> -> memref<1600x32xf32, #tpu.memory_space<hbm>>
      tpu.wait_dma2 semaphore(%arg15 : memref<!tpu.dma_semaphore, #tpu.memory_space<semaphore_mem>>) src(%dma_wait3A_136 : memref<1600x32xf32, #tpu.memory_space<hbm>>) dst(%dma_wait3A_133 : memref<1600x32xf32, #tpu.memory_space<vmem>>)
      %broadcast_in_dim3A_137 = arith.constant 0.000000e+00 : f32
      %broadcast_in_dim3A_138 = vector.broadcast %broadcast_in_dim3A_137 : f32 to vector<16xf32>
      %scan3A_139 = arith.constant 0 : i32
      %scan3A_140 = arith.constant 32 : i32
      %scan3A_141 = arith.addi %scan3A_139, %scan3A_140 : i32
      %scan3A_142 = arith.constant 1 : i32
      %scan3A_143 = scf.for %scan3A_145 = %scan3A_139 to %scan3A_141 step %scan3A_142 iter_args(%scan3A_146 = %broadcast_in_dim3A_138) -> (vector<16xf32>)  : i32 {
        %mul3A_147 = arith.constant 50 : i32
        %mul3A_148 = arith.muli %scan3A_145, %mul3A_147 : i32
        %get3A = arith.constant 1 : i32
        %get3A_149 = arith.index_cast %get3A : i32 to index
        %get3A_150 = arith.index_cast %mul3A_148 : i32 to index
        %get3A_151 = arith.constant 0 : index
        %get3A_152 = tpu.vector_load %arg9[%get3A_149, %get3A_150, %get3A_151] {strides = array<i32>} : memref<2x1600x32xf32, #tpu.memory_space<vmem>>, vector<1x1x16xf32>,
        %get3A_153 = vector.shape_cast %get3A_152 : vector<1x1x16xf32> to vector<16xf32>
        %get3A_154 = arith.constant 1 : i32
        %get3A_155 = arith.index_cast %get3A_154 : i32 to index
        %get3A_156 = arith.index_cast %mul3A_148 : i32 to index
        %get3A_157 = arith.constant 16 : index
        %get3A_158 = tpu.vector_load %arg9[%get3A_155, %get3A_156, %get3A_157] {strides = array<i32>} : memref<2x1600x32xf32, #tpu.memory_space<vmem>>, vector<1x1x16xf32>,
        %get3A_159 = vector.shape_cast %get3A_158 : vector<1x1x16xf32> to vector<16xf32>
        %add3A_160 = arith.constant 1 : i32
        %add3A_161 = arith.addi %mul3A_148, %add3A_160 : i32
        %get3A_162 = arith.constant 1 : i32
        %get3A_163 = arith.index_cast %get3A_162 : i32 to index
        %get3A_164 = arith.index_cast %add3A_161 : i32 to index
        %get3A_165 = arith.constant 0 : index
        %get3A_166 = tpu.vector_load %arg9[%get3A_163, %get3A_164, %get3A_165] {strides = array<i32>} : memref<2x1600x32xf32, #tpu.memory_space<vmem>>, vector<1x1x16xf32>,
        %get3A_167 = vector.shape_cast %get3A_166 : vector<1x1x16xf32> to vector<16xf32>
        %add3A_168 = arith.constant 1 : i32
        %add3A_169 = arith.addi %mul3A_148, %add3A_168 : i32
        %get3A_170 = arith.constant 1 : i32
        %get3A_171 = arith.index_cast %get3A_170 : i32 to index
        %get3A_172 = arith.index_cast %add3A_169 : i32 to index
        %get3A_173 = arith.constant 16 : index
        %get3A_174 = tpu.vector_load %arg9[%get3A_171, %get3A_172, %get3A_173] {strides = array<i32>} : memref<2x1600x32xf32, #tpu.memory_space<vmem>>, vector<1x1x16xf32>,
        %get3A_175 = vector.shape_cast %get3A_174 : vector<1x1x16xf32> to vector<16xf32>
        %add3A_176 = arith.constant 2 : i32
        %add3A_177 = arith.addi %mul3A_148, %add3A_176 : i32
        %get3A_178 = arith.constant 1 : i32
        %get3A_179 = arith.index_cast %get3A_178 : i32 to index
        %get3A_180 = arith.index_cast %add3A_177 : i32 to index
        %get3A_181 = arith.constant 0 : index
        %get3A_182 = tpu.vector_load %arg9[%get3A_179, %get3A_180, %get3A_181] {strides = array<i32>} : memref<2x1600x32xf32, #tpu.memory_space<vmem>>, vector<1x1x16xf32>,
        %get3A_183 = vector.shape_cast %get3A_182 : vector<1x1x16xf32> to vector<16xf32>
        %add3A_184 = arith.addf %get3A_153, %get3A_183 : vector<16xf32>
        %add3A_185 = arith.constant 2 : i32
        %add3A_186 = arith.addi %mul3A_148, %add3A_185 : i32
        %get3A_187 = arith.constant 1 : i32
        %get3A_188 = arith.index_cast %get3A_187 : i32 to index
        %get3A_189 = arith.index_cast %add3A_186 : i32 to index
        %get3A_190 = arith.constant 16 : index
        %get3A_191 = tpu.vector_load %arg9[%get3A_188, %get3A_189, %get3A_190] {strides = array<i32>} : memref<2x1600x32xf32, #tpu.memory_space<vmem>>, vector<1x1x16xf32>,
        %get3A_192 = vector.shape_cast %get3A_191 : vector<1x1x16xf32> to vector<16xf32>
        %add3A_193 = arith.addf %get3A_159, %get3A_192 : vector<16xf32>
        %add3A_194 = arith.constant 2 : i32
        %add3A_195 = arith.addi %mul3A_148, %add3A_194 : i32
        %add3A_196 = arith.constant 1 : i32
        %add3A_197 = arith.addi %add3A_195, %add3A_196 : i32
        %get3A_198 = arith.constant 1 : i32
        %get3A_199 = arith.index_cast %get3A_198 : i32 to index
        %get3A_200 = arith.index_cast %add3A_197 : i32 to index
        %get3A_201 = arith.constant 0 : index
        %get3A_202 = tpu.vector_load %arg9[%get3A_199, %get3A_200, %get3A_201] {strides = array<i32>} : memref<2x1600x32xf32, #tpu.memory_space<vmem>>, vector<1x1x16xf32>,
        %get3A_203 = vector.shape_cast %get3A_202 : vector<1x1x16xf32> to vector<16xf32>
        %add3A_204 = arith.addf %get3A_167, %get3A_203 : vector<16xf32>
        %add3A_205 = arith.constant 2 : i32
        %add3A_206 = arith.addi %mul3A_148, %add3A_205 : i32
        %add3A_207 = arith.constant 1 : i32
        %add3A_208 = arith.addi %add3A_206, %add3A_207 : i32
        %get3A_209 = arith.constant 1 : i32
        %get3A_210 = arith.index_cast %get3A_209 : i32 to index
        %get3A_211 = arith.index_cast %add3A_208 : i32 to index
        %get3A_212 = arith.constant 16 : index
        %get3A_213 = tpu.vector_load %arg9[%get3A_210, %get3A_211, %get3A_212] {strides = array<i32>} : memref<2x1600x32xf32, #tpu.memory_space<vmem>>, vector<1x1x16xf32>,
        %get3A_214 = vector.shape_cast %get3A_213 : vector<1x1x16xf32> to vector<16xf32>
        %add3A_215 = arith.addf %get3A_175, %get3A_214 : vector<16xf32>
        %add3A_216 = arith.constant 4 : i32
        %add3A_217 = arith.addi %mul3A_148, %add3A_216 : i32
        %get3A_218 = arith.constant 1 : i32
        %get3A_219 = arith.index_cast %get3A_218 : i32 to index
        %get3A_220 = arith.index_cast %add3A_217 : i32 to index
        %get3A_221 = arith.constant 0 : index
        %get3A_222 = tpu.vector_load %arg9[%get3A_219, %get3A_220, %get3A_221] {strides = array<i32>} : memref<2x1600x32xf32, #tpu.memory_space<vmem>>, vector<1x1x16xf32>,
        %get3A_223 = vector.shape_cast %get3A_222 : vector<1x1x16xf32> to vector<16xf32>
        %add3A_224 = arith.addf %add3A_184, %get3A_223 : vector<16xf32>
        %add3A_225 = arith.constant 4 : i32
        %add3A_226 = arith.addi %mul3A_148, %add3A_225 : i32
        %get3A_227 = arith.constant 1 : i32
        %get3A_228 = arith.index_cast %get3A_227 : i32 to index
        %get3A_229 = arith.index_cast %add3A_226 : i32 to index
        %get3A_230 = arith.constant 16 : index
        %get3A_231 = tpu.vector_load %arg9[%get3A_228, %get3A_229, %get3A_230] {strides = array<i32>} : memref<2x1600x32xf32, #tpu.memory_space<vmem>>, vector<1x1x16xf32>,
        %get3A_232 = vector.shape_cast %get3A_231 : vector<1x1x16xf32> to vector<16xf32>
        %add3A_233 = arith.addf %add3A_193, %get3A_232 : vector<16xf32>
        %add3A_234 = arith.constant 4 : i32
        %add3A_235 = arith.addi %mul3A_148, %add3A_234 : i32
        %add3A_236 = arith.constant 1 : i32
        %add3A_237 = arith.addi %add3A_235, %add3A_236 : i32
        %get3A_238 = arith.constant 1 : i32
        %get3A_239 = arith.index_cast %get3A_238 : i32 to index
        %get3A_240 = arith.index_cast %add3A_237 : i32 to index
        %get3A_241 = arith.constant 0 : index
        %get3A_242 = tpu.vector_load %arg9[%get3A_239, %get3A_240, %get3A_241] {strides = array<i32>} : memref<2x1600x32xf32, #tpu.memory_space<vmem>>, vector<1x1x16xf32>,
        %get3A_243 = vector.shape_cast %get3A_242 : vector<1x1x16xf32> to vector<16xf32>
        %add3A_244 = arith.addf %add3A_204, %get3A_243 : vector<16xf32>
        %add3A_245 = arith.constant 4 : i32
        %add3A_246 = arith.addi %mul3A_148, %add3A_245 : i32
        %add3A_247 = arith.constant 1 : i32
        %add3A_248 = arith.addi %add3A_246, %add3A_247 : i32
        %get3A_249 = arith.constant 1 : i32
        %get3A_250 = arith.index_cast %get3A_249 : i32 to index
        %get3A_251 = arith.index_cast %add3A_248 : i32 to index
        %get3A_252 = arith.constant 16 : index
        %get3A_253 = tpu.vector_load %arg9[%get3A_250, %get3A_251, %get3A_252] {strides = array<i32>} : memref<2x1600x32xf32, #tpu.memory_space<vmem>>, vector<1x1x16xf32>,
        %get3A_254 = vector.shape_cast %get3A_253 : vector<1x1x16xf32> to vector<16xf32>
        %add3A_255 = arith.addf %add3A_215, %get3A_254 : vector<16xf32>
        %add3A_256 = arith.constant 6 : i32
        %add3A_257 = arith.addi %mul3A_148, %add3A_256 : i32
        %get3A_258 = arith.constant 1 : i32
        %get3A_259 = arith.index_cast %get3A_258 : i32 to index
        %get3A_260 = arith.index_cast %add3A_257 : i32 to index
        %get3A_261 = arith.constant 0 : index
        %get3A_262 = tpu.vector_load %arg9[%get3A_259, %get3A_260, %get3A_261] {strides = array<i32>} : memref<2x1600x32xf32, #tpu.memory_space<vmem>>, vector<1x1x16xf32>,
        %get3A_263 = vector.shape_cast %get3A_262 : vector<1x1x16xf32> to vector<16xf32>
        %add3A_264 = arith.addf %add3A_224, %get3A_263 : vector<16xf32>
        %add3A_265 = arith.constant 6 : i32
        %add3A_266 = arith.addi %mul3A_148, %add3A_265 : i32
        %get3A_267 = arith.constant 1 : i32
        %get3A_268 = arith.index_cast %get3A_267 : i32 to index
        %get3A_269 = arith.index_cast %add3A_266 : i32 to index
        %get3A_270 = arith.constant 16 : index
        %get3A_271 = tpu.vector_load %arg9[%get3A_268, %get3A_269, %get3A_270] {strides = array<i32>} : memref<2x1600x32xf32, #tpu.memory_space<vmem>>, vector<1x1x16xf32>,
        %get3A_272 = vector.shape_cast %get3A_271 : vector<1x1x16xf32> to vector<16xf32>
        %add3A_273 = arith.addf %add3A_233, %get3A_272 : vector<16xf32>
        %add3A_274 = arith.constant 6 : i32
        %add3A_275 = arith.addi %mul3A_148, %add3A_274 : i32
        %add3A_276 = arith.constant 1 : i32
        %add3A_277 = arith.addi %add3A_275, %add3A_276 : i32
        %get3A_278 = arith.constant 1 : i32
        %get3A_279 = arith.index_cast %get3A_278 : i32 to index
        %get3A_280 = arith.index_cast %add3A_277 : i32 to index
        %get3A_281 = arith.constant 0 : index
        %get3A_282 = tpu.vector_load %arg9[%get3A_279, %get3A_280, %get3A_281] {strides = array<i32>} : memref<2x1600x32xf32, #tpu.memory_space<vmem>>, vector<1x1x16xf32>,
        %get3A_283 = vector.shape_cast %get3A_282 : vector<1x1x16xf32> to vector<16xf32>
        %add3A_284 = arith.addf %add3A_244, %get3A_283 : vector<16xf32>
        %add3A_285 = arith.constant 6 : i32
        %add3A_286 = arith.addi %mul3A_148, %add3A_285 : i32
        %add3A_287 = arith.constant 1 : i32
        %add3A_288 = arith.addi %add3A_286, %add3A_287 : i32
        %get3A_289 = arith.constant 1 : i32
        %get3A_290 = arith.index_cast %get3A_289 : i32 to index
        %get3A_291 = arith.index_cast %add3A_288 : i32 to index
        %get3A_292 = arith.constant 16 : index
        %get3A_293 = tpu.vector_load %arg9[%get3A_290, %get3A_291, %get3A_292] {strides = array<i32>} : memref<2x1600x32xf32, #tpu.memory_space<vmem>>, vector<1x1x16xf32>,
        %get3A_294 = vector.shape_cast %get3A_293 : vector<1x1x16xf32> to vector<16xf32>
        %add3A_295 = arith.addf %add3A_255, %get3A_294 : vector<16xf32>
        %add3A_296 = arith.constant 8 : i32
        %add3A_297 = arith.addi %mul3A_148, %add3A_296 : i32
        %get3A_298 = arith.constant 1 : i32
        %get3A_299 = arith.index_cast %get3A_298 : i32 to index
        %get3A_300 = arith.index_cast %add3A_297 : i32 to index
        %get3A_301 = arith.constant 0 : index
        %get3A_302 = tpu.vector_load %arg9[%get3A_299, %get3A_300, %get3A_301] {strides = array<i32>} : memref<2x1600x32xf32, #tpu.memory_space<vmem>>, vector<1x1x16xf32>,
        %get3A_303 = vector.shape_cast %get3A_302 : vector<1x1x16xf32> to vector<16xf32>
        %add3A_304 = arith.addf %add3A_264, %get3A_303 : vector<16xf32>
        %add3A_305 = arith.constant 8 : i32
        %add3A_306 = arith.addi %mul3A_148, %add3A_305 : i32
        %get3A_307 = arith.constant 1 : i32
        %get3A_308 = arith.index_cast %get3A_307 : i32 to index
        %get3A_309 = arith.index_cast %add3A_306 : i32 to index
        %get3A_310 = arith.constant 16 : index
        %get3A_311 = tpu.vector_load %arg9[%get3A_308, %get3A_309, %get3A_310] {strides = array<i32>} : memref<2x1600x32xf32, #tpu.memory_space<vmem>>, vector<1x1x16xf32>,
        %get3A_312 = vector.shape_cast %get3A_311 : vector<1x1x16xf32> to vector<16xf32>
        %add3A_313 = arith.addf %add3A_273, %get3A_312 : vector<16xf32>
        %add3A_314 = arith.constant 8 : i32
        %add3A_315 = arith.addi %mul3A_148, %add3A_314 : i32
        %add3A_316 = arith.constant 1 : i32
        %add3A_317 = arith.addi %add3A_315, %add3A_316 : i32
        %get3A_318 = arith.constant 1 : i32
        %get3A_319 = arith.index_cast %get3A_318 : i32 to index
        %get3A_320 = arith.index_cast %add3A_317 : i32 to index
        %get3A_321 = arith.constant 0 : index
        %get3A_322 = tpu.vector_load %arg9[%get3A_319, %get3A_320, %get3A_321] {strides = array<i32>} : memref<2x1600x32xf32, #tpu.memory_space<vmem>>, vector<1x1x16xf32>,
        %get3A_323 = vector.shape_cast %get3A_322 : vector<1x1x16xf32> to vector<16xf32>
        %add3A_324 = arith.addf %add3A_284, %get3A_323 : vector<16xf32>
        %add3A_325 = arith.constant 8 : i32
        %add3A_326 = arith.addi %mul3A_148, %add3A_325 : i32
        %add3A_327 = arith.constant 1 : i32
        %add3A_328 = arith.addi %add3A_326, %add3A_327 : i32
        %get3A_329 = arith.constant 1 : i32
        %get3A_330 = arith.index_cast %get3A_329 : i32 to index
        %get3A_331 = arith.index_cast %add3A_328 : i32 to index
        %get3A_332 = arith.constant 16 : index
        %get3A_333 = tpu.vector_load %arg9[%get3A_330, %get3A_331, %get3A_332] {strides = array<i32>} : memref<2x1600x32xf32, #tpu.memory_space<vmem>>, vector<1x1x16xf32>,
        %get3A_334 = vector.shape_cast %get3A_333 : vector<1x1x16xf32> to vector<16xf32>
        %add3A_335 = arith.addf %add3A_295, %get3A_334 : vector<16xf32>
        %add3A_336 = arith.constant 10 : i32
        %add3A_337 = arith.addi %mul3A_148, %add3A_336 : i32
        %get3A_338 = arith.constant 1 : i32
        %get3A_339 = arith.index_cast %get3A_338 : i32 to index
        %get3A_340 = arith.index_cast %add3A_337 : i32 to index
        %get3A_341 = arith.constant 0 : index
        %get3A_342 = tpu.vector_load %arg9[%get3A_339, %get3A_340, %get3A_341] {strides = array<i32>} : memref<2x1600x32xf32, #tpu.memory_space<vmem>>, vector<1x1x16xf32>,
        %get3A_343 = vector.shape_cast %get3A_342 : vector<1x1x16xf32> to vector<16xf32>
        %add3A_344 = arith.addf %add3A_304, %get3A_343 : vector<16xf32>
        %add3A_345 = arith.constant 10 : i32
        %add3A_346 = arith.addi %mul3A_148, %add3A_345 : i32
        %get3A_347 = arith.constant 1 : i32
        %get3A_348 = arith.index_cast %get3A_347 : i32 to index
        %get3A_349 = arith.index_cast %add3A_346 : i32 to index
        %get3A_350 = arith.constant 16 : index
        %get3A_351 = tpu.vector_load %arg9[%get3A_348, %get3A_349, %get3A_350] {strides = array<i32>} : memref<2x1600x32xf32, #tpu.memory_space<vmem>>, vector<1x1x16xf32>,
        %get3A_352 = vector.shape_cast %get3A_351 : vector<1x1x16xf32> to vector<16xf32>
        %add3A_353 = arith.addf %add3A_313, %get3A_352 : vector<16xf32>
        %add3A_354 = arith.constant 10 : i32
        %add3A_355 = arith.addi %mul3A_148, %add3A_354 : i32
        %add3A_356 = arith.constant 1 : i32
        %add3A_357 = arith.addi %add3A_355, %add3A_356 : i32
        %get3A_358 = arith.constant 1 : i32
        %get3A_359 = arith.index_cast %get3A_358 : i32 to index
        %get3A_360 = arith.index_cast %add3A_357 : i32 to index
        %get3A_361 = arith.constant 0 : index
        %get3A_362 = tpu.vector_load %arg9[%get3A_359, %get3A_360, %get3A_361] {strides = array<i32>} : memref<2x1600x32xf32, #tpu.memory_space<vmem>>, vector<1x1x16xf32>,
        %get3A_363 = vector.shape_cast %get3A_362 : vector<1x1x16xf32> to vector<16xf32>
        %add3A_364 = arith.addf %add3A_324, %get3A_363 : vector<16xf32>
        %add3A_365 = arith.constant 10 : i32
        %add3A_366 = arith.addi %mul3A_148, %add3A_365 : i32
        %add3A_367 = arith.constant 1 : i32
        %add3A_368 = arith.addi %add3A_366, %add3A_367 : i32
        %get3A_369 = arith.constant 1 : i32
        %get3A_370 = arith.index_cast %get3A_369 : i32 to index
        %get3A_371 = arith.index_cast %add3A_368 : i32 to index
        %get3A_372 = arith.constant 16 : index
        %get3A_373 = tpu.vector_load %arg9[%get3A_370, %get3A_371, %get3A_372] {strides = array<i32>} : memref<2x1600x32xf32, #tpu.memory_space<vmem>>, vector<1x1x16xf32>,
        %get3A_374 = vector.shape_cast %get3A_373 : vector<1x1x16xf32> to vector<16xf32>
        %add3A_375 = arith.addf %add3A_335, %get3A_374 : vector<16xf32>
        %add3A_376 = arith.constant 12 : i32
        %add3A_377 = arith.addi %mul3A_148, %add3A_376 : i32
        %get3A_378 = arith.constant 1 : i32
        %get3A_379 = arith.index_cast %get3A_378 : i32 to index
        %get3A_380 = arith.index_cast %add3A_377 : i32 to index
        %get3A_381 = arith.constant 0 : index
        %get3A_382 = tpu.vector_load %arg9[%get3A_379, %get3A_380, %get3A_381] {strides = array<i32>} : memref<2x1600x32xf32, #tpu.memory_space<vmem>>, vector<1x1x16xf32>,
        %get3A_383 = vector.shape_cast %get3A_382 : vector<1x1x16xf32> to vector<16xf32>
        %add3A_384 = arith.addf %add3A_344, %get3A_383 : vector<16xf32>
        %add3A_385 = arith.constant 12 : i32
        %add3A_386 = arith.addi %mul3A_148, %add3A_385 : i32
        %get3A_387 = arith.constant 1 : i32
        %get3A_388 = arith.index_cast %get3A_387 : i32 to index
        %get3A_389 = arith.index_cast %add3A_386 : i32 to index
        %get3A_390 = arith.constant 16 : index
        %get3A_391 = tpu.vector_load %arg9[%get3A_388, %get3A_389, %get3A_390] {strides = array<i32>} : memref<2x1600x32xf32, #tpu.memory_space<vmem>>, vector<1x1x16xf32>,
        %get3A_392 = vector.shape_cast %get3A_391 : vector<1x1x16xf32> to vector<16xf32>
        %add3A_393 = arith.addf %add3A_353, %get3A_392 : vector<16xf32>
        %add3A_394 = arith.constant 12 : i32
        %add3A_395 = arith.addi %mul3A_148, %add3A_394 : i32
        %add3A_396 = arith.constant 1 : i32
        %add3A_397 = arith.addi %add3A_395, %add3A_396 : i32
        %get3A_398 = arith.constant 1 : i32
        %get3A_399 = arith.index_cast %get3A_398 : i32 to index
        %get3A_400 = arith.index_cast %add3A_397 : i32 to index
        %get3A_401 = arith.constant 0 : index
        %get3A_402 = tpu.vector_load %arg9[%get3A_399, %get3A_400, %get3A_401] {strides = array<i32>} : memref<2x1600x32xf32, #tpu.memory_space<vmem>>, vector<1x1x16xf32>,
        %get3A_403 = vector.shape_cast %get3A_402 : vector<1x1x16xf32> to vector<16xf32>
        %add3A_404 = arith.addf %add3A_364, %get3A_403 : vector<16xf32>
        %add3A_405 = arith.constant 12 : i32
        %add3A_406 = arith.addi %mul3A_148, %add3A_405 : i32
        %add3A_407 = arith.constant 1 : i32
        %add3A_408 = arith.addi %add3A_406, %add3A_407 : i32
        %get3A_409 = arith.constant 1 : i32
        %get3A_410 = arith.index_cast %get3A_409 : i32 to index
        %get3A_411 = arith.index_cast %add3A_408 : i32 to index
        %get3A_412 = arith.constant 16 : index
        %get3A_413 = tpu.vector_load %arg9[%get3A_410, %get3A_411, %get3A_412] {strides = array<i32>} : memref<2x1600x32xf32, #tpu.memory_space<vmem>>, vector<1x1x16xf32>,
        %get3A_414 = vector.shape_cast %get3A_413 : vector<1x1x16xf32> to vector<16xf32>
        %add3A_415 = arith.addf %add3A_375, %get3A_414 : vector<16xf32>
        %add3A_416 = arith.constant 14 : i32
        %add3A_417 = arith.addi %mul3A_148, %add3A_416 : i32
        %get3A_418 = arith.constant 1 : i32
        %get3A_419 = arith.index_cast %get3A_418 : i32 to index
        %get3A_420 = arith.index_cast %add3A_417 : i32 to index
        %get3A_421 = arith.constant 0 : index
        %get3A_422 = tpu.vector_load %arg9[%get3A_419, %get3A_420, %get3A_421] {strides = array<i32>} : memref<2x1600x32xf32, #tpu.memory_space<vmem>>, vector<1x1x16xf32>,
        %get3A_423 = vector.shape_cast %get3A_422 : vector<1x1x16xf32> to vector<16xf32>
        %add3A_424 = arith.addf %add3A_384, %get3A_423 : vector<16xf32>
        %add3A_425 = arith.constant 14 : i32
        %add3A_426 = arith.addi %mul3A_148, %add3A_425 : i32
        %get3A_427 = arith.constant 1 : i32
        %get3A_428 = arith.index_cast %get3A_427 : i32 to index
        %get3A_429 = arith.index_cast %add3A_426 : i32 to index
        %get3A_430 = arith.constant 16 : index
        %get3A_431 = tpu.vector_load %arg9[%get3A_428, %get3A_429, %get3A_430] {strides = array<i32>} : memref<2x1600x32xf32, #tpu.memory_space<vmem>>, vector<1x1x16xf32>,
        %get3A_432 = vector.shape_cast %get3A_431 : vector<1x1x16xf32> to vector<16xf32>
        %add3A_433 = arith.addf %add3A_393, %get3A_432 : vector<16xf32>
        %add3A_434 = arith.constant 14 : i32
        %add3A_435 = arith.addi %mul3A_148, %add3A_434 : i32
        %add3A_436 = arith.constant 1 : i32
        %add3A_437 = arith.addi %add3A_435, %add3A_436 : i32
        %get3A_438 = arith.constant 1 : i32
        %get3A_439 = arith.index_cast %get3A_438 : i32 to index
        %get3A_440 = arith.index_cast %add3A_437 : i32 to index
        %get3A_441 = arith.constant 0 : index
        %get3A_442 = tpu.vector_load %arg9[%get3A_439, %get3A_440, %get3A_441] {strides = array<i32>} : memref<2x1600x32xf32, #tpu.memory_space<vmem>>, vector<1x1x16xf32>,
        %get3A_443 = vector.shape_cast %get3A_442 : vector<1x1x16xf32> to vector<16xf32>
        %add3A_444 = arith.addf %add3A_404, %get3A_443 : vector<16xf32>
        %add3A_445 = arith.constant 14 : i32
        %add3A_446 = arith.addi %mul3A_148, %add3A_445 : i32
        %add3A_447 = arith.constant 1 : i32
        %add3A_448 = arith.addi %add3A_446, %add3A_447 : i32
        %get3A_449 = arith.constant 1 : i32
        %get3A_450 = arith.index_cast %get3A_449 : i32 to index
        %get3A_451 = arith.index_cast %add3A_448 : i32 to index
        %get3A_452 = arith.constant 16 : index
        %get3A_453 = tpu.vector_load %arg9[%get3A_450, %get3A_451, %get3A_452] {strides = array<i32>} : memref<2x1600x32xf32, #tpu.memory_space<vmem>>, vector<1x1x16xf32>,
        %get3A_454 = vector.shape_cast %get3A_453 : vector<1x1x16xf32> to vector<16xf32>
        %add3A_455 = arith.addf %add3A_415, %get3A_454 : vector<16xf32>
        %add3A_456 = arith.constant 16 : i32
        %add3A_457 = arith.addi %mul3A_148, %add3A_456 : i32
        %get3A_458 = arith.constant 1 : i32
        %get3A_459 = arith.index_cast %get3A_458 : i32 to index
        %get3A_460 = arith.index_cast %add3A_457 : i32 to index
        %get3A_461 = arith.constant 0 : index
        %get3A_462 = tpu.vector_load %arg9[%get3A_459, %get3A_460, %get3A_461] {strides = array<i32>} : memref<2x1600x32xf32, #tpu.memory_space<vmem>>, vector<1x1x16xf32>,
        %get3A_463 = vector.shape_cast %get3A_462 : vector<1x1x16xf32> to vector<16xf32>
        %add3A_464 = arith.addf %add3A_424, %get3A_463 : vector<16xf32>
        %add3A_465 = arith.constant 16 : i32
        %add3A_466 = arith.addi %mul3A_148, %add3A_465 : i32
        %get3A_467 = arith.constant 1 : i32
        %get3A_468 = arith.index_cast %get3A_467 : i32 to index
        %get3A_469 = arith.index_cast %add3A_466 : i32 to index
        %get3A_470 = arith.constant 16 : index
        %get3A_471 = tpu.vector_load %arg9[%get3A_468, %get3A_469, %get3A_470] {strides = array<i32>} : memref<2x1600x32xf32, #tpu.memory_space<vmem>>, vector<1x1x16xf32>,
        %get3A_472 = vector.shape_cast %get3A_471 : vector<1x1x16xf32> to vector<16xf32>
        %add3A_473 = arith.addf %add3A_433, %get3A_472 : vector<16xf32>
        %add3A_474 = arith.constant 16 : i32
        %add3A_475 = arith.addi %mul3A_148, %add3A_474 : i32
        %add3A_476 = arith.constant 1 : i32
        %add3A_477 = arith.addi %add3A_475, %add3A_476 : i32
        %get3A_478 = arith.constant 1 : i32
        %get3A_479 = arith.index_cast %get3A_478 : i32 to index
        %get3A_480 = arith.index_cast %add3A_477 : i32 to index
        %get3A_481 = arith.constant 0 : index
        %get3A_482 = tpu.vector_load %arg9[%get3A_479, %get3A_480, %get3A_481] {strides = array<i32>} : memref<2x1600x32xf32, #tpu.memory_space<vmem>>, vector<1x1x16xf32>,
        %get3A_483 = vector.shape_cast %get3A_482 : vector<1x1x16xf32> to vector<16xf32>
        %add3A_484 = arith.addf %add3A_444, %get3A_483 : vector<16xf32>
        %add3A_485 = arith.constant 16 : i32
        %add3A_486 = arith.addi %mul3A_148, %add3A_485 : i32
        %add3A_487 = arith.constant 1 : i32
        %add3A_488 = arith.addi %add3A_486, %add3A_487 : i32
        %get3A_489 = arith.constant 1 : i32
        %get3A_490 = arith.index_cast %get3A_489 : i32 to index
        %get3A_491 = arith.index_cast %add3A_488 : i32 to index
        %get3A_492 = arith.constant 16 : index
        %get3A_493 = tpu.vector_load %arg9[%get3A_490, %get3A_491, %get3A_492] {strides = array<i32>} : memref<2x1600x32xf32, #tpu.memory_space<vmem>>, vector<1x1x16xf32>,
        %get3A_494 = vector.shape_cast %get3A_493 : vector<1x1x16xf32> to vector<16xf32>
        %add3A_495 = arith.addf %add3A_455, %get3A_494 : vector<16xf32>
        %add3A_496 = arith.constant 18 : i32
        %add3A_497 = arith.addi %mul3A_148, %add3A_496 : i32
        %get3A_498 = arith.constant 1 : i32
        %get3A_499 = arith.index_cast %get3A_498 : i32 to index
        %get3A_500 = arith.index_cast %add3A_497 : i32 to index
        %get3A_501 = arith.constant 0 : index
        %get3A_502 = tpu.vector_load %arg9[%get3A_499, %get3A_500, %get3A_501] {strides = array<i32>} : memref<2x1600x32xf32, #tpu.memory_space<vmem>>, vector<1x1x16xf32>,
        %get3A_503 = vector.shape_cast %get3A_502 : vector<1x1x16xf32> to vector<16xf32>
        %add3A_504 = arith.addf %add3A_464, %get3A_503 : vector<16xf32>
        %add3A_505 = arith.constant 18 : i32
        %add3A_506 = arith.addi %mul3A_148, %add3A_505 : i32
        %get3A_507 = arith.constant 1 : i32
        %get3A_508 = arith.index_cast %get3A_507 : i32 to index
        %get3A_509 = arith.index_cast %add3A_506 : i32 to index
        %get3A_510 = arith.constant 16 : index
        %get3A_511 = tpu.vector_load %arg9[%get3A_508, %get3A_509, %get3A_510] {strides = array<i32>} : memref<2x1600x32xf32, #tpu.memory_space<vmem>>, vector<1x1x16xf32>,
        %get3A_512 = vector.shape_cast %get3A_511 : vector<1x1x16xf32> to vector<16xf32>
        %add3A_513 = arith.addf %add3A_473, %get3A_512 : vector<16xf32>
        %add3A_514 = arith.constant 18 : i32
        %add3A_515 = arith.addi %mul3A_148, %add3A_514 : i32
        %add3A_516 = arith.constant 1 : i32
        %add3A_517 = arith.addi %add3A_515, %add3A_516 : i32
        %get3A_518 = arith.constant 1 : i32
        %get3A_519 = arith.index_cast %get3A_518 : i32 to index
        %get3A_520 = arith.index_cast %add3A_517 : i32 to index
        %get3A_521 = arith.constant 0 : index
        %get3A_522 = tpu.vector_load %arg9[%get3A_519, %get3A_520, %get3A_521] {strides = array<i32>} : memref<2x1600x32xf32, #tpu.memory_space<vmem>>, vector<1x1x16xf32>,
        %get3A_523 = vector.shape_cast %get3A_522 : vector<1x1x16xf32> to vector<16xf32>
        %add3A_524 = arith.addf %add3A_484, %get3A_523 : vector<16xf32>
        %add3A_525 = arith.constant 18 : i32
        %add3A_526 = arith.addi %mul3A_148, %add3A_525 : i32
        %add3A_527 = arith.constant 1 : i32
        %add3A_528 = arith.addi %add3A_526, %add3A_527 : i32
        %get3A_529 = arith.constant 1 : i32
        %get3A_530 = arith.index_cast %get3A_529 : i32 to index
        %get3A_531 = arith.index_cast %add3A_528 : i32 to index
        %get3A_532 = arith.constant 16 : index
        %get3A_533 = tpu.vector_load %arg9[%get3A_530, %get3A_531, %get3A_532] {strides = array<i32>} : memref<2x1600x32xf32, #tpu.memory_space<vmem>>, vector<1x1x16xf32>,
        %get3A_534 = vector.shape_cast %get3A_533 : vector<1x1x16xf32> to vector<16xf32>
        %add3A_535 = arith.addf %add3A_495, %get3A_534 : vector<16xf32>
        %add3A_536 = arith.constant 20 : i32
        %add3A_537 = arith.addi %mul3A_148, %add3A_536 : i32
        %get3A_538 = arith.constant 1 : i32
        %get3A_539 = arith.index_cast %get3A_538 : i32 to index
        %get3A_540 = arith.index_cast %add3A_537 : i32 to index
        %get3A_541 = arith.constant 0 : index
        %get3A_542 = tpu.vector_load %arg9[%get3A_539, %get3A_540, %get3A_541] {strides = array<i32>} : memref<2x1600x32xf32, #tpu.memory_space<vmem>>, vector<1x1x16xf32>,
        %get3A_543 = vector.shape_cast %get3A_542 : vector<1x1x16xf32> to vector<16xf32>
        %add3A_544 = arith.addf %add3A_504, %get3A_543 : vector<16xf32>
        %add3A_545 = arith.constant 20 : i32
        %add3A_546 = arith.addi %mul3A_148, %add3A_545 : i32
        %get3A_547 = arith.constant 1 : i32
        %get3A_548 = arith.index_cast %get3A_547 : i32 to index
        %get3A_549 = arith.index_cast %add3A_546 : i32 to index
        %get3A_550 = arith.constant 16 : index
        %get3A_551 = tpu.vector_load %arg9[%get3A_548, %get3A_549, %get3A_550] {strides = array<i32>} : memref<2x1600x32xf32, #tpu.memory_space<vmem>>, vector<1x1x16xf32>,
        %get3A_552 = vector.shape_cast %get3A_551 : vector<1x1x16xf32> to vector<16xf32>
        %add3A_553 = arith.addf %add3A_513, %get3A_552 : vector<16xf32>
        %add3A_554 = arith.constant 20 : i32
        %add3A_555 = arith.addi %mul3A_148, %add3A_554 : i32
        %add3A_556 = arith.constant 1 : i32
        %add3A_557 = arith.addi %add3A_555, %add3A_556 : i32
        %get3A_558 = arith.constant 1 : i32
        %get3A_559 = arith.index_cast %get3A_558 : i32 to index
        %get3A_560 = arith.index_cast %add3A_557 : i32 to index
        %get3A_561 = arith.constant 0 : index
        %get3A_562 = tpu.vector_load %arg9[%get3A_559, %get3A_560, %get3A_561] {strides = array<i32>} : memref<2x1600x32xf32, #tpu.memory_space<vmem>>, vector<1x1x16xf32>,
        %get3A_563 = vector.shape_cast %get3A_562 : vector<1x1x16xf32> to vector<16xf32>
        %add3A_564 = arith.addf %add3A_524, %get3A_563 : vector<16xf32>
        %add3A_565 = arith.constant 20 : i32
        %add3A_566 = arith.addi %mul3A_148, %add3A_565 : i32
        %add3A_567 = arith.constant 1 : i32
        %add3A_568 = arith.addi %add3A_566, %add3A_567 : i32
        %get3A_569 = arith.constant 1 : i32
        %get3A_570 = arith.index_cast %get3A_569 : i32 to index
        %get3A_571 = arith.index_cast %add3A_568 : i32 to index
        %get3A_572 = arith.constant 16 : index
        %get3A_573 = tpu.vector_load %arg9[%get3A_570, %get3A_571, %get3A_572] {strides = array<i32>} : memref<2x1600x32xf32, #tpu.memory_space<vmem>>, vector<1x1x16xf32>,
        %get3A_574 = vector.shape_cast %get3A_573 : vector<1x1x16xf32> to vector<16xf32>
        %add3A_575 = arith.addf %add3A_535, %get3A_574 : vector<16xf32>
        %add3A_576 = arith.constant 22 : i32
        %add3A_577 = arith.addi %mul3A_148, %add3A_576 : i32
        %get3A_578 = arith.constant 1 : i32
        %get3A_579 = arith.index_cast %get3A_578 : i32 to index
        %get3A_580 = arith.index_cast %add3A_577 : i32 to index
        %get3A_581 = arith.constant 0 : index
        %get3A_582 = tpu.vector_load %arg9[%get3A_579, %get3A_580, %get3A_581] {strides = array<i32>} : memref<2x1600x32xf32, #tpu.memory_space<vmem>>, vector<1x1x16xf32>,
        %get3A_583 = vector.shape_cast %get3A_582 : vector<1x1x16xf32> to vector<16xf32>
        %add3A_584 = arith.addf %add3A_544, %get3A_583 : vector<16xf32>
        %add3A_585 = arith.constant 22 : i32
        %add3A_586 = arith.addi %mul3A_148, %add3A_585 : i32
        %get3A_587 = arith.constant 1 : i32
        %get3A_588 = arith.index_cast %get3A_587 : i32 to index
        %get3A_589 = arith.index_cast %add3A_586 : i32 to index
        %get3A_590 = arith.constant 16 : index
        %get3A_591 = tpu.vector_load %arg9[%get3A_588, %get3A_589, %get3A_590] {strides = array<i32>} : memref<2x1600x32xf32, #tpu.memory_space<vmem>>, vector<1x1x16xf32>,
        %get3A_592 = vector.shape_cast %get3A_591 : vector<1x1x16xf32> to vector<16xf32>
        %add3A_593 = arith.addf %add3A_553, %get3A_592 : vector<16xf32>
        %add3A_594 = arith.constant 22 : i32
        %add3A_595 = arith.addi %mul3A_148, %add3A_594 : i32
        %add3A_596 = arith.constant 1 : i32
        %add3A_597 = arith.addi %add3A_595, %add3A_596 : i32
        %get3A_598 = arith.constant 1 : i32
        %get3A_599 = arith.index_cast %get3A_598 : i32 to index
        %get3A_600 = arith.index_cast %add3A_597 : i32 to index
        %get3A_601 = arith.constant 0 : index
        %get3A_602 = tpu.vector_load %arg9[%get3A_599, %get3A_600, %get3A_601] {strides = array<i32>} : memref<2x1600x32xf32, #tpu.memory_space<vmem>>, vector<1x1x16xf32>,
        %get3A_603 = vector.shape_cast %get3A_602 : vector<1x1x16xf32> to vector<16xf32>
        %add3A_604 = arith.addf %add3A_564, %get3A_603 : vector<16xf32>
        %add3A_605 = arith.constant 22 : i32
        %add3A_606 = arith.addi %mul3A_148, %add3A_605 : i32
        %add3A_607 = arith.constant 1 : i32
        %add3A_608 = arith.addi %add3A_606, %add3A_607 : i32
        %get3A_609 = arith.constant 1 : i32
        %get3A_610 = arith.index_cast %get3A_609 : i32 to index
        %get3A_611 = arith.index_cast %add3A_608 : i32 to index
        %get3A_612 = arith.constant 16 : index
        %get3A_613 = tpu.vector_load %arg9[%get3A_610, %get3A_611, %get3A_612] {strides = array<i32>} : memref<2x1600x32xf32, #tpu.memory_space<vmem>>, vector<1x1x16xf32>,
        %get3A_614 = vector.shape_cast %get3A_613 : vector<1x1x16xf32> to vector<16xf32>
        %add3A_615 = arith.addf %add3A_575, %get3A_614 : vector<16xf32>
        %add3A_616 = arith.constant 24 : i32
        %add3A_617 = arith.addi %mul3A_148, %add3A_616 : i32
        %get3A_618 = arith.constant 1 : i32
        %get3A_619 = arith.index_cast %get3A_618 : i32 to index
        %get3A_620 = arith.index_cast %add3A_617 : i32 to index
        %get3A_621 = arith.constant 0 : index
        %get3A_622 = tpu.vector_load %arg9[%get3A_619, %get3A_620, %get3A_621] {strides = array<i32>} : memref<2x1600x32xf32, #tpu.memory_space<vmem>>, vector<1x1x16xf32>,
        %get3A_623 = vector.shape_cast %get3A_622 : vector<1x1x16xf32> to vector<16xf32>
        %add3A_624 = arith.addf %add3A_584, %get3A_623 : vector<16xf32>
        %add3A_625 = arith.constant 24 : i32
        %add3A_626 = arith.addi %mul3A_148, %add3A_625 : i32
        %get3A_627 = arith.constant 1 : i32
        %get3A_628 = arith.index_cast %get3A_627 : i32 to index
        %get3A_629 = arith.index_cast %add3A_626 : i32 to index
        %get3A_630 = arith.constant 16 : index
        %get3A_631 = tpu.vector_load %arg9[%get3A_628, %get3A_629, %get3A_630] {strides = array<i32>} : memref<2x1600x32xf32, #tpu.memory_space<vmem>>, vector<1x1x16xf32>,
        %get3A_632 = vector.shape_cast %get3A_631 : vector<1x1x16xf32> to vector<16xf32>
        %add3A_633 = arith.addf %add3A_593, %get3A_632 : vector<16xf32>
        %add3A_634 = arith.constant 24 : i32
        %add3A_635 = arith.addi %mul3A_148, %add3A_634 : i32
        %add3A_636 = arith.constant 1 : i32
        %add3A_637 = arith.addi %add3A_635, %add3A_636 : i32
        %get3A_638 = arith.constant 1 : i32
        %get3A_639 = arith.index_cast %get3A_638 : i32 to index
        %get3A_640 = arith.index_cast %add3A_637 : i32 to index
        %get3A_641 = arith.constant 0 : index
        %get3A_642 = tpu.vector_load %arg9[%get3A_639, %get3A_640, %get3A_641] {strides = array<i32>} : memref<2x1600x32xf32, #tpu.memory_space<vmem>>, vector<1x1x16xf32>,
        %get3A_643 = vector.shape_cast %get3A_642 : vector<1x1x16xf32> to vector<16xf32>
        %add3A_644 = arith.addf %add3A_604, %get3A_643 : vector<16xf32>
        %add3A_645 = arith.constant 24 : i32
        %add3A_646 = arith.addi %mul3A_148, %add3A_645 : i32
        %add3A_647 = arith.constant 1 : i32
        %add3A_648 = arith.addi %add3A_646, %add3A_647 : i32
        %get3A_649 = arith.constant 1 : i32
        %get3A_650 = arith.index_cast %get3A_649 : i32 to index
        %get3A_651 = arith.index_cast %add3A_648 : i32 to index
        %get3A_652 = arith.constant 16 : index
        %get3A_653 = tpu.vector_load %arg9[%get3A_650, %get3A_651, %get3A_652] {strides = array<i32>} : memref<2x1600x32xf32, #tpu.memory_space<vmem>>, vector<1x1x16xf32>,
        %get3A_654 = vector.shape_cast %get3A_653 : vector<1x1x16xf32> to vector<16xf32>
        %add3A_655 = arith.addf %add3A_615, %get3A_654 : vector<16xf32>
        %add3A_656 = arith.constant 26 : i32
        %add3A_657 = arith.addi %mul3A_148, %add3A_656 : i32
        %get3A_658 = arith.constant 1 : i32
        %get3A_659 = arith.index_cast %get3A_658 : i32 to index
        %get3A_660 = arith.index_cast %add3A_657 : i32 to index
        %get3A_661 = arith.constant 0 : index
        %get3A_662 = tpu.vector_load %arg9[%get3A_659, %get3A_660, %get3A_661] {strides = array<i32>} : memref<2x1600x32xf32, #tpu.memory_space<vmem>>, vector<1x1x16xf32>,
        %get3A_663 = vector.shape_cast %get3A_662 : vector<1x1x16xf32> to vector<16xf32>
        %add3A_664 = arith.addf %add3A_624, %get3A_663 : vector<16xf32>
        %add3A_665 = arith.constant 26 : i32
        %add3A_666 = arith.addi %mul3A_148, %add3A_665 : i32
        %get3A_667 = arith.constant 1 : i32
        %get3A_668 = arith.index_cast %get3A_667 : i32 to index
        %get3A_669 = arith.index_cast %add3A_666 : i32 to index
        %get3A_670 = arith.constant 16 : index
        %get3A_671 = tpu.vector_load %arg9[%get3A_668, %get3A_669, %get3A_670] {strides = array<i32>} : memref<2x1600x32xf32, #tpu.memory_space<vmem>>, vector<1x1x16xf32>,
        %get3A_672 = vector.shape_cast %get3A_671 : vector<1x1x16xf32> to vector<16xf32>
        %add3A_673 = arith.addf %add3A_633, %get3A_672 : vector<16xf32>
        %add3A_674 = arith.constant 26 : i32
        %add3A_675 = arith.addi %mul3A_148, %add3A_674 : i32
        %add3A_676 = arith.constant 1 : i32
        %add3A_677 = arith.addi %add3A_675, %add3A_676 : i32
        %get3A_678 = arith.constant 1 : i32
        %get3A_679 = arith.index_cast %get3A_678 : i32 to index
        %get3A_680 = arith.index_cast %add3A_677 : i32 to index
        %get3A_681 = arith.constant 0 : index
        %get3A_682 = tpu.vector_load %arg9[%get3A_679, %get3A_680, %get3A_681] {strides = array<i32>} : memref<2x1600x32xf32, #tpu.memory_space<vmem>>, vector<1x1x16xf32>,
        %get3A_683 = vector.shape_cast %get3A_682 : vector<1x1x16xf32> to vector<16xf32>
        %add3A_684 = arith.addf %add3A_644, %get3A_683 : vector<16xf32>
        %add3A_685 = arith.constant 26 : i32
        %add3A_686 = arith.addi %mul3A_148, %add3A_685 : i32
        %add3A_687 = arith.constant 1 : i32
        %add3A_688 = arith.addi %add3A_686, %add3A_687 : i32
        %get3A_689 = arith.constant 1 : i32
        %get3A_690 = arith.index_cast %get3A_689 : i32 to index
        %get3A_691 = arith.index_cast %add3A_688 : i32 to index
        %get3A_692 = arith.constant 16 : index
        %get3A_693 = tpu.vector_load %arg9[%get3A_690, %get3A_691, %get3A_692] {strides = array<i32>} : memref<2x1600x32xf32, #tpu.memory_space<vmem>>, vector<1x1x16xf32>,
        %get3A_694 = vector.shape_cast %get3A_693 : vector<1x1x16xf32> to vector<16xf32>
        %add3A_695 = arith.addf %add3A_655, %get3A_694 : vector<16xf32>
        %add3A_696 = arith.constant 28 : i32
        %add3A_697 = arith.addi %mul3A_148, %add3A_696 : i32
        %get3A_698 = arith.constant 1 : i32
        %get3A_699 = arith.index_cast %get3A_698 : i32 to index
        %get3A_700 = arith.index_cast %add3A_697 : i32 to index
        %get3A_701 = arith.constant 0 : index
        %get3A_702 = tpu.vector_load %arg9[%get3A_699, %get3A_700, %get3A_701] {strides = array<i32>} : memref<2x1600x32xf32, #tpu.memory_space<vmem>>, vector<1x1x16xf32>,
        %get3A_703 = vector.shape_cast %get3A_702 : vector<1x1x16xf32> to vector<16xf32>
        %add3A_704 = arith.addf %add3A_664, %get3A_703 : vector<16xf32>
        %add3A_705 = arith.constant 28 : i32
        %add3A_706 = arith.addi %mul3A_148, %add3A_705 : i32
        %get3A_707 = arith.constant 1 : i32
        %get3A_708 = arith.index_cast %get3A_707 : i32 to index
        %get3A_709 = arith.index_cast %add3A_706 : i32 to index
        %get3A_710 = arith.constant 16 : index
        %get3A_711 = tpu.vector_load %arg9[%get3A_708, %get3A_709, %get3A_710] {strides = array<i32>} : memref<2x1600x32xf32, #tpu.memory_space<vmem>>, vector<1x1x16xf32>,
        %get3A_712 = vector.shape_cast %get3A_711 : vector<1x1x16xf32> to vector<16xf32>
        %add3A_713 = arith.addf %add3A_673, %get3A_712 : vector<16xf32>
        %add3A_714 = arith.constant 28 : i32
        %add3A_715 = arith.addi %mul3A_148, %add3A_714 : i32
        %add3A_716 = arith.constant 1 : i32
        %add3A_717 = arith.addi %add3A_715, %add3A_716 : i32
        %get3A_718 = arith.constant 1 : i32
        %get3A_719 = arith.index_cast %get3A_718 : i32 to index
        %get3A_720 = arith.index_cast %add3A_717 : i32 to index
        %get3A_721 = arith.constant 0 : index
        %get3A_722 = tpu.vector_load %arg9[%get3A_719, %get3A_720, %get3A_721] {strides = array<i32>} : memref<2x1600x32xf32, #tpu.memory_space<vmem>>, vector<1x1x16xf32>,
        %get3A_723 = vector.shape_cast %get3A_722 : vector<1x1x16xf32> to vector<16xf32>
        %add3A_724 = arith.addf %add3A_684, %get3A_723 : vector<16xf32>
        %add3A_725 = arith.constant 28 : i32
        %add3A_726 = arith.addi %mul3A_148, %add3A_725 : i32
        %add3A_727 = arith.constant 1 : i32
        %add3A_728 = arith.addi %add3A_726, %add3A_727 : i32
        %get3A_729 = arith.constant 1 : i32
        %get3A_730 = arith.index_cast %get3A_729 : i32 to index
        %get3A_731 = arith.index_cast %add3A_728 : i32 to index
        %get3A_732 = arith.constant 16 : index
        %get3A_733 = tpu.vector_load %arg9[%get3A_730, %get3A_731, %get3A_732] {strides = array<i32>} : memref<2x1600x32xf32, #tpu.memory_space<vmem>>, vector<1x1x16xf32>,
        %get3A_734 = vector.shape_cast %get3A_733 : vector<1x1x16xf32> to vector<16xf32>
        %add3A_735 = arith.addf %add3A_695, %get3A_734 : vector<16xf32>
        %add3A_736 = arith.constant 30 : i32
        %add3A_737 = arith.addi %mul3A_148, %add3A_736 : i32
        %get3A_738 = arith.constant 1 : i32
        %get3A_739 = arith.index_cast %get3A_738 : i32 to index
        %get3A_740 = arith.index_cast %add3A_737 : i32 to index
        %get3A_741 = arith.constant 0 : index
        %get3A_742 = tpu.vector_load %arg9[%get3A_739, %get3A_740, %get3A_741] {strides = array<i32>} : memref<2x1600x32xf32, #tpu.memory_space<vmem>>, vector<1x1x16xf32>,
        %get3A_743 = vector.shape_cast %get3A_742 : vector<1x1x16xf32> to vector<16xf32>
        %add3A_744 = arith.addf %add3A_704, %get3A_743 : vector<16xf32>
        %add3A_745 = arith.constant 30 : i32
        %add3A_746 = arith.addi %mul3A_148, %add3A_745 : i32
        %get3A_747 = arith.constant 1 : i32
        %get3A_748 = arith.index_cast %get3A_747 : i32 to index
        %get3A_749 = arith.index_cast %add3A_746 : i32 to index
        %get3A_750 = arith.constant 16 : index
        %get3A_751 = tpu.vector_load %arg9[%get3A_748, %get3A_749, %get3A_750] {strides = array<i32>} : memref<2x1600x32xf32, #tpu.memory_space<vmem>>, vector<1x1x16xf32>,
        %get3A_752 = vector.shape_cast %get3A_751 : vector<1x1x16xf32> to vector<16xf32>
        %add3A_753 = arith.addf %add3A_713, %get3A_752 : vector<16xf32>
        %add3A_754 = arith.constant 30 : i32
        %add3A_755 = arith.addi %mul3A_148, %add3A_754 : i32
        %add3A_756 = arith.constant 1 : i32
        %add3A_757 = arith.addi %add3A_755, %add3A_756 : i32
        %get3A_758 = arith.constant 1 : i32
        %get3A_759 = arith.index_cast %get3A_758 : i32 to index
        %get3A_760 = arith.index_cast %add3A_757 : i32 to index
        %get3A_761 = arith.constant 0 : index
        %get3A_762 = tpu.vector_load %arg9[%get3A_759, %get3A_760, %get3A_761] {strides = array<i32>} : memref<2x1600x32xf32, #tpu.memory_space<vmem>>, vector<1x1x16xf32>,
        %get3A_763 = vector.shape_cast %get3A_762 : vector<1x1x16xf32> to vector<16xf32>
        %add3A_764 = arith.addf %add3A_724, %get3A_763 : vector<16xf32>
        %add3A_765 = arith.constant 30 : i32
        %add3A_766 = arith.addi %mul3A_148, %add3A_765 : i32
        %add3A_767 = arith.constant 1 : i32
        %add3A_768 = arith.addi %add3A_766, %add3A_767 : i32
        %get3A_769 = arith.constant 1 : i32
        %get3A_770 = arith.index_cast %get3A_769 : i32 to index
        %get3A_771 = arith.index_cast %add3A_768 : i32 to index
        %get3A_772 = arith.constant 16 : index
        %get3A_773 = tpu.vector_load %arg9[%get3A_770, %get3A_771, %get3A_772] {strides = array<i32>} : memref<2x1600x32xf32, #tpu.memory_space<vmem>>, vector<1x1x16xf32>,
        %get3A_774 = vector.shape_cast %get3A_773 : vector<1x1x16xf32> to vector<16xf32>
        %add3A_775 = arith.addf %add3A_735, %get3A_774 : vector<16xf32>
        %add3A_776 = arith.constant 32 : i32
        %add3A_777 = arith.addi %mul3A_148, %add3A_776 : i32
        %get3A_778 = arith.constant 1 : i32
        %get3A_779 = arith.index_cast %get3A_778 : i32 to index
        %get3A_780 = arith.index_cast %add3A_777 : i32 to index
        %get3A_781 = arith.constant 0 : index
        %get3A_782 = tpu.vector_load %arg9[%get3A_779, %get3A_780, %get3A_781] {strides = array<i32>} : memref<2x1600x32xf32, #tpu.memory_space<vmem>>, vector<1x1x16xf32>,
        %get3A_783 = vector.shape_cast %get3A_782 : vector<1x1x16xf32> to vector<16xf32>
        %add3A_784 = arith.addf %add3A_744, %get3A_783 : vector<16xf32>
        %add3A_785 = arith.constant 32 : i32
        %add3A_786 = arith.addi %mul3A_148, %add3A_785 : i32
        %get3A_787 = arith.constant 1 : i32
        %get3A_788 = arith.index_cast %get3A_787 : i32 to index
        %get3A_789 = arith.index_cast %add3A_786 : i32 to index
        %get3A_790 = arith.constant 16 : index
        %get3A_791 = tpu.vector_load %arg9[%get3A_788, %get3A_789, %get3A_790] {strides = array<i32>} : memref<2x1600x32xf32, #tpu.memory_space<vmem>>, vector<1x1x16xf32>,
        %get3A_792 = vector.shape_cast %get3A_791 : vector<1x1x16xf32> to vector<16xf32>
        %add3A_793 = arith.addf %add3A_753, %get3A_792 : vector<16xf32>
        %add3A_794 = arith.constant 32 : i32
        %add3A_795 = arith.addi %mul3A_148, %add3A_794 : i32
        %add3A_796 = arith.constant 1 : i32
        %add3A_797 = arith.addi %add3A_795, %add3A_796 : i32
        %get3A_798 = arith.constant 1 : i32
        %get3A_799 = arith.index_cast %get3A_798 : i32 to index
        %get3A_800 = arith.index_cast %add3A_797 : i32 to index
        %get3A_801 = arith.constant 0 : index
        %get3A_802 = tpu.vector_load %arg9[%get3A_799, %get3A_800, %get3A_801] {strides = array<i32>} : memref<2x1600x32xf32, #tpu.memory_space<vmem>>, vector<1x1x16xf32>,
        %get3A_803 = vector.shape_cast %get3A_802 : vector<1x1x16xf32> to vector<16xf32>
        %add3A_804 = arith.addf %add3A_764, %get3A_803 : vector<16xf32>
        %add3A_805 = arith.constant 32 : i32
        %add3A_806 = arith.addi %mul3A_148, %add3A_805 : i32
        %add3A_807 = arith.constant 1 : i32
        %add3A_808 = arith.addi %add3A_806, %add3A_807 : i32
        %get3A_809 = arith.constant 1 : i32
        %get3A_810 = arith.index_cast %get3A_809 : i32 to index
        %get3A_811 = arith.index_cast %add3A_808 : i32 to index
        %get3A_812 = arith.constant 16 : index
        %get3A_813 = tpu.vector_load %arg9[%get3A_810, %get3A_811, %get3A_812] {strides = array<i32>} : memref<2x1600x32xf32, #tpu.memory_space<vmem>>, vector<1x1x16xf32>,
        %get3A_814 = vector.shape_cast %get3A_813 : vector<1x1x16xf32> to vector<16xf32>
        %add3A_815 = arith.addf %add3A_775, %get3A_814 : vector<16xf32>
        %add3A_816 = arith.constant 34 : i32
        %add3A_817 = arith.addi %mul3A_148, %add3A_816 : i32
        %get3A_818 = arith.constant 1 : i32
        %get3A_819 = arith.index_cast %get3A_818 : i32 to index
        %get3A_820 = arith.index_cast %add3A_817 : i32 to index
        %get3A_821 = arith.constant 0 : index
        %get3A_822 = tpu.vector_load %arg9[%get3A_819, %get3A_820, %get3A_821] {strides = array<i32>} : memref<2x1600x32xf32, #tpu.memory_space<vmem>>, vector<1x1x16xf32>,
        %get3A_823 = vector.shape_cast %get3A_822 : vector<1x1x16xf32> to vector<16xf32>
        %add3A_824 = arith.addf %add3A_784, %get3A_823 : vector<16xf32>
        %add3A_825 = arith.constant 34 : i32
        %add3A_826 = arith.addi %mul3A_148, %add3A_825 : i32
        %get3A_827 = arith.constant 1 : i32
        %get3A_828 = arith.index_cast %get3A_827 : i32 to index
        %get3A_829 = arith.index_cast %add3A_826 : i32 to index
        %get3A_830 = arith.constant 16 : index
        %get3A_831 = tpu.vector_load %arg9[%get3A_828, %get3A_829, %get3A_830] {strides = array<i32>} : memref<2x1600x32xf32, #tpu.memory_space<vmem>>, vector<1x1x16xf32>,
        %get3A_832 = vector.shape_cast %get3A_831 : vector<1x1x16xf32> to vector<16xf32>
        %add3A_833 = arith.addf %add3A_793, %get3A_832 : vector<16xf32>
        %add3A_834 = arith.constant 34 : i32
        %add3A_835 = arith.addi %mul3A_148, %add3A_834 : i32
        %add3A_836 = arith.constant 1 : i32
        %add3A_837 = arith.addi %add3A_835, %add3A_836 : i32
        %get3A_838 = arith.constant 1 : i32
        %get3A_839 = arith.index_cast %get3A_838 : i32 to index
        %get3A_840 = arith.index_cast %add3A_837 : i32 to index
        %get3A_841 = arith.constant 0 : index
        %get3A_842 = tpu.vector_load %arg9[%get3A_839, %get3A_840, %get3A_841] {strides = array<i32>} : memref<2x1600x32xf32, #tpu.memory_space<vmem>>, vector<1x1x16xf32>,
        %get3A_843 = vector.shape_cast %get3A_842 : vector<1x1x16xf32> to vector<16xf32>
        %add3A_844 = arith.addf %add3A_804, %get3A_843 : vector<16xf32>
        %add3A_845 = arith.constant 34 : i32
        %add3A_846 = arith.addi %mul3A_148, %add3A_845 : i32
        %add3A_847 = arith.constant 1 : i32
        %add3A_848 = arith.addi %add3A_846, %add3A_847 : i32
        %get3A_849 = arith.constant 1 : i32
        %get3A_850 = arith.index_cast %get3A_849 : i32 to index
        %get3A_851 = arith.index_cast %add3A_848 : i32 to index
        %get3A_852 = arith.constant 16 : index
        %get3A_853 = tpu.vector_load %arg9[%get3A_850, %get3A_851, %get3A_852] {strides = array<i32>} : memref<2x1600x32xf32, #tpu.memory_space<vmem>>, vector<1x1x16xf32>,
        %get3A_854 = vector.shape_cast %get3A_853 : vector<1x1x16xf32> to vector<16xf32>
        %add3A_855 = arith.addf %add3A_815, %get3A_854 : vector<16xf32>
        %add3A_856 = arith.constant 36 : i32
        %add3A_857 = arith.addi %mul3A_148, %add3A_856 : i32
        %get3A_858 = arith.constant 1 : i32
        %get3A_859 = arith.index_cast %get3A_858 : i32 to index
        %get3A_860 = arith.index_cast %add3A_857 : i32 to index
        %get3A_861 = arith.constant 0 : index
        %get3A_862 = tpu.vector_load %arg9[%get3A_859, %get3A_860, %get3A_861] {strides = array<i32>} : memref<2x1600x32xf32, #tpu.memory_space<vmem>>, vector<1x1x16xf32>,
        %get3A_863 = vector.shape_cast %get3A_862 : vector<1x1x16xf32> to vector<16xf32>
        %add3A_864 = arith.addf %add3A_824, %get3A_863 : vector<16xf32>
        %add3A_865 = arith.constant 36 : i32
        %add3A_866 = arith.addi %mul3A_148, %add3A_865 : i32
        %get3A_867 = arith.constant 1 : i32
        %get3A_868 = arith.index_cast %get3A_867 : i32 to index
        %get3A_869 = arith.index_cast %add3A_866 : i32 to index
        %get3A_870 = arith.constant 16 : index
        %get3A_871 = tpu.vector_load %arg9[%get3A_868, %get3A_869, %get3A_870] {strides = array<i32>} : memref<2x1600x32xf32, #tpu.memory_space<vmem>>, vector<1x1x16xf32>,
        %get3A_872 = vector.shape_cast %get3A_871 : vector<1x1x16xf32> to vector<16xf32>
        %add3A_873 = arith.addf %add3A_833, %get3A_872 : vector<16xf32>
        %add3A_874 = arith.constant 36 : i32
        %add3A_875 = arith.addi %mul3A_148, %add3A_874 : i32
        %add3A_876 = arith.constant 1 : i32
        %add3A_877 = arith.addi %add3A_875, %add3A_876 : i32
        %get3A_878 = arith.constant 1 : i32
        %get3A_879 = arith.index_cast %get3A_878 : i32 to index
        %get3A_880 = arith.index_cast %add3A_877 : i32 to index
        %get3A_881 = arith.constant 0 : index
        %get3A_882 = tpu.vector_load %arg9[%get3A_879, %get3A_880, %get3A_881] {strides = array<i32>} : memref<2x1600x32xf32, #tpu.memory_space<vmem>>, vector<1x1x16xf32>,
        %get3A_883 = vector.shape_cast %get3A_882 : vector<1x1x16xf32> to vector<16xf32>
        %add3A_884 = arith.addf %add3A_844, %get3A_883 : vector<16xf32>
        %add3A_885 = arith.constant 36 : i32
        %add3A_886 = arith.addi %mul3A_148, %add3A_885 : i32
        %add3A_887 = arith.constant 1 : i32
        %add3A_888 = arith.addi %add3A_886, %add3A_887 : i32
        %get3A_889 = arith.constant 1 : i32
        %get3A_890 = arith.index_cast %get3A_889 : i32 to index
        %get3A_891 = arith.index_cast %add3A_888 : i32 to index
        %get3A_892 = arith.constant 16 : index
        %get3A_893 = tpu.vector_load %arg9[%get3A_890, %get3A_891, %get3A_892] {strides = array<i32>} : memref<2x1600x32xf32, #tpu.memory_space<vmem>>, vector<1x1x16xf32>,
        %get3A_894 = vector.shape_cast %get3A_893 : vector<1x1x16xf32> to vector<16xf32>
        %add3A_895 = arith.addf %add3A_855, %get3A_894 : vector<16xf32>
        %add3A_896 = arith.constant 38 : i32
        %add3A_897 = arith.addi %mul3A_148, %add3A_896 : i32
        %get3A_898 = arith.constant 1 : i32
        %get3A_899 = arith.index_cast %get3A_898 : i32 to index
        %get3A_900 = arith.index_cast %add3A_897 : i32 to index
        %get3A_901 = arith.constant 0 : index
        %get3A_902 = tpu.vector_load %arg9[%get3A_899, %get3A_900, %get3A_901] {strides = array<i32>} : memref<2x1600x32xf32, #tpu.memory_space<vmem>>, vector<1x1x16xf32>,
        %get3A_903 = vector.shape_cast %get3A_902 : vector<1x1x16xf32> to vector<16xf32>
        %add3A_904 = arith.addf %add3A_864, %get3A_903 : vector<16xf32>
        %add3A_905 = arith.constant 38 : i32
        %add3A_906 = arith.addi %mul3A_148, %add3A_905 : i32
        %get3A_907 = arith.constant 1 : i32
        %get3A_908 = arith.index_cast %get3A_907 : i32 to index
        %get3A_909 = arith.index_cast %add3A_906 : i32 to index
        %get3A_910 = arith.constant 16 : index
        %get3A_911 = tpu.vector_load %arg9[%get3A_908, %get3A_909, %get3A_910] {strides = array<i32>} : memref<2x1600x32xf32, #tpu.memory_space<vmem>>, vector<1x1x16xf32>,
        %get3A_912 = vector.shape_cast %get3A_911 : vector<1x1x16xf32> to vector<16xf32>
        %add3A_913 = arith.addf %add3A_873, %get3A_912 : vector<16xf32>
        %add3A_914 = arith.constant 38 : i32
        %add3A_915 = arith.addi %mul3A_148, %add3A_914 : i32
        %add3A_916 = arith.constant 1 : i32
        %add3A_917 = arith.addi %add3A_915, %add3A_916 : i32
        %get3A_918 = arith.constant 1 : i32
        %get3A_919 = arith.index_cast %get3A_918 : i32 to index
        %get3A_920 = arith.index_cast %add3A_917 : i32 to index
        %get3A_921 = arith.constant 0 : index
        %get3A_922 = tpu.vector_load %arg9[%get3A_919, %get3A_920, %get3A_921] {strides = array<i32>} : memref<2x1600x32xf32, #tpu.memory_space<vmem>>, vector<1x1x16xf32>,
        %get3A_923 = vector.shape_cast %get3A_922 : vector<1x1x16xf32> to vector<16xf32>
        %add3A_924 = arith.addf %add3A_884, %get3A_923 : vector<16xf32>
        %add3A_925 = arith.constant 38 : i32
        %add3A_926 = arith.addi %mul3A_148, %add3A_925 : i32
        %add3A_927 = arith.constant 1 : i32
        %add3A_928 = arith.addi %add3A_926, %add3A_927 : i32
        %get3A_929 = arith.constant 1 : i32
        %get3A_930 = arith.index_cast %get3A_929 : i32 to index
        %get3A_931 = arith.index_cast %add3A_928 : i32 to index
        %get3A_932 = arith.constant 16 : index
        %get3A_933 = tpu.vector_load %arg9[%get3A_930, %get3A_931, %get3A_932] {strides = array<i32>} : memref<2x1600x32xf32, #tpu.memory_space<vmem>>, vector<1x1x16xf32>,
        %get3A_934 = vector.shape_cast %get3A_933 : vector<1x1x16xf32> to vector<16xf32>
        %add3A_935 = arith.addf %add3A_895, %get3A_934 : vector<16xf32>
        %add3A_936 = arith.constant 40 : i32
        %add3A_937 = arith.addi %mul3A_148, %add3A_936 : i32
        %get3A_938 = arith.constant 1 : i32
        %get3A_939 = arith.index_cast %get3A_938 : i32 to index
        %get3A_940 = arith.index_cast %add3A_937 : i32 to index
        %get3A_941 = arith.constant 0 : index
        %get3A_942 = tpu.vector_load %arg9[%get3A_939, %get3A_940, %get3A_941] {strides = array<i32>} : memref<2x1600x32xf32, #tpu.memory_space<vmem>>, vector<1x1x16xf32>,
        %get3A_943 = vector.shape_cast %get3A_942 : vector<1x1x16xf32> to vector<16xf32>
        %add3A_944 = arith.addf %add3A_904, %get3A_943 : vector<16xf32>
        %add3A_945 = arith.constant 40 : i32
        %add3A_946 = arith.addi %mul3A_148, %add3A_945 : i32
        %get3A_947 = arith.constant 1 : i32
        %get3A_948 = arith.index_cast %get3A_947 : i32 to index
        %get3A_949 = arith.index_cast %add3A_946 : i32 to index
        %get3A_950 = arith.constant 16 : index
        %get3A_951 = tpu.vector_load %arg9[%get3A_948, %get3A_949, %get3A_950] {strides = array<i32>} : memref<2x1600x32xf32, #tpu.memory_space<vmem>>, vector<1x1x16xf32>,
        %get3A_952 = vector.shape_cast %get3A_951 : vector<1x1x16xf32> to vector<16xf32>
        %add3A_953 = arith.addf %add3A_913, %get3A_952 : vector<16xf32>
        %add3A_954 = arith.constant 40 : i32
        %add3A_955 = arith.addi %mul3A_148, %add3A_954 : i32
        %add3A_956 = arith.constant 1 : i32
        %add3A_957 = arith.addi %add3A_955, %add3A_956 : i32
        %get3A_958 = arith.constant 1 : i32
        %get3A_959 = arith.index_cast %get3A_958 : i32 to index
        %get3A_960 = arith.index_cast %add3A_957 : i32 to index
        %get3A_961 = arith.constant 0 : index
        %get3A_962 = tpu.vector_load %arg9[%get3A_959, %get3A_960, %get3A_961] {strides = array<i32>} : memref<2x1600x32xf32, #tpu.memory_space<vmem>>, vector<1x1x16xf32>,
        %get3A_963 = vector.shape_cast %get3A_962 : vector<1x1x16xf32> to vector<16xf32>
        %add3A_964 = arith.addf %add3A_924, %get3A_963 : vector<16xf32>
        %add3A_965 = arith.constant 40 : i32
        %add3A_966 = arith.addi %mul3A_148, %add3A_965 : i32
        %add3A_967 = arith.constant 1 : i32
        %add3A_968 = arith.addi %add3A_966, %add3A_967 : i32
        %get3A_969 = arith.constant 1 : i32
        %get3A_970 = arith.index_cast %get3A_969 : i32 to index
        %get3A_971 = arith.index_cast %add3A_968 : i32 to index
        %get3A_972 = arith.constant 16 : index
        %get3A_973 = tpu.vector_load %arg9[%get3A_970, %get3A_971, %get3A_972] {strides = array<i32>} : memref<2x1600x32xf32, #tpu.memory_space<vmem>>, vector<1x1x16xf32>,
        %get3A_974 = vector.shape_cast %get3A_973 : vector<1x1x16xf32> to vector<16xf32>
        %add3A_975 = arith.addf %add3A_935, %get3A_974 : vector<16xf32>
        %add3A_976 = arith.constant 42 : i32
        %add3A_977 = arith.addi %mul3A_148, %add3A_976 : i32
        %get3A_978 = arith.constant 1 : i32
        %get3A_979 = arith.index_cast %get3A_978 : i32 to index
        %get3A_980 = arith.index_cast %add3A_977 : i32 to index
        %get3A_981 = arith.constant 0 : index
        %get3A_982 = tpu.vector_load %arg9[%get3A_979, %get3A_980, %get3A_981] {strides = array<i32>} : memref<2x1600x32xf32, #tpu.memory_space<vmem>>, vector<1x1x16xf32>,
        %get3A_983 = vector.shape_cast %get3A_982 : vector<1x1x16xf32> to vector<16xf32>
        %add3A_984 = arith.addf %add3A_944, %get3A_983 : vector<16xf32>
        %add3A_985 = arith.constant 42 : i32
        %add3A_986 = arith.addi %mul3A_148, %add3A_985 : i32
        %get3A_987 = arith.constant 1 : i32
        %get3A_988 = arith.index_cast %get3A_987 : i32 to index
        %get3A_989 = arith.index_cast %add3A_986 : i32 to index
        %get3A_990 = arith.constant 16 : index
        %get3A_991 = tpu.vector_load %arg9[%get3A_988, %get3A_989, %get3A_990] {strides = array<i32>} : memref<2x1600x32xf32, #tpu.memory_space<vmem>>, vector<1x1x16xf32>,
        %get3A_992 = vector.shape_cast %get3A_991 : vector<1x1x16xf32> to vector<16xf32>
        %add3A_993 = arith.addf %add3A_953, %get3A_992 : vector<16xf32>
        %add3A_994 = arith.constant 42 : i32
        %add3A_995 = arith.addi %mul3A_148, %add3A_994 : i32
        %add3A_996 = arith.constant 1 : i32
        %add3A_997 = arith.addi %add3A_995, %add3A_996 : i32
        %get3A_998 = arith.constant 1 : i32
        %get3A_999 = arith.index_cast %get3A_998 : i32 to index
        %get3A_1000 = arith.index_cast %add3A_997 : i32 to index
        %get3A_1001 = arith.constant 0 : index
        %get3A_1002 = tpu.vector_load %arg9[%get3A_999, %get3A_1000, %get3A_1001] {strides = array<i32>} : memref<2x1600x32xf32, #tpu.memory_space<vmem>>, vector<1x1x16xf32>,
        %get3A_1003 = vector.shape_cast %get3A_1002 : vector<1x1x16xf32> to vector<16xf32>
        %add3A_1004 = arith.addf %add3A_964, %get3A_1003 : vector<16xf32>
        %add3A_1005 = arith.constant 42 : i32
        %add3A_1006 = arith.addi %mul3A_148, %add3A_1005 : i32
        %add3A_1007 = arith.constant 1 : i32
        %add3A_1008 = arith.addi %add3A_1006, %add3A_1007 : i32
        %get3A_1009 = arith.constant 1 : i32
        %get3A_1010 = arith.index_cast %get3A_1009 : i32 to index
        %get3A_1011 = arith.index_cast %add3A_1008 : i32 to index
        %get3A_1012 = arith.constant 16 : index
        %get3A_1013 = tpu.vector_load %arg9[%get3A_1010, %get3A_1011, %get3A_1012] {strides = array<i32>} : memref<2x1600x32xf32, #tpu.memory_space<vmem>>, vector<1x1x16xf32>,
        %get3A_1014 = vector.shape_cast %get3A_1013 : vector<1x1x16xf32> to vector<16xf32>
        %add3A_1015 = arith.addf %add3A_975, %get3A_1014 : vector<16xf32>
        %add3A_1016 = arith.constant 44 : i32
        %add3A_1017 = arith.addi %mul3A_148, %add3A_1016 : i32
        %get3A_1018 = arith.constant 1 : i32
        %get3A_1019 = arith.index_cast %get3A_1018 : i32 to index
        %get3A_1020 = arith.index_cast %add3A_1017 : i32 to index
        %get3A_1021 = arith.constant 0 : index
        %get3A_1022 = tpu.vector_load %arg9[%get3A_1019, %get3A_1020, %get3A_1021] {strides = array<i32>} : memref<2x1600x32xf32, #tpu.memory_space<vmem>>, vector<1x1x16xf32>,
        %get3A_1023 = vector.shape_cast %get3A_1022 : vector<1x1x16xf32> to vector<16xf32>
        %add3A_1024 = arith.addf %add3A_984, %get3A_1023 : vector<16xf32>
        %add3A_1025 = arith.constant 44 : i32
        %add3A_1026 = arith.addi %mul3A_148, %add3A_1025 : i32
        %get3A_1027 = arith.constant 1 : i32
        %get3A_1028 = arith.index_cast %get3A_1027 : i32 to index
        %get3A_1029 = arith.index_cast %add3A_1026 : i32 to index
        %get3A_1030 = arith.constant 16 : index
        %get3A_1031 = tpu.vector_load %arg9[%get3A_1028, %get3A_1029, %get3A_1030] {strides = array<i32>} : memref<2x1600x32xf32, #tpu.memory_space<vmem>>, vector<1x1x16xf32>,
        %get3A_1032 = vector.shape_cast %get3A_1031 : vector<1x1x16xf32> to vector<16xf32>
        %add3A_1033 = arith.addf %add3A_993, %get3A_1032 : vector<16xf32>
        %add3A_1034 = arith.constant 44 : i32
        %add3A_1035 = arith.addi %mul3A_148, %add3A_1034 : i32
        %add3A_1036 = arith.constant 1 : i32
        %add3A_1037 = arith.addi %add3A_1035, %add3A_1036 : i32
        %get3A_1038 = arith.constant 1 : i32
        %get3A_1039 = arith.index_cast %get3A_1038 : i32 to index
        %get3A_1040 = arith.index_cast %add3A_1037 : i32 to index
        %get3A_1041 = arith.constant 0 : index
        %get3A_1042 = tpu.vector_load %arg9[%get3A_1039, %get3A_1040, %get3A_1041] {strides = array<i32>} : memref<2x1600x32xf32, #tpu.memory_space<vmem>>, vector<1x1x16xf32>,
        %get3A_1043 = vector.shape_cast %get3A_1042 : vector<1x1x16xf32> to vector<16xf32>
        %add3A_1044 = arith.addf %add3A_1004, %get3A_1043 : vector<16xf32>
        %add3A_1045 = arith.constant 44 : i32
        %add3A_1046 = arith.addi %mul3A_148, %add3A_1045 : i32
        %add3A_1047 = arith.constant 1 : i32
        %add3A_1048 = arith.addi %add3A_1046, %add3A_1047 : i32
        %get3A_1049 = arith.constant 1 : i32
        %get3A_1050 = arith.index_cast %get3A_1049 : i32 to index
        %get3A_1051 = arith.index_cast %add3A_1048 : i32 to index
        %get3A_1052 = arith.constant 16 : index
        %get3A_1053 = tpu.vector_load %arg9[%get3A_1050, %get3A_1051, %get3A_1052] {strides = array<i32>} : memref<2x1600x32xf32, #tpu.memory_space<vmem>>, vector<1x1x16xf32>,
        %get3A_1054 = vector.shape_cast %get3A_1053 : vector<1x1x16xf32> to vector<16xf32>
        %add3A_1055 = arith.addf %add3A_1015, %get3A_1054 : vector<16xf32>
        %add3A_1056 = arith.constant 46 : i32
        %add3A_1057 = arith.addi %mul3A_148, %add3A_1056 : i32
        %get3A_1058 = arith.constant 1 : i32
        %get3A_1059 = arith.index_cast %get3A_1058 : i32 to index
        %get3A_1060 = arith.index_cast %add3A_1057 : i32 to index
        %get3A_1061 = arith.constant 0 : index
        %get3A_1062 = tpu.vector_load %arg9[%get3A_1059, %get3A_1060, %get3A_1061] {strides = array<i32>} : memref<2x1600x32xf32, #tpu.memory_space<vmem>>, vector<1x1x16xf32>,
        %get3A_1063 = vector.shape_cast %get3A_1062 : vector<1x1x16xf32> to vector<16xf32>
        %add3A_1064 = arith.addf %add3A_1024, %get3A_1063 : vector<16xf32>
        %add3A_1065 = arith.constant 46 : i32
        %add3A_1066 = arith.addi %mul3A_148, %add3A_1065 : i32
        %get3A_1067 = arith.constant 1 : i32
        %get3A_1068 = arith.index_cast %get3A_1067 : i32 to index
        %get3A_1069 = arith.index_cast %add3A_1066 : i32 to index
        %get3A_1070 = arith.constant 16 : index
        %get3A_1071 = tpu.vector_load %arg9[%get3A_1068, %get3A_1069, %get3A_1070] {strides = array<i32>} : memref<2x1600x32xf32, #tpu.memory_space<vmem>>, vector<1x1x16xf32>,
        %get3A_1072 = vector.shape_cast %get3A_1071 : vector<1x1x16xf32> to vector<16xf32>
        %add3A_1073 = arith.addf %add3A_1033, %get3A_1072 : vector<16xf32>
        %add3A_1074 = arith.constant 46 : i32
        %add3A_1075 = arith.addi %mul3A_148, %add3A_1074 : i32
        %add3A_1076 = arith.constant 1 : i32
        %add3A_1077 = arith.addi %add3A_1075, %add3A_1076 : i32
        %get3A_1078 = arith.constant 1 : i32
        %get3A_1079 = arith.index_cast %get3A_1078 : i32 to index
        %get3A_1080 = arith.index_cast %add3A_1077 : i32 to index
        %get3A_1081 = arith.constant 0 : index
        %get3A_1082 = tpu.vector_load %arg9[%get3A_1079, %get3A_1080, %get3A_1081] {strides = array<i32>} : memref<2x1600x32xf32, #tpu.memory_space<vmem>>, vector<1x1x16xf32>,
        %get3A_1083 = vector.shape_cast %get3A_1082 : vector<1x1x16xf32> to vector<16xf32>
        %add3A_1084 = arith.addf %add3A_1044, %get3A_1083 : vector<16xf32>
        %add3A_1085 = arith.constant 46 : i32
        %add3A_1086 = arith.addi %mul3A_148, %add3A_1085 : i32
        %add3A_1087 = arith.constant 1 : i32
        %add3A_1088 = arith.addi %add3A_1086, %add3A_1087 : i32
        %get3A_1089 = arith.constant 1 : i32
        %get3A_1090 = arith.index_cast %get3A_1089 : i32 to index
        %get3A_1091 = arith.index_cast %add3A_1088 : i32 to index
        %get3A_1092 = arith.constant 16 : index
        %get3A_1093 = tpu.vector_load %arg9[%get3A_1090, %get3A_1091, %get3A_1092] {strides = array<i32>} : memref<2x1600x32xf32, #tpu.memory_space<vmem>>, vector<1x1x16xf32>,
        %get3A_1094 = vector.shape_cast %get3A_1093 : vector<1x1x16xf32> to vector<16xf32>
        %add3A_1095 = arith.addf %add3A_1055, %get3A_1094 : vector<16xf32>
        %add3A_1096 = arith.constant 48 : i32
        %add3A_1097 = arith.addi %mul3A_148, %add3A_1096 : i32
        %get3A_1098 = arith.constant 1 : i32
        %get3A_1099 = arith.index_cast %get3A_1098 : i32 to index
        %get3A_1100 = arith.index_cast %add3A_1097 : i32 to index
        %get3A_1101 = arith.constant 0 : index
        %get3A_1102 = tpu.vector_load %arg9[%get3A_1099, %get3A_1100, %get3A_1101] {strides = array<i32>} : memref<2x1600x32xf32, #tpu.memory_space<vmem>>, vector<1x1x16xf32>,
        %get3A_1103 = vector.shape_cast %get3A_1102 : vector<1x1x16xf32> to vector<16xf32>
        %add3A_1104 = arith.addf %add3A_1064, %get3A_1103 : vector<16xf32>
        %add3A_1105 = arith.constant 48 : i32
        %add3A_1106 = arith.addi %mul3A_148, %add3A_1105 : i32
        %get3A_1107 = arith.constant 1 : i32
        %get3A_1108 = arith.index_cast %get3A_1107 : i32 to index
        %get3A_1109 = arith.index_cast %add3A_1106 : i32 to index
        %get3A_1110 = arith.constant 16 : index
        %get3A_1111 = tpu.vector_load %arg9[%get3A_1108, %get3A_1109, %get3A_1110] {strides = array<i32>} : memref<2x1600x32xf32, #tpu.memory_space<vmem>>, vector<1x1x16xf32>,
        %get3A_1112 = vector.shape_cast %get3A_1111 : vector<1x1x16xf32> to vector<16xf32>
        %add3A_1113 = arith.addf %add3A_1073, %get3A_1112 : vector<16xf32>
        %add3A_1114 = arith.constant 48 : i32
        %add3A_1115 = arith.addi %mul3A_148, %add3A_1114 : i32
        %add3A_1116 = arith.constant 1 : i32
        %add3A_1117 = arith.addi %add3A_1115, %add3A_1116 : i32
        %get3A_1118 = arith.constant 1 : i32
        %get3A_1119 = arith.index_cast %get3A_1118 : i32 to index
        %get3A_1120 = arith.index_cast %add3A_1117 : i32 to index
        %get3A_1121 = arith.constant 0 : index
        %get3A_1122 = tpu.vector_load %arg9[%get3A_1119, %get3A_1120, %get3A_1121] {strides = array<i32>} : memref<2x1600x32xf32, #tpu.memory_space<vmem>>, vector<1x1x16xf32>,
        %get3A_1123 = vector.shape_cast %get3A_1122 : vector<1x1x16xf32> to vector<16xf32>
        %add3A_1124 = arith.addf %add3A_1084, %get3A_1123 : vector<16xf32>
        %add3A_1125 = arith.constant 48 : i32
        %add3A_1126 = arith.addi %mul3A_148, %add3A_1125 : i32
        %add3A_1127 = arith.constant 1 : i32
        %add3A_1128 = arith.addi %add3A_1126, %add3A_1127 : i32
        %get3A_1129 = arith.constant 1 : i32
        %get3A_1130 = arith.index_cast %get3A_1129 : i32 to index
        %get3A_1131 = arith.index_cast %add3A_1128 : i32 to index
        %get3A_1132 = arith.constant 16 : index
        %get3A_1133 = tpu.vector_load %arg9[%get3A_1130, %get3A_1131, %get3A_1132] {strides = array<i32>} : memref<2x1600x32xf32, #tpu.memory_space<vmem>>, vector<1x1x16xf32>,
        %get3A_1134 = vector.shape_cast %get3A_1133 : vector<1x1x16xf32> to vector<16xf32>
        %add3A_1135 = arith.addf %add3A_1095, %get3A_1134 : vector<16xf32>
        %add3A_1136 = arith.addf %add3A_1104, %add3A_1124 : vector<16xf32>
        %add3A_1137 = arith.addf %add3A_1113, %add3A_1135 : vector<16xf32>
        %mul3A_1138 = arith.constant 32 : i32
        %mul3A_1139 = arith.muli %add3A_114, %mul3A_1138 : i32
        %add3A_1140 = arith.addi %mul3A_1139, %scan3A_145 : i32
        %get3A_1141 = arith.index_cast %add3A_1140 : i32 to index
        %get3A_1142 = arith.constant 0 : index
        %get3A_1143 = tpu.vector_load %arg11[%get3A_1141, %get3A_1142] {strides = array<i32>} : memref<512x32xf32, #tpu.memory_space<vmem>>, vector<1x16xf32>,
        %get3A_1144 = vector.shape_cast %get3A_1143 : vector<1x16xf32> to vector<16xf32>
        %get3A_1145 = arith.index_cast %add3A_1140 : i32 to index
        %get3A_1146 = arith.constant 16 : index
        %get3A_1147 = tpu.vector_load %arg11[%get3A_1145, %get3A_1146] {strides = array<i32>} : memref<512x32xf32, #tpu.memory_space<vmem>>, vector<1x16xf32>,
        %get3A_1148 = vector.shape_cast %get3A_1147 : vector<1x16xf32> to vector<16xf32>
        %mul3A_1149 = arith.mulf %add3A_1136, %get3A_1144 : vector<16xf32>
        %mul3A_1150 = arith.mulf %add3A_1137, %get3A_1148 : vector<16xf32>
        %add3A_1151 = arith.addf %mul3A_1149, %mul3A_1150 : vector<16xf32>
        %xor3A = arith.constant 8 : i32
        %xor3A_1152 = vector.broadcast %xor3A : i32 to vector<16xi32>
        %xor3A_1153 = arith.xori %iota3A, %xor3A_1152 : vector<16xi32>
        %broadcast_in_dim3A_1154 = vector.shape_cast %xor3A_1153 : vector<16xi32> to vector<16x1xi32>
        %gather3A = vector.shape_cast %broadcast_in_dim3A_1154 : vector<16x1xi32> to vector<16xi32>
        %gather3A_1155 = tpu.dynamic_gather %add3A_1151[%gather3A] in [0] : vector<16xf32>, vector<16xi32> -> vector<16xf32>
        %add3A_1156 = arith.addf %add3A_1151, %gather3A_1155 : vector<16xf32>
        %xor3A_1157 = arith.constant 4 : i32
        %xor3A_1158 = vector.broadcast %xor3A_1157 : i32 to vector<16xi32>
        %xor3A_1159 = arith.xori %iota3A, %xor3A_1158 : vector<16xi32>
        %broadcast_in_dim3A_1160 = vector.shape_cast %xor3A_1159 : vector<16xi32> to vector<16x1xi32>
        %gather3A_1161 = vector.shape_cast %broadcast_in_dim3A_1160 : vector<16x1xi32> to vector<16xi32>
        %gather3A_1162 = tpu.dynamic_gather %add3A_1156[%gather3A_1161] in [0] : vector<16xf32>, vector<16xi32> -> vector<16xf32>
        %add3A_1163 = arith.addf %add3A_1156, %gather3A_1162 : vector<16xf32>
        %xor3A_1164 = arith.constant 2 : i32
        %xor3A_1165 = vector.broadcast %xor3A_1164 : i32 to vector<16xi32>
        %xor3A_1166 = arith.xori %iota3A, %xor3A_1165 : vector<16xi32>
        %broadcast_in_dim3A_1167 = vector.shape_cast %xor3A_1166 : vector<16xi32> to vector<16x1xi32>
        %gather3A_1168 = vector.shape_cast %broadcast_in_dim3A_1167 : vector<16x1xi32> to vector<16xi32>
        %gather3A_1169 = tpu.dynamic_gather %add3A_1163[%gather3A_1168] in [0] : vector<16xf32>, vector<16xi32> -> vector<16xf32>
        %add3A_1170 = arith.addf %add3A_1163, %gather3A_1169 : vector<16xf32>
        %xor3A_1171 = arith.constant 1 : i32
        %xor3A_1172 = vector.broadcast %xor3A_1171 : i32 to vector<16xi32>
        %xor3A_1173 = arith.xori %iota3A, %xor3A_1172 : vector<16xi32>
        %broadcast_in_dim3A_1174 = vector.shape_cast %xor3A_1173 : vector<16xi32> to vector<16x1xi32>
        %gather3A_1175 = vector.shape_cast %broadcast_in_dim3A_1174 : vector<16x1xi32> to vector<16xi32>
        %gather3A_1176 = tpu.dynamic_gather %add3A_1170[%gather3A_1175] in [0] : vector<16xf32>, vector<16xi32> -> vector<16xf32>
        %add3A_1177 = arith.addf %add3A_1170, %gather3A_1176 : vector<16xf32>
        %and3A = arith.constant 15 : i32
        %and3A_1178 = arith.andi %scan3A_145, %and3A : i32
        %eq3A = vector.broadcast %and3A_1178 : i32 to vector<16xi32>
        %eq3A_1179 = arith.cmpi eq, %iota3A, %eq3A : vector<16xi32>
        %select_n3A = arith.select %eq3A_1179, %add3A_1177, %scan3A_146 : vector<16xi1>, vector<16xf32>
        %eq3A_1180 = arith.constant 15 : i32
        %eq3A_1181 = arith.cmpi eq, %and3A_1178, %eq3A_1180 : i32
        %convert_element_type3A_1182 = arith.extui %eq3A_1181 : i1 to i32
        %cond3A_1183 = arith.constant 0 : i32
        %cond3A_1184 = arith.cmpi ne, %convert_element_type3A_1182, %cond3A_1183 : i32
        scf.if %cond3A_1184 {
          %sub3A = arith.constant 15 : i32
          %sub3A_1185 = arith.subi %add3A_1140, %sub3A : i32
          %multiple_of3A = tpu.assume_multiple %sub3A_1185, 16 : i32
          %swap3A = arith.index_cast %multiple_of3A : i32 to index
          %swap3A_1186 = tpu.vector_load %arg13[%swap3A] {strides = array<i32>} : memref<512xf32, #tpu.memory_space<vmem>>, vector<16xf32>,
          %swap3A_1187 = vector.shape_cast %swap3A_1186 : vector<16xf32> to vector<16xf32>
          %swap3A_1188 = vector.shape_cast %select_n3A : vector<16xf32> to vector<16xf32>
          tpu.vector_store %arg13[%swap3A], %swap3A_1188 {strides = array<i32>} : memref<512xf32, #tpu.memory_space<vmem>>, vector<16xf32>,
        } else {
        }
        scf.yield %select_n3A : vector<16xf32>
      }
      %scan3A_144 = arith.constant 32 : i32
    }
    %scan3A_73 = arith.constant 8 : i32
    %scan3A_74 = arith.constant 0 : i32
    %scan3A_75 = arith.constant 0 : i32
    %scan3A_76 = arith.constant 32 : i32
    %scan3A_77 = arith.addi %scan3A_75, %scan3A_76 : i32
    %scan3A_78 = arith.constant 1 : i32
    scf.for %scan3A_80 = %scan3A_75 to %scan3A_77 step %scan3A_78  : i32 {
      %mul3A_81 = arith.constant 16 : i32
      %mul3A_82 = arith.muli %scan3A_80, %mul3A_81 : i32
      %get3A = arith.index_cast %mul3A_82 : i32 to index
      %get3A_83 = tpu.vector_load %arg13[%get3A] {strides = array<i32>} : memref<512xf32, #tpu.memory_space<vmem>>, vector<16xf32>,
      %get3A_84 = vector.shape_cast %get3A_83 : vector<16xf32> to vector<16xf32>
      %get3A_85 = arith.index_cast %mul3A_82 : i32 to index
      %get3A_86 = tpu.vector_load %arg12[%get3A_85] {strides = array<i32>} : memref<512xi32, #tpu.memory_space<vmem>>, vector<16xi32>,
      %get3A_87 = vector.shape_cast %get3A_86 : vector<16xi32> to vector<16xi32>
      %convert_element_type3A = arith.sitofp %get3A_87 : vector<16xi32> to vector<16xf32>
      %div3A = arith.divf %get3A_84, %convert_element_type3A : vector<16xf32>
      %swap3A = arith.index_cast %mul3A_82 : i32 to index
      %swap3A_88 = tpu.vector_load %arg13[%swap3A] {strides = array<i32>} : memref<512xf32, #tpu.memory_space<vmem>>, vector<16xf32>,
      %swap3A_89 = vector.shape_cast %swap3A_88 : vector<16xf32> to vector<16xf32>
      %swap3A_90 = vector.shape_cast %div3A : vector<16xf32> to vector<16xf32>
      tpu.vector_store %arg13[%swap3A], %swap3A_90 {strides = array<i32>} : memref<512xf32, #tpu.memory_space<vmem>>, vector<16xf32>,
    }
    %scan3A_79 = arith.constant 32 : i32
    "tpu.region"() ({
      %run_scoped3A_80 = tpu.sem_alloc : memref<!tpu.dma_semaphore, #tpu.memory_space<semaphore_mem>>
      %dma_start3A_81 = tpu.memref_slice %arg7[%mul3A_2] : memref<16384xf32, #tpu.memory_space<hbm>> -> memref<512xf32, #tpu.memory_space<hbm>>
      %dma_start3A_82 = tpu.memref_slice %arg7[%mul3A_2] : memref<16384xf32, #tpu.memory_space<hbm>> -> memref<512xf32, #tpu.memory_space<hbm>>
      tpu.enqueue_dma source(%arg13 : memref<512xf32, #tpu.memory_space<vmem>>) target(%dma_start3A_82 : memref<512xf32, #tpu.memory_space<hbm>>) target_semaphore(%run_scoped3A_80 : memref<!tpu.dma_semaphore, #tpu.memory_space<semaphore_mem>>)
      %dma_wait3A_83 = tpu.memref_slice %arg7[%mul3A_2] : memref<16384xf32, #tpu.memory_space<hbm>> -> memref<512xf32, #tpu.memory_space<hbm>>
      %dma_wait3A_84 = tpu.memref_slice %arg7[%mul3A_2] : memref<16384xf32, #tpu.memory_space<hbm>> -> memref<512xf32, #tpu.memory_space<hbm>>
      tpu.wait_dma2 semaphore(%run_scoped3A_80 : memref<!tpu.dma_semaphore, #tpu.memory_space<semaphore_mem>>) src(%arg13 : memref<512xf32, #tpu.memory_space<vmem>>) dst(%dma_wait3A_84 : memref<512xf32, #tpu.memory_space<hbm>>)
      tpu.yield
    }) : () -> ()
    return
  }
}

module attributes {stable_mosaic.version = 14 : i64} {
  func.func @_repack_body(%arg0: i32, %arg1: memref<32x65536xf32, #tpu.memory_space<vmem>>, %arg2: memref<16384x128xf32, #tpu.memory_space<vmem>>) attributes {dimension_semantics = [#tpu.dimension_semantics<arbitrary>], iteration_bounds = array<i64: 2>, scalar_prefetch = 0 : i64, scratch_operands = 0 : i64, tpu.core_type = #tpu.core_type<tc>, window_params = [{transform_indices = @transform_0, window_bounds = array<i64: 32, 65536>}, {transform_indices = @transform_1, window_bounds = array<i64: 16384, 128>}]} {
    %get3A = arith.constant 0 : index
    %get3A_0 = arith.constant 0 : index
    %get3A_1 = vector.load %arg1[%get3A, %get3A_0] : memref<32x65536xf32, #tpu.memory_space<vmem>>, vector<32x65536xf32>
    %slice3A = vector.extract_strided_slice %get3A_1 {offsets = [0, 0], sizes = [32, 16384], strides = [1, 1]} : vector<32x65536xf32> to vector<32x16384xf32>
    %slice3A_2 = vector.extract_strided_slice %get3A_1 {offsets = [0, 16384], sizes = [32, 16384], strides = [1, 1]} : vector<32x65536xf32> to vector<32x16384xf32>
    %slice3A_3 = vector.extract_strided_slice %get3A_1 {offsets = [0, 32768], sizes = [32, 16384], strides = [1, 1]} : vector<32x65536xf32> to vector<32x16384xf32>
    %slice3A_4 = vector.extract_strided_slice %get3A_1 {offsets = [0, 49152], sizes = [32, 16384], strides = [1, 1]} : vector<32x65536xf32> to vector<32x16384xf32>
    %concatenate3A = tpu.concatenate %slice3A, %slice3A_2, %slice3A_3, %slice3A_4 in 0 : vector<32x16384xf32>, vector<32x16384xf32>, vector<32x16384xf32>, vector<32x16384xf32> -> vector<128x16384xf32>
    %transpose3A = tpu.transpose %concatenate3A, [1, 0] : vector<128x16384xf32> -> vector<16384x128xf32>
    %swap3A = arith.constant 0 : index
    %swap3A_5 = arith.constant 0 : index
    %swap3A_6 = vector.load %arg2[%swap3A, %swap3A_5] : memref<16384x128xf32, #tpu.memory_space<vmem>>, vector<16384x128xf32>
    tpu.vector_store %arg2[%swap3A, %swap3A_5], %transpose3A {strides = array<i32>} : memref<16384x128xf32, #tpu.memory_space<vmem>>, vector<16384x128xf32>,
    return
  }
  func.func @transform_0(%arg0: i32) -> (i32, i32) {
    %c0_i32 = arith.constant 0 : i32
    %c0_i32_0 = arith.constant 0 : i32
    return %c0_i32, %arg0 : i32, i32
  }
  func.func @transform_1(%arg0: i32) -> (i32, i32) {
    %c0_i32 = arith.constant 0 : i32
    %c0_i32_0 = arith.constant 0 : i32
    return %arg0, %c0_i32 : i32, i32
  }
}

module attributes {stable_mosaic.version = 14 : i64} {
  func.func @_repack_body(%arg0: i32, %arg1: memref<32x65536xf32, #tpu.memory_space<vmem>>, %arg2: memref<16384x128xf32, #tpu.memory_space<vmem>>) attributes {dimension_semantics = [#tpu.dimension_semantics<arbitrary>], iteration_bounds = array<i64: 16>, scalar_prefetch = 0 : i64, scratch_operands = 0 : i64, tpu.core_type = #tpu.core_type<tc>, window_params = [{transform_indices = @transform_0, window_bounds = array<i64: 32, 65536>}, {transform_indices = @transform_1, window_bounds = array<i64: 16384, 128>}]} {
    %get3A = arith.constant 0 : index
    %get3A_0 = arith.constant 0 : index
    %get3A_1 = vector.load %arg1[%get3A, %get3A_0] : memref<32x65536xf32, #tpu.memory_space<vmem>>, vector<32x65536xf32>
    %slice3A = vector.extract_strided_slice %get3A_1 {offsets = [0, 0], sizes = [32, 16384], strides = [1, 1]} : vector<32x65536xf32> to vector<32x16384xf32>
    %slice3A_2 = vector.extract_strided_slice %get3A_1 {offsets = [0, 16384], sizes = [32, 16384], strides = [1, 1]} : vector<32x65536xf32> to vector<32x16384xf32>
    %slice3A_3 = vector.extract_strided_slice %get3A_1 {offsets = [0, 32768], sizes = [32, 16384], strides = [1, 1]} : vector<32x65536xf32> to vector<32x16384xf32>
    %slice3A_4 = vector.extract_strided_slice %get3A_1 {offsets = [0, 49152], sizes = [32, 16384], strides = [1, 1]} : vector<32x65536xf32> to vector<32x16384xf32>
    %concatenate3A = tpu.concatenate %slice3A, %slice3A_2, %slice3A_3, %slice3A_4 in 0 : vector<32x16384xf32>, vector<32x16384xf32>, vector<32x16384xf32>, vector<32x16384xf32> -> vector<128x16384xf32>
    %transpose3A = tpu.transpose %concatenate3A, [1, 0] : vector<128x16384xf32> -> vector<16384x128xf32>
    %swap3A = arith.constant 0 : index
    %swap3A_5 = arith.constant 0 : index
    %swap3A_6 = vector.load %arg2[%swap3A, %swap3A_5] : memref<16384x128xf32, #tpu.memory_space<vmem>>, vector<16384x128xf32>
    tpu.vector_store %arg2[%swap3A, %swap3A_5], %transpose3A {strides = array<i32>} : memref<16384x128xf32, #tpu.memory_space<vmem>>, vector<16384x128xf32>,
    return
  }
  func.func @transform_0(%arg0: i32) -> (i32, i32) {
    %c0_i32 = arith.constant 0 : i32
    %c0_i32_0 = arith.constant 0 : i32
    return %c0_i32, %arg0 : i32, i32
  }
  func.func @transform_1(%arg0: i32) -> (i32, i32) {
    %c0_i32 = arith.constant 0 : i32
    %c0_i32_0 = arith.constant 0 : i32
    return %arg0, %c0_i32 : i32, i32
  }
}

</mosaic_0001>

<sc_bundles>
// kernel: kernel.5.cloned.1.call-start
scs
__scs_entry_jumppad:
0x0: {  	(pc) =	sbr.rel $0x88, $3  }
0x1: {  	(tag) =	ssettag $0x0;
	lr =	simm.s32 $0x1  }
0x2: {  	[smem:$0x3F9C] =	sst lr;
	_ =	strace $0xD0000000  }
0x3: {  	_ = 	snop  }
0x4: {  	_ = 	snop  }
0x5: {  	_ = 	snop  }
0x6: {  	_ = 	snop  }
0x7: {  	_ = 	snop  }
__scs_overlays_trampoline_lowered:
0x8: {  	[smem:$0x3FAB] =	sst s0  }
0x9: {  	[smem:$0x3FAC] =	sst s1  }
0xa: {  	[smem:$0x3FAD] =	sst s2  }
0xb: {  	[smem:$0x3FAE] =	sst s3  }
0xc: {  	[smem:$0x3FAF] =	sst s4  }
0xd: {  	[smem:$0x3FB0] =	sst s5  }
0xe: {  	[smem:$0x3FB1] =	sst s6  }
0xf: {  	[smem:$0x3FB2] =	sst s7  }
0x10: {  	[smem:$0x3FB3] =	sst s8  }
0x11: {  	[smem:$0x3FB4] =	sst s9;
	s0 =	simm.s32 @!p0 $0x0  }
0x12: {  	s1 =	sld [smem:$0x3F9A];
	s0 =	simm.s32 @p0 $0x1  }
0x13: {  	[smem:$0x3FB5] =	sst s0;
	s0 =	simm.s32 @!p1 $0x0  }
0x14: {  	s2 =	sld [smem:$0x3F99];
	s0 =	simm.s32 @p1 $0x1  }
0x15: {  	[smem:$0x3FB6] =	sst s0;
	s0 =	simm.s32 @!p2 $0x0  }
0x16: {  	s3 =	sld [smem:$0x3FDB];
	s0 =	simm.s32 @p2 $0x1  }
0x17: {  	s4 =	simm.s32 $0x1BF5;
	[smem:$0x3FB8] =	sst s0  }
0x18: {  	s0 =	sld [smem:$0x3F9B];
	_ =	swait.ge [sflag:s4], $0x0  }
0x19: {  	s7 =	sld [smem:$0x3F9C]  }
0x1a: {  	s8 =	sadd.s32 $0xFFFFE003, lr  }
0x1b: {  	s9 =	sadd.s32 $0xFFFFFEF7, lr;
	s5 =	simm.s32 $0xFFFFFFFF;
	p2 =	slt.u32 s8, $0xFFFFF086  }
0x1c: {  	p1 =	slt.u32 s9, $0xF7A;
	s5 =	simm.s32 @!p2 $0x0  }
0x1d: {  	s5 =	simm.s32 @p1 $0x1;
	p0 =	seq.s32 s7, s2  }
0x1e: {  	s7 =	smul.u32 @!p0 $0xF7A, s2;
	p2 =	seq.s32 @!p0 s5, $0x0  }
0x1f: {  	s9 =	smul.u32 $0xF7A, s1;
	s8 =	simm.s32 @!p0 $0x1BF5;
	p2 =	por !p2, p0  }
0x20: {  	[sflag:s8] =	ssyncset.s32 @!p0 $0xFFFFF086;
	s6 =	sadd.s32 @!p0 s3, s7;
	s7 =	simm.s32 @!p0 $0x108  }
0x21: {  	s3 =	sadd.s32 s3, s9;
	s6 =	sadd.s32 @!p0 $0x88, s6;
	s7 =	simm.s32 @p2 $0x1082  }
0x22: {  	[simem:s7], [sflag:s8] =	dma.local @!p0 [hbm:s6], $0xF7A  }
0x23: {  	s9 =	sor.u32 $0xD0000000, s2;
	s6 =	simm.s32 $0x108;
	_ =	swait.ge @!p0 [sflag:s8], $0x0  }
0x24: {  	s3 =	sadd.s32 $0x88, s3;
	s6 =	simm.s32 @!p1 $0x1082;
	[sflag:s4] =	ssyncset.s32 $0xFFFFF086  }
0x25: {  	[simem:s6], [sflag:s4] =	dma.local [hbm:s3], $0xF7A  }
0x26: {  	[smem:$0x3F9C] =	sst s1;
	(tag) =	ssettag s2;
	_ =	strace s9  }
0x27: {  	s1 =	sld [smem:$0x3FAC]  }
0x28: {  	s2 =	sld [smem:$0x3FAD]  }
0x29: {  	s4 =	sld [smem:$0x3FAF]  }
0x2a: {  	p0 =	seq.s32 s5, $0x0;
	s5 =	sld [smem:$0x3FB0]  }
0x2b: {  	s6 =	sld [smem:$0x3FB1]  }
0x2c: {  	s7 =	sld [smem:$0x3FB2]  }
0x2d: {  	s3 =	simm.s32 $0x108;
	s8 =	sld [smem:$0x3FB3]  }
0x2e: {  	s3 =	simm.s32 @!p0 $0x1082;
	s9 =	sld [smem:$0x3FB4]  }
0x2f: {  	lr =	sadd.s32 s0, s3;
	s0 =	sld [smem:$0x3FAB]  }
0x30: {  	s3 =	sld [smem:$0x3FAE]  }
0x31: {  	[smem:$0x3FB7] =	sst s10  }
0x32: {  	s10 =	sld [smem:$0x3FB5];
	_ =	sdelay $0x3  }
0x33: {  	p0 =	seq.s32 s10, $0x1;
	s10 =	sld [smem:$0x3FB7];
	_ =	sdelay $0x3  }
0x34: {  	[smem:$0x3FB7] =	sst s10  }
0x35: {  	s10 =	sld [smem:$0x3FB6];
	_ =	sdelay $0x3  }
0x36: {  	p1 =	seq.s32 s10, $0x1;
	s10 =	sld [smem:$0x3FB7];
	_ =	sdelay $0x3  }
0x37: {  	[smem:$0x3FB7] =	sst s10  }
0x38: {  	s10 =	sld [smem:$0x3FB8]  }
0x39: {  	_ = 	snop;
	(pc) =	sbr.ind lr, $3  }
0x3a: {  	_ = 	snop  }
0x3b: {  	_ = 	snop  }
0x3c: {  	p2 =	seq.s32 s10, $0x1;
	s10 =	sld [smem:$0x3FB7]  }
0x3d: {  	_ =	shalt  }
0x3e: {  	_ =	shalt  }
0x3f: {  	_ =	shalt  }
0x40: {  	_ =	shalt  }
0x41: {  	_ =	shalt  }
0x42: {  	_ =	shalt  }
0x43: {  	_ =	shalt  }
0x44: {  	_ =	shalt  }
0x45: {  	_ =	shalt  }
0x46: {  	_ =	shalt  }
0x47: {  	_ =	shalt  }
0x48: {  	_ =	shalt  }
0x49: {  	_ =	shalt  }
0x4a: {  	_ =	shalt  }
0x4b: {  	_ =	shalt  }
0x4c: {  	_ =	shalt  }
0x4d: {  	_ =	shalt  }
0x4e: {  	_ =	shalt  }
0x4f: {  	_ =	shalt  }
0x50: {  	_ =	shalt  }
0x51: {  	_ =	shalt  }
0x52: {  	_ =	shalt  }
0x53: {  	_ =	shalt  }
0x54: {  	_ =	shalt  }
0x55: {  	_ =	shalt  }
0x56: {  	_ =	shalt  }
0x57: {  	_ =	shalt  }
0x58: {  	_ =	shalt  }
0x59: {  	_ =	shalt  }
0x5a: {  	_ =	shalt  }
0x5b: {  	_ =	shalt  }
0x5c: {  	_ =	shalt  }
0x5d: {  	_ =	shalt  }
0x5e: {  	_ =	shalt  }
0x5f: {  	_ =	shalt  }
0x60: {  	_ =	shalt  }
0x61: {  	_ =	shalt  }
0x62: {  	_ =	shalt  }
0x63: {  	_ =	shalt  }
0x64: {  	_ =	shalt  }
0x65: {  	_ =	shalt  }
0x66: {  	_ =	shalt  }
0x67: {  	_ =	shalt  }
0x68: {  	_ =	shalt  }
0x69: {  	_ =	shalt  }
0x6a: {  	_ =	shalt  }
0x6b: {  	_ =	shalt  }
0x6c: {  	_ =	shalt  }
0x6d: {  	_ =	shalt  }
0x6e: {  	_ =	shalt  }
0x6f: {  	_ =	shalt  }
0x70: {  	_ =	shalt  }
0x71: {  	_ =	shalt  }
0x72: {  	_ =	shalt  }
0x73: {  	_ =	shalt  }
0x74: {  	_ =	shalt  }
0x75: {  	_ =	shalt  }
0x76: {  	_ =	shalt  }
0x77: {  	_ =	shalt  }
0x78: {  	_ =	shalt  }
0x79: {  	_ =	shalt  }
0x7a: {  	_ =	shalt  }
0x7b: {  	_ =	shalt  }
0x7c: {  	_ =	shalt  }
0x7d: {  	_ =	shalt  }
0x7e: {  	_ =	shalt  }
0x7f: {  	_ =	shalt  }
0x80: {  	_ =	shalt  }
0x81: {  	_ =	shalt  }
0x82: {  	_ =	shalt  }
0x83: {  	_ =	shalt  }
0x84: {  	_ =	shalt  }
0x85: {  	_ =	shalt  }
0x86: {  	_ =	shalt  }
0x87: {  	_ =	shalt  }
.Lfunc_end0:
.L_simem_size_0:
called_computation_lowered:
.L_overlay_start_0:
0x88: {  	s2 =	sld [smem:$0x3FD9]  }
0x89: {  	s3 =	sld [smem:$0x3FFE];
	_ =	sdelay $0x1  }
0x8a: {  	s1 =	srdreg.scid  }
0x8b: {  	s0 =	sand.u32 $0x1, s1  }
0x8c: {  	s17 =	sshll.u32 s0, $0xA;
	s2 =	sadd.s32 s3, s2  }
0x8d: {  	s2 =	sadd.s32 s2, s17  }
0x8e: {  	[smem:$0x3FC3] =	sst s2  }
0x8f: {  	_ = 	snop  }
0x90: {  	s2 =	sld [smem:$0x3FC7]  }
0x91: {  	s18 =	sld [smem:$0x3FD0];
	(tm) =	ssettm $0x1  }
0x92: {  	s4 =	sld [smem:$0x3FFB];
	_ =	sdelay $0x3  }
0x93: {  	_ =	strace s4  }
0x94: {  	s4 =	sld [smem:$0x3FFC];
	_ =	sdelay $0x3  }
0x95: {  	_ =	strace s4  }
0x96: {  	s4 =	sld [smem:$0x3FFD];
	_ =	sdelay $0x3  }
0x97: {  	_ =	strace s4  }
0x98: {  	_ =	strace $0x8FFFFFFF  }
0x99: {  	s19 =	sld [smem:$0x3FDB];
	_ =	sdelay $0x1  }
0x9a: {  	s5 =	simm.s32 $_scs_section_size  }
0x9b: {  	s6 =	simm.s32 $_size__tile_overlayer_lowered;
	s7 =	simm.s32 $_tile_overlayer_lowered  }
0x9c: {  	s22 =	simm.s32 $0x1BFF;
	s21 =	sshll.u32 s7, $0x1;
	s4 =	sadd.s32 s5, s19  }
0x9d: {  	s8 =	simm.s32 $0x0;
	s20 =	sshll.u32 s6, $0x1;
	s6 =	sadd.s32 s21, s4  }
0x9e: {  	[timem:s8], [sflag:s22] =	dma.local [hbm:s6], s20  }
0x9f: {  	_ =	swait.ge [sflag:s22], s20  }
0xa0: {  	s5 =	ssub.s32 $0x0, s20;
	[sflag:s22] =	ssyncset.done $0x0  }
0xa1: {  	[sflag:s22] =	ssyncadd.s32 s5;
	_ =	sdelay $0x1  }
0xa2: {  	s23 =	simm.s32 $0x1B8B  }
0xa3: {  	_ =	swait.ge [sflag:s23], $0x1  }
0xa4: {  	[sflag:s23] =	ssyncset.done $0x0  }
0xa5: {  	s25 =	simm.s32 $0x1B8E;
	s24 =	sld [smem:$0x3FFE];
	[sflag:s23] =	ssyncadd.s32 $0xFFFFFFFF  }
0xa6: {  	s26 =	simm.s32 $execute0_lowered;
	[smem:$0x3FD2] =	sst s25  }
0xa7: {  	s6 =	sshll.u32 s26, $0x1;
	_ =	strace $0x80000046;
	[dreg:$0x1] =	wrdreg $0xFFFFFFFF  }
0xa8: {  	s28 =	simm.s32 $_size_execute0_lowered;
	s4 =	sadd.s32 s4, s6;
	[dreg:$0x0] =	wrdreg $0x0  }
0xa9: {  	s6 =	sshll.u32 s28, $0x1;
	[dreg:$0x2] =	wrdreg s4  }
0xaa: {  	[dreg:$0x3] =	wrdreg s6  }
0xab: {  	[dreg:$0x4] =	wrdreg $0xC0  }
0xac: {  	_ =	task [dreg:s8], $0x5FFFF  }
0xad: {  	[dreg:$0x1] =	wrdreg $0xFFFFFFFF  }
0xae: {  	[dreg:$0x0] =	wrdreg $0x60  }
0xaf: {  	[dreg:$0x2] =	wrdreg s24  }
0xb0: {  	[dreg:$0x3] =	wrdreg s2  }
0xb1: {  	[dreg:$0x4] =	wrdreg s18  }
0xb2: {  	[dreg:$0x5] =	wrdreg $0x9  }
0xb3: {  	_ =	task.clear_ibuf [dreg:s8], $0x6FFFF;
	_ =	strace $0x90000046  }
0xb4: {  	s29 =	simm.s32 $0x9;
	_ =	strace $0x80000048  }
0xb5: {  	_ =	swait.ge [sflag:s29], $0x1  }
0xb6: {  	[sflag:s29] =	ssyncadd.s32 $0xFFFFFFFF  }
0xb7: {  	_ =	strace $0x90000048  }
0xb8: {  	_ =	sfence  }
0xb9: {  	s30 =	sld [smem:$0x0];
	_ =	sdelay $0x2  }
0xba: {  	s31 =	sshll.u32 s1, $0xD;
	s1 =	sshrl.u32 s1, $0x2  }
0xbb: {  	s3 =	sand.u32 $0x4000, s31;
	s1 =	sadd.s32 s1, s30  }
0xbc: {  	s0 =	sor.u32 s3, s0;
	s1 =	sshll.u32 s1, $0x11  }
0xbd: {  	s0 =	sor.u32 s1, s0  }
0xbe: {  	s0 =	sadd.s32 $0x8F2B, s0  }
0xbf: {  	[sflag:s0] =	ssyncadd.remote.s32 $0x1  }
0xc0: {  	_ =	sfence.sel $0xFFFF  }
0xc1: {  	[dreg:$0x0] =	wrdreg $0xFFFFFFFF;
	(pc) =	sbr.abs _section_cstart, $3  }
0xc2: {  	[dreg:$0x1] =	wrdreg $0xFFFFFFFF  }
0xc3: {  	_ =	task.clear_ibuf [dreg:s8], $0x2FFFF;
	_ =	strace $0x9FFFFFFF  }
0xc4: {  	(tm) =	ssettm $0x7FFFFFFF  }
0xc5: {  	_ =	shalt  }
tec
execute0_lowered:
.L_overlay_start_1:
0x0: {  	(tag) =	ssettag $0x1  }
0x1: {  	s0 =	rddreg [dreg:$0x0]  }
0x2: {  	s1 =	rddreg [dreg:$0x1];
	s2 =	srdreg.scid  }
0x3: {  	s3 =	stileid.u32;
	s4 =	rddreg [dreg:$0x2];
	s10 =	simm.s32 $0x0  }
0x4: {  	s17 =	simm.s32 $0x4;
	s28 =	simm.s32 $0x64;
	s31 =	simm.s32 $0x680  }
0x5: {  	s15 =	simm.s32 $0xA90;
	s30 =	simm.s32 $0x15200;
	s29 =	simm.s32 $0x1  }
0x6: {  	s16 =	simm.s32 $0x2;
	s2 =	sand.u32 $0x1, s2;
	s3 =	sshll.u32 s3, $0x1  }
0x7: {  	[smem:$0x7FF] =	sst s10;
	s5 =	sadd.s32 $0x1BC00, s0;
	s6 =	sor.u32 s2, s3  }
0x8: {  	_ =	strace $0x80000047;
	s2 =	ssub.s32 $0x2, s2;
	s3 =	sadd.s32 $0x1C00, s0  }
0x9: {  	[dreg:$0x4] =	wrdreg s5;
	s5 =	sadd.s32 $0x9BC00, s0;
	s7 =	sshll.u32 s6, $0x6  }
0xa: {  	v0 =	vimm.s32 $0x76543210;
	s9 =	sshrl.u32 s2, $0x1;
	s24 =	smul.u32 $0xD00, s6;
	s11 =	sshll.u32 s6, $0x8  }
0xb: {  	v1 =	vimm.s32 $0xFEDCBA98;
	v2 =	vimm.s32 $0xBA98FEDC;
	v3 =	vimm.s32 $0x32107654;
	s8 =	sadd.s32 s7, s0;
	s20 =	ssub.s32 s2, s9;
	s1 =	sadd.s32 s1, s7  }
0xc: {  	v4 =	vimm.s32 $0xDCFE98BA;
	v5 =	vimm.s32 $0x54761032;
	v6 =	vimm.s32 $0xEFCDAB89;
	s13 =	sor.u32 $0x20, s11;
	s26 =	sadd.s32 s4, s7;
	[dreg:$0x9] =	wrdreg s1  }
0xd: {  	v7 =	vimm.s32 $0x67452301;
	v1 =	vunpack.c.l.s4.s8 v1;
	v0 =	vunpack.c.l.s4.s8 v0;
	s2 =	simm.s32 $0x15E80;
	s21 =	sadd.s32 $0x1400, s8;
	[dreg:$0xb] =	wrdreg s26  }
0xe: {  	v2 =	vunpack.c.l.s4.s8 v2;
	v3 =	vunpack.c.l.s4.s8 v3;
	v4 =	vunpack.c.l.s4.s8 v4;
	s4 =	simm.s32 $0xB60;
	s22 =	sadd.s32 $0x1410, s8;
	[dreg:$0x5] =	wrdreg s21  }
0xf: {  	v5 =	vunpack.c.l.s4.s8 v5;
	v6 =	vunpack.c.l.s4.s8 v6;
	v7 =	vunpack.c.l.s4.s8 v7;
	s7 =	simm.s32 $0x0;
	s23 =	sadd.s32 $0x1420, s8;
	[dreg:$0x6] =	wrdreg s22  }
0x10: {  	v1 =	vunpack.c.0.s8.s32 v1;
	v0 =	vunpack.c.0.s8.s32 v0;
	v2 =	vunpack.c.0.s8.s32 v2;
	s8 =	sadd.s32 $0x1430, s8;
	s25 =	sadd.s32 s3, s24;
	[dreg:$0x7] =	wrdreg s23  }
0x11: {  	v3 =	vunpack.c.0.s8.s32 v3;
	v4 =	vunpack.c.0.s8.s32 v4;
	v5 =	vunpack.c.0.s8.s32 v5;
	s0 =	smax.u32 s20, $0x1;
	s1 =	simm.s32 $0x16B00;
	[dreg:$0x8] =	wrdreg s8  }
0x12: {  	v6 =	vunpack.c.0.s8.s32 v6;
	v7 =	vunpack.c.0.s8.s32 v7;
	v1 =	vand.u32 $0xF, v1;
	s24 =	simm.s32 $0x18400;
	s26 =	simm.s32 $0x19080;
	[dreg:$0xa] =	wrdreg s25  }
0x13: {  	[dreg:$0xc] =	wrdreg s0;
	s21 =	simm.s32 $0xAF8;
	s0 =	simm.s32 $0xBC8;
	v0 =	vcombine.low v1, v0;
	v1 =	vcombine.low v3, v2  }
0x14: {  	s22 =	simm.s32 $0x17780;
	s23 =	simm.s32 $0xC30;
	s25 =	simm.s32 $0xC98;
	v2 =	vcombine.low v5, v4;
	v3 =	vcombine.low v7, v6;
	v4 =	vlaneseq.u32  }
.LBB2_1:
0x15: {  	[dreg:$0xd] =	wrdreg s7  }
0x16: {  	s6 =	rddreg [dreg:$0x5];
	s20 =	simm.s32 $0x19D00  }
0x17: {  	[tilespmem:s20], [sflag:$0x4] =	stream.linear.gather [hbm4b:s6+s10], $0x80, $0x38;
	[tilespmem:$0x1E300] =	vst v63  }
0x18: {  	_ =	swait.ge [sflag:s17], $0x80  }
0x19: {  	[sflag:s17] =	ssyncset.done $0x0  }
0x1a: {  	s8 =	simm.s32 $0x19D80;
	s12 =	rddreg [dreg:$0x6];
	[sflag:s17] =	ssyncadd.s32 $0xFFFFFF80  }
0x1b: {  	[tilespmem:s8], [sflag:$0x4] =	stream.linear.gather [hbm4b:s12+s10], $0x80, $0x38;
	[tilespmem:$0x1E300] =	vst v63  }
0x1c: {  	_ =	swait.ge [sflag:s17], $0x80  }
0x1d: {  	[sflag:s17] =	ssyncset.done $0x0  }
0x1e: {  	s9 =	simm.s32 $0x19E00;
	s14 =	rddreg [dreg:$0x7];
	[sflag:s17] =	ssyncadd.s32 $0xFFFFFF80  }
0x1f: {  	[tilespmem:s9], [sflag:$0x4] =	stream.linear.gather [hbm4b:s14+s10], $0x80, $0x38;
	[tilespmem:$0x1E300] =	vst v63  }
0x20: {  	_ =	swait.ge [sflag:s17], $0x80  }
0x21: {  	[sflag:s17] =	ssyncset.done $0x0  }
0x22: {  	s12 =	simm.s32 $0x19E80;
	s18 =	rddreg [dreg:$0x8];
	[sflag:s17] =	ssyncadd.s32 $0xFFFFFF80  }
0x23: {  	[tilespmem:s12], [sflag:$0x4] =	stream.linear.gather [hbm4b:s18+s10], $0x80, $0x38;
	[tilespmem:$0x1E300] =	vst v63  }
0x24: {  	_ =	swait.ge [sflag:s17], $0x80  }
0x25: {  	s14 =	simm.s32 $0x80;
	[sflag:s17] =	ssyncset.done $0x0  }
0x26: {  	s18 =	simm.s32 $0x19F00;
	s19 =	rddreg [dreg:$0x4];
	[sflag:s17] =	ssyncadd.s32 $0xFFFFFF80  }
0x27: {  	[tilespmem:s18], [sflag:$0x3] =	stream.indirect.gather [hbm4b:s19+s14], $0x20, s20, s14, $0xb8;
	[tilespmem:$0x1E300] =	vst v63  }
0x28: {  	s20 =	simm.s32 $0x1AF00  }
0x29: {  	[tilespmem:s20], [sflag:$0x3] =	stream.indirect.gather [hbm4b:s19+s14], $0x20, s8, s14, $0xb8;
	[tilespmem:$0x1E300] =	vst v63  }
0x2a: {  	s8 =	simm.s32 $0x1BF00  }
0x2b: {  	[tilespmem:s8], [sflag:$0x3] =	stream.indirect.gather [hbm4b:s19+s14], $0x20, s9, s14, $0xb8;
	[tilespmem:$0x1E300] =	vst v63  }
0x2c: {  	s18 =	simm.s32 $0x1CF00  }
0x2d: {  	[tilespmem:s18], [sflag:$0x3] =	stream.indirect.gather [hbm4b:s19+s14], $0x20, s12, s14, $0xb8;
	[tilespmem:$0x1E300] =	vst v63  }
0x2e: {  	s20 =	simm.s32 $0x1DF00;
	s19 =	rddreg [dreg:$0x9]  }
0x2f: {  	[tilespmem:s20], [sflag:$0x4] =	stream.linear.gather [hbm4b:s19+s10], $0x200, $0x38;
	[tilespmem:$0x1E300] =	vst v63  }
0x30: {  	_ =	swait.ge [sflag:s17], $0x200  }
0x31: {  	[sflag:s17] =	ssyncset.done $0x0  }
0x32: {  	s8 =	rddreg [dreg:$0xa];
	[sflag:s17] =	ssyncadd.s32 $0xFFFFFE00  }
0x33: {  	[tilespmem:s10], [sflag:$0x4] =	stream.linear.gather [hbm4b:s8+s10], $0x680, $0x38;
	[tilespmem:$0x1E300] =	vst v63  }
0x34: {  	_ =	swait.ge [sflag:s17], $0x680  }
0x35: {  	[sflag:s17] =	ssyncset.done $0x0  }
0x36: {  	s9 =	simm.s32 $0xD00;
	[sflag:s17] =	ssyncadd.s32 $0xFFFFF980  }
0x37: {  	[tilespmem:s9], [sflag:$0x1] =	stream.indirect.gather [hbm4b:s5+s28], $0x20, s10, s28, $0xb8;
	[tilespmem:$0x1E300] =	vst v63  }
0x38: {  	s12 =	simm.s32 $0x1980;
	s10 =	simm.s32 $0x68  }
0x39: {  	[tilespmem:s12], [sflag:$0x1] =	stream.indirect.gather [hbm4b:s5+s28], $0x20, s10, s28, $0xb8;
	[tilespmem:$0x1E300] =	vst v63  }
0x3a: {  	s14 =	simm.s32 $0xD0;
	s18 =	simm.s32 $0x2600  }
0x3b: {  	[tilespmem:s18], [sflag:$0x1] =	stream.indirect.gather [hbm4b:s5+s28], $0x20, s14, s28, $0xb8;
	[tilespmem:$0x1E300] =	vst v63  }
0x3c: {  	s19 =	simm.s32 $0x138;
	s20 =	simm.s32 $0x3280  }
0x3d: {  	[tilespmem:s20], [sflag:$0x1] =	stream.indirect.gather [hbm4b:s5+s28], $0x20, s19, s28, $0xb8;
	[tilespmem:$0x1E300] =	vst v63  }
0x3e: {  	s8 =	simm.s32 $0x1A0;
	s9 =	simm.s32 $0x3F00  }
0x3f: {  	[tilespmem:s9], [sflag:$0x1] =	stream.indirect.gather [hbm4b:s5+s28], $0x20, s8, s28, $0xb8;
	[tilespmem:$0x1E300] =	vst v63  }
0x40: {  	s10 =	simm.s32 $0x208;
	s12 =	simm.s32 $0x4B80  }
0x41: {  	[tilespmem:s12], [sflag:$0x1] =	stream.indirect.gather [hbm4b:s5+s28], $0x20, s10, s28, $0xb8;
	[tilespmem:$0x1E300] =	vst v63  }
0x42: {  	s14 =	simm.s32 $0x270;
	s18 =	simm.s32 $0x5800  }
0x43: {  	[tilespmem:s18], [sflag:$0x1] =	stream.indirect.gather [hbm4b:s5+s28], $0x20, s14, s28, $0xb8;
	[tilespmem:$0x1E300] =	vst v63  }
0x44: {  	s19 =	simm.s32 $0x2D8;
	s20 =	simm.s32 $0x6480  }
0x45: {  	[tilespmem:s20], [sflag:$0x1] =	stream.indirect.gather [hbm4b:s5+s28], $0x20, s19, s28, $0xb8;
	[tilespmem:$0x1E300] =	vst v63  }
0x46: {  	s8 =	simm.s32 $0x340;
	s9 =	simm.s32 $0x7100  }
0x47: {  	[tilespmem:s9], [sflag:$0x1] =	stream.indirect.gather [hbm4b:s5+s28], $0x20, s8, s28, $0xb8;
	[tilespmem:$0x1E300] =	vst v63  }
0x48: {  	s10 =	simm.s32 $0x3A8;
	s12 =	simm.s32 $0x7D80  }
0x49: {  	[tilespmem:s12], [sflag:$0x1] =	stream.indirect.gather [hbm4b:s5+s28], $0x20, s10, s28, $0xb8;
	[tilespmem:$0x1E300] =	vst v63  }
0x4a: {  	s14 =	simm.s32 $0x410;
	s18 =	simm.s32 $0x8A00  }
0x4b: {  	[tilespmem:s18], [sflag:$0x1] =	stream.indirect.gather [hbm4b:s5+s28], $0x20, s14, s28, $0xb8;
	[tilespmem:$0x1E300] =	vst v63  }
0x4c: {  	s19 =	simm.s32 $0x478;
	s20 =	simm.s32 $0x9680  }
0x4d: {  	[tilespmem:s20], [sflag:$0x1] =	stream.indirect.gather [hbm4b:s5+s28], $0x20, s19, s28, $0xb8;
	[tilespmem:$0x1E300] =	vst v63  }
0x4e: {  	s7 =	simm.s32 $0x4E0;
	s8 =	simm.s32 $0xA300  }
0x4f: {  	[tilespmem:s8], [sflag:$0x1] =	stream.indirect.gather [hbm4b:s5+s28], $0x20, s7, s28, $0xb8;
	[tilespmem:$0x1E300] =	vst v63  }
0x50: {  	s9 =	simm.s32 $0x548;
	s10 =	simm.s32 $0xAF80  }
0x51: {  	[tilespmem:s10], [sflag:$0x1] =	stream.indirect.gather [hbm4b:s5+s28], $0x20, s9, s28, $0xb8;
	[tilespmem:$0x1E300] =	vst v63  }
0x52: {  	s12 =	simm.s32 $0x5B0;
	s14 =	simm.s32 $0xBC00  }
0x53: {  	[tilespmem:s14], [sflag:$0x1] =	stream.indirect.gather [hbm4b:s5+s28], $0x20, s12, s28, $0xb8;
	[tilespmem:$0x1E300] =	vst v63  }
0x54: {  	s18 =	simm.s32 $0x618;
	s19 =	simm.s32 $0xC880;
	s20 =	simm.s32 $0x3  }
0x55: {  	[tilespmem:s19], [sflag:$0x1] =	stream.indirect.gather [hbm4b:s5+s28], $0x20, s18, s28, $0xb8;
	[tilespmem:$0x1E300] =	vst v63  }
0x56: {  	s6 =	simm.s32 $0x1A310;
	_ =	swait.ge [sflag:s20], $0x4000  }
0x57: {  	s7 =	simm.s32 $0x0;
	s9 =	simm.s32 $0x1E111;
	[sflag:s20] =	ssyncset.done $0x0  }
0x58: {  	s12 =	simm.s32 $0x1E0F1;
	s18 =	simm.s32 $0x19F10;
	[sflag:s20] =	ssyncadd.s32 $0xFFFFC000  }
.LBB2_2:
0x59: {  	s8 =	sshll.u32 s7, $0x5  }
0x5a: {  	s8 =	sadd.s32 s8, s11  }
0x5b: {  	s8 =	smul.u32 $0xD, s8;
	_ =	sdelay $0x1  }
0x5c: {  	s8 =	sadd.s32 s3, s8  }
0x5d: {  	s10 =	sadd.s32 $0xD0, s8;
	s8 =	simm.s32 $0x0  }
0x5e: {  	[tilespmem:s31], [sflag:$0x4] =	stream.linear.gather [hbm4b:s10+s8], $0x680, $0x38;
	[tilespmem:$0x1E300] =	vst v63  }
0x5f: {  	_ =	swait.ge [sflag:s17], $0x680  }
0x60: {  	[sflag:s17] =	ssyncset.done $0x0  }
0x61: {  	s19 =	simm.s32 $0xD500;
	[sflag:s17] =	ssyncadd.s32 $0xFFFFF980  }
0x62: {  	[tilespmem:s19], [sflag:$0x2] =	stream.indirect.gather [hbm4b:s5+s28], $0x20, s31, s28, $0xb8;
	[tilespmem:$0x1E300] =	vst v63  }
0x63: {  	s20 =	simm.s32 $0x6E8;
	s14 =	simm.s32 $0xE180  }
0x64: {  	[tilespmem:s14], [sflag:$0x2] =	stream.indirect.gather [hbm4b:s5+s28], $0x20, s20, s28, $0xb8;
	[tilespmem:$0x1E300] =	vst v63  }
0x65: {  	s19 =	simm.s32 $0x750;
	s20 =	simm.s32 $0xEE00  }
0x66: {  	[tilespmem:s20], [sflag:$0x2] =	stream.indirect.gather [hbm4b:s5+s28], $0x20, s19, s28, $0xb8;
	[tilespmem:$0x1E300] =	vst v63  }
0x67: {  	s19 =	simm.s32 $0x7B8;
	s20 =	simm.s32 $0xFA80  }
0x68: {  	[tilespmem:s20], [sflag:$0x2] =	stream.indirect.gather [hbm4b:s5+s28], $0x20, s19, s28, $0xb8;
	[tilespmem:$0x1E300] =	vst v63  }
0x69: {  	s19 =	simm.s32 $0x820;
	s20 =	simm.s32 $0x10700  }
0x6a: {  	[tilespmem:s20], [sflag:$0x2] =	stream.indirect.gather [hbm4b:s5+s28], $0x20, s19, s28, $0xb8;
	[tilespmem:$0x1E300] =	vst v63  }
0x6b: {  	s19 =	simm.s32 $0x888;
	s20 =	simm.s32 $0x11380  }
0x6c: {  	[tilespmem:s20], [sflag:$0x2] =	stream.indirect.gather [hbm4b:s5+s28], $0x20, s19, s28, $0xb8;
	[tilespmem:$0x1E300] =	vst v63  }
0x6d: {  	s19 =	simm.s32 $0x8F0;
	s20 =	simm.s32 $0x12000  }
0x6e: {  	[tilespmem:s20], [sflag:$0x2] =	stream.indirect.gather [hbm4b:s5+s28], $0x20, s19, s28, $0xb8;
	[tilespmem:$0x1E300] =	vst v63  }
0x6f: {  	s19 =	simm.s32 $0x958;
	s20 =	simm.s32 $0x12C80  }
0x70: {  	[tilespmem:s20], [sflag:$0x2] =	stream.indirect.gather [hbm4b:s5+s28], $0x20, s19, s28, $0xb8;
	[tilespmem:$0x1E300] =	vst v63  }
0x71: {  	s19 =	simm.s32 $0x9C0;
	s20 =	simm.s32 $0x13900  }
0x72: {  	[tilespmem:s20], [sflag:$0x2] =	stream.indirect.gather [hbm4b:s5+s28], $0x20, s19, s28, $0xb8;
	[tilespmem:$0x1E300] =	vst v63  }
0x73: {  	s14 =	simm.s32 $0xA28;
	s19 =	simm.s32 $0x14580  }
0x74: {  	[tilespmem:s19], [sflag:$0x2] =	stream.indirect.gather [hbm4b:s5+s28], $0x20, s14, s28, $0xb8;
	[tilespmem:$0x1E300] =	vst v63  }
0x75: {  	_ = 	snop  }
0x76: {  	[tilespmem:s30], [sflag:$0x2] =	stream.indirect.gather [hbm4b:s5+s28], $0x20, s15, s28, $0xb8;
	[tilespmem:$0x1E300] =	vst v63  }
0x77: {  	_ = 	snop  }
0x78: {  	[tilespmem:s2], [sflag:$0x2] =	stream.indirect.gather [hbm4b:s5+s28], $0x20, s21, s28, $0xb8;
	[tilespmem:$0x1E300] =	vst v63  }
0x79: {  	_ = 	snop  }
0x7a: {  	[tilespmem:s1], [sflag:$0x2] =	stream.indirect.gather [hbm4b:s5+s28], $0x20, s4, s28, $0xb8;
	[tilespmem:$0x1E300] =	vst v63  }
0x7b: {  	_ = 	snop  }
0x7c: {  	[tilespmem:s22], [sflag:$0x2] =	stream.indirect.gather [hbm4b:s5+s28], $0x20, s0, s28, $0xb8;
	[tilespmem:$0x1E300] =	vst v63  }
0x7d: {  	_ = 	snop  }
0x7e: {  	[tilespmem:s24], [sflag:$0x2] =	stream.indirect.gather [hbm4b:s5+s28], $0x20, s23, s28, $0xb8;
	[tilespmem:$0x1E300] =	vst v63  }
0x7f: {  	_ = 	snop  }
0x80: {  	[tilespmem:s26], [sflag:$0x2] =	stream.indirect.gather [hbm4b:s5+s28], $0x20, s25, s28, $0xb8;
	[tilespmem:$0x1E300] =	vst v63  }
0x81: {  	_ =	swait.ge [sflag:s29], $0xC800  }
0x82: {  	[sflag:s29] =	ssyncset.done $0x0  }
0x83: {  	s20 =	simm.s32 $0x1020;
	[sflag:s29] =	ssyncadd.s32 $0xFFFF3800  }
0x84: {  	v5 =	vld [tilespmem:s20+$0x2E0]  }
0x85: {  	v6 =	vld [tilespmem:s20+$0x300]  }
0x86: {  	v7 =	vld [tilespmem:s20+$0x2A0]  }
0x87: {  	v8 =	vld [tilespmem:s20+$0x2C0]  }
0x88: {  	v9 =	vld [tilespmem:s20+$0x260]  }
0x89: {  	v10 =	vld [tilespmem:s20+$0x280]  }
0x8a: {  	v11 =	vld [tilespmem:s20+$0x220]  }
0x8b: {  	v12 =	vld [tilespmem:s20+$0x240]  }
0x8c: {  	v13 =	vld [tilespmem:s20+$0x1E0]  }
0x8d: {  	v14 =	vld [tilespmem:s20+$0x200]  }
0x8e: {  	v15 =	vld [tilespmem:s20+$0x1A0]  }
0x8f: {  	v16 =	vld [tilespmem:s20+$0x1C0]  }
0x90: {  	v17 =	vld [tilespmem:s20+$0x160]  }
0x91: {  	v18 =	vld [tilespmem:s20+$0x180]  }
0x92: {  	v19 =	vld [tilespmem:s20+$0x120]  }
0x93: {  	v20 =	vld [tilespmem:s20+$0x140]  }
0x94: {  	v21 =	vld [tilespmem:s20+$0xE0]  }
0x95: {  	v22 =	vld [tilespmem:s20+$0x100]  }
0x96: {  	v23 =	vld [tilespmem:s20+$0xA0]  }
0x97: {  	v24 =	vld [tilespmem:s20+$0xC0]  }
0x98: {  	v25 =	vld [tilespmem:s20+$0x60]  }
0x99: {  	v26 =	vld [tilespmem:s20+$0x80]  }
0x9a: {  	v27 =	vld [tilespmem:s20+$0x20]  }
0x9b: {  	v28 =	vld [tilespmem:s20+$0x40]  }
0x9c: {  	v29 =	vld [tilespmem:s20+$0xFFFFFFE0]  }
0x9d: {  	v30 =	vld [tilespmem:s20+$0x0]  }
0x9e: {  	v31 =	vld [tilespmem:s20+$0xFFFFFFA0]  }
0x9f: {  	v32 =	vld [tilespmem:s20+$0xFFFFFFC0]  }
0xa0: {  	v33 =	vld [tilespmem:s20+$0xFFFFFF60]  }
0xa1: {  	v34 =	vld [tilespmem:s20+$0xFFFFFF80]  }
0xa2: {  	v35 =	vld [tilespmem:s20+$0xFFFFFF20]  }
0xa3: {  	v36 =	vld [tilespmem:s20+$0xFFFFFF40]  }
0xa4: {  	v37 =	vld [tilespmem:s20+$0xFFFFFEE0]  }
0xa5: {  	v38 =	vld [tilespmem:s20+$0xFFFFFF00]  }
0xa6: {  	v39 =	vld [tilespmem:s20+$0xFFFFFEA0]  }
0xa7: {  	v40 =	vld [tilespmem:s20+$0xFFFFFEC0]  }
0xa8: {  	v41 =	vld [tilespmem:s20+$0xFFFFFE60]  }
0xa9: {  	v42 =	vld [tilespmem:s20+$0xFFFFFE80]  }
0xaa: {  	v43 =	vld [tilespmem:s20+$0xFFFFFE20]  }
0xab: {  	v44 =	vld [tilespmem:s20+$0xFFFFFE40]  }
0xac: {  	v45 =	vld [tilespmem:s20+$0xFFFFFDE0]  }
0xad: {  	v46 =	vld [tilespmem:s20+$0xFFFFFE00]  }
0xae: {  	v47 =	vld [tilespmem:s20+$0xFFFFFDA0]  }
0xaf: {  	v48 =	vld [tilespmem:s20+$0xFFFFFDC0]  }
0xb0: {  	v49 =	vld [tilespmem:s20+$0xFFFFFD60]  }
0xb1: {  	v50 =	vld [tilespmem:s20+$0xFFFFFD80]  }
0xb2: {  	v51 =	vld [tilespmem:s20+$0xFFFFFD20]  }
0xb3: {  	v52 =	vld [tilespmem:s20+$0xFFFFFCE0]  }
0xb4: {  	v53 =	vld [tilespmem:s20+$0xFFFFFD00]  }
0xb5: {  	v54 =	vld [tilespmem:s20+$0xFFFFFD40]  }
0xb6: {  	v55 =	vld [tilespmem:s20+$0xFFFFFCF0]  }
0xb7: {  	v56 =	vld [tilespmem:s20+$0xFFFFFD30]  }
0xb8: {  	v57 =	vld [tilespmem:s20+$0xFFFFFD10]  }
0xb9: {  	v58 =	vld [tilespmem:s20+$0xFFFFFD50]  }
0xba: {  	v59 =	vld [tilespmem:s20+$0xFFFFFD70]  }
0xbb: {  	v60 =	vld [tilespmem:s20+$0xFFFFFD90]  }
0xbc: {  	v61 =	vld [tilespmem:s20+$0xFFFFFDB0]  }
0xbd: {  	v51 =	vadd.f32 v51, v52;
	v52 =	vadd.f32 v54, v53;
	v53 =	vld [tilespmem:s20+$0xFFFFFDD0]  }
0xbe: {  	v62 =	vadd.f32 v56, v55;
	v63 =	vadd.f32 v58, v57;
	v56 =	vld [tilespmem:s20+$0xFFFFFDF0]  }
0xbf: {  	v49 =	vadd.f32 v49, v51;
	v50 =	vadd.f32 v50, v52;
	v51 =	vld [tilespmem:s20+$0xFFFFFE10]  }
0xc0: {  	v57 =	vld [tilespmem:s20+$0xFFFFFE30];
	v62 =	vadd.f32 v59, v62;
	v63 =	vadd.f32 v60, v63  }
0xc1: {  	v58 =	vld [tilespmem:s20+$0xFFFFFE50];
	v47 =	vadd.f32 v47, v49;
	v48 =	vadd.f32 v48, v50  }
0xc2: {  	v59 =	vadd.f32 v61, v62;
	v61 =	vld [tilespmem:s20+$0xFFFFFE70];
	v60 =	vadd.f32 v53, v63  }
0xc3: {  	v45 =	vadd.f32 v45, v47;
	v46 =	vadd.f32 v46, v48;
	v47 =	vld [tilespmem:s20+$0xFFFFFE90]  }
0xc4: {  	v54 =	vld [tilespmem:s20+$0xFFFFFEB0];
	v62 =	vadd.f32 v56, v59;
	v63 =	vadd.f32 v51, v60  }
0xc5: {  	v56 =	vld [tilespmem:s20+$0xFFFFFED0];
	v43 =	vadd.f32 v43, v45;
	v44 =	vadd.f32 v44, v46  }
0xc6: {  	v59 =	vld [tilespmem:s20+$0xFFFFFEF0];
	v57 =	vadd.f32 v57, v62;
	v58 =	vadd.f32 v58, v63  }
0xc7: {  	v60 =	vld [tilespmem:s20+$0xFFFFFF10];
	v41 =	vadd.f32 v41, v43;
	v42 =	vadd.f32 v42, v44  }
0xc8: {  	v48 =	vld [tilespmem:s20+$0xFFFFFF50];
	v61 =	vadd.f32 v61, v57;
	v62 =	vadd.f32 v47, v58  }
0xc9: {  	v63 =	vld [tilespmem:s20+$0xFFFFFF30];
	v39 =	vadd.f32 v39, v41;
	v40 =	vadd.f32 v40, v42  }
0xca: {  	v52 =	vld [tilespmem:s20+$0xFFFFFF70];
	v50 =	vadd.f32 v54, v61;
	v51 =	vadd.f32 v56, v62  }
0xcb: {  	v53 =	vld [tilespmem:s20+$0xFFFFFF90];
	v37 =	vadd.f32 v37, v39;
	v38 =	vadd.f32 v38, v40  }
0xcc: {  	v57 =	vld [tilespmem:s20+$0xFFFFFFD0];
	v54 =	vadd.f32 v59, v50;
	v55 =	vadd.f32 v60, v51  }
0xcd: {  	v56 =	vld [tilespmem:s20+$0xFFFFFFB0];
	v35 =	vadd.f32 v35, v37;
	v36 =	vadd.f32 v36, v38  }
0xce: {  	v61 =	vld [tilespmem:s20+$0x10];
	v58 =	vadd.f32 v63, v54;
	v59 =	vadd.f32 v48, v55  }
0xcf: {  	v60 =	vld [tilespmem:s20+$0xFFFFFFF0];
	v33 =	vadd.f32 v33, v35;
	v34 =	vadd.f32 v34, v36  }
0xd0: {  	v44 =	vld [tilespmem:s20+$0x50];
	v62 =	vadd.f32 v52, v58;
	v63 =	vadd.f32 v53, v59  }
0xd1: {  	v42 =	vld [tilespmem:s20+$0x30];
	v31 =	vadd.f32 v31, v33;
	v32 =	vadd.f32 v32, v34  }
0xd2: {  	v47 =	vld [tilespmem:s20+$0x70];
	v45 =	vadd.f32 v56, v62;
	v46 =	vadd.f32 v57, v63  }
0xd3: {  	v48 =	vld [tilespmem:s20+$0x90];
	v29 =	vadd.f32 v29, v31;
	v30 =	vadd.f32 v30, v32  }
0xd4: {  	v51 =	vld [tilespmem:s20+$0xB0];
	v49 =	vadd.f32 v60, v45;
	v50 =	vadd.f32 v61, v46  }
0xd5: {  	v52 =	vld [tilespmem:s20+$0xD0];
	v27 =	vadd.f32 v27, v29;
	v28 =	vadd.f32 v28, v30  }
0xd6: {  	v55 =	vld [tilespmem:s20+$0xF0];
	v53 =	vadd.f32 v42, v49;
	v54 =	vadd.f32 v44, v50  }
0xd7: {  	v56 =	vld [tilespmem:s20+$0x110];
	v25 =	vadd.f32 v25, v27;
	v26 =	vadd.f32 v26, v28  }
0xd8: {  	v59 =	vld [tilespmem:s20+$0x130];
	v57 =	vadd.f32 v47, v53;
	v58 =	vadd.f32 v48, v54  }
0xd9: {  	v60 =	vld [tilespmem:s20+$0x150];
	v23 =	vadd.f32 v23, v25;
	v24 =	vadd.f32 v24, v26  }
0xda: {  	v63 =	vld [tilespmem:s20+$0x170];
	v61 =	vadd.f32 v51, v57;
	v62 =	vadd.f32 v52, v58  }
0xdb: {  	v32 =	vld [tilespmem:s20+$0x190];
	v21 =	vadd.f32 v21, v23;
	v22 =	vadd.f32 v22, v24  }
0xdc: {  	v35 =	vld [tilespmem:s20+$0x1B0];
	v33 =	vadd.f32 v55, v61;
	v34 =	vadd.f32 v56, v62  }
0xdd: {  	v36 =	vld [tilespmem:s20+$0x1D0];
	v19 =	vadd.f32 v19, v21;
	v20 =	vadd.f32 v20, v22  }
0xde: {  	v39 =	vld [tilespmem:s20+$0x1F0];
	v37 =	vadd.f32 v59, v33;
	v38 =	vadd.f32 v60, v34  }
0xdf: {  	v40 =	vld [tilespmem:s20+$0x210];
	v17 =	vadd.f32 v17, v19;
	v18 =	vadd.f32 v18, v20  }
0xe0: {  	v43 =	vld [tilespmem:s20+$0x230];
	v41 =	vadd.f32 v63, v37;
	v42 =	vadd.f32 v32, v38  }
0xe1: {  	v44 =	vld [tilespmem:s20+$0x250];
	v15 =	vadd.f32 v15, v17;
	v16 =	vadd.f32 v16, v18  }
0xe2: {  	v47 =	vld [tilespmem:s20+$0x270];
	v45 =	vadd.f32 v35, v41;
	v46 =	vadd.f32 v36, v42  }
0xe3: {  	v48 =	vld [tilespmem:s20+$0x290];
	v13 =	vadd.f32 v13, v15;
	v14 =	vadd.f32 v14, v16  }
0xe4: {  	v51 =	vld [tilespmem:s20+$0x2B0];
	v49 =	vadd.f32 v39, v45;
	v50 =	vadd.f32 v40, v46  }
0xe5: {  	v52 =	vld [tilespmem:s20+$0x2D0];
	v11 =	vadd.f32 v11, v13;
	v12 =	vadd.f32 v12, v14  }
0xe6: {  	v55 =	vld [tilespmem:s20+$0x2F0];
	v53 =	vadd.f32 v43, v49;
	v54 =	vadd.f32 v44, v50  }
0xe7: {  	v56 =	vld [tilespmem:s20+$0x310];
	v9 =	vadd.f32 v9, v11;
	v10 =	vadd.f32 v10, v12  }
0xe8: {  	v57 =	vadd.f32 v47, v53;
	v58 =	vadd.f32 v48, v54  }
0xe9: {  	v7 =	vadd.f32 v7, v9;
	v8 =	vadd.f32 v8, v10  }
0xea: {  	v61 =	vld [tilespmem:s18+$0xFFFFFFF0];
	v59 =	vadd.f32 v51, v57;
	v60 =	vadd.f32 v52, v58  }
0xeb: {  	v5 =	vadd.f32 v5, v7;
	v6 =	vadd.f32 v6, v8;
	v7 =	vld [tilespmem:s18+$0x0]  }
0xec: {  	v62 =	vadd.f32 v55, v59;
	v63 =	vadd.f32 v56, v60;
	_ =	sdelay $0x1  }
0xed: {  	v5 =	vadd.f32 v6, v5;
	v6 =	vadd.f32 v63, v62;
	_ =	sdelay $0x1  }
0xee: {  	v5 =	vmul.f32 v61, v5;
	v6 =	vmul.f32 v7, v6;
	_ =	sdelay $0x1  }
0xef: {  	v5 =	vadd.f32 v6, v5;
	_ =	sdelay $0x1  }
0xf0: {  	v6 =	vperm.xlane v5, v0;
	_ =	sdelay $0x1  }
0xf1: {  	v5 =	vadd.f32 v5, v6;
	_ =	sdelay $0x1  }
0xf2: {  	v6 =	vperm.xlane v5, v1;
	_ =	sdelay $0x1  }
0xf3: {  	v5 =	vadd.f32 v5, v6;
	_ =	sdelay $0x1  }
0xf4: {  	v6 =	vperm.xlane v5, v2;
	_ =	sdelay $0x1  }
0xf5: {  	v5 =	vadd.f32 v5, v6;
	_ =	sdelay $0x1  }
0xf6: {  	v6 =	vperm.xlane v5, v3  }
0xf7: {  	s8 =	sand.u32 $0xF, s8  }
0xf8: {  	v5 =	vadd.f32 v5, v6;
	v6 =	vmov s8  }
0xf9: {  	v7 =	vimm.f32 $0.0e+00;
	vm0 =	veq.s32 v6, v4  }
0xfa: {  	s10 =	simm.s32 $0x1660;
	p0 =	sne.s32 s8, $0xF;
	v5 =	vsel vm0, v5, v7  }
0xfb: {  	s19 =	smov.u32 s12;
	s20 =	smov.u32 s18;
	s8 =	simm.s32 $0x1;
	[tilespmem:s12+$0x0] =	vst @!p0 v5  }
.LBB2_3:
0xfc: {  	v6 =	vld [tilespmem:s10+$0x2E0];
	s14 =	smov.u32 s8  }
0xfd: {  	v7 =	vld [tilespmem:s10+$0x300]  }
0xfe: {  	v8 =	vld [tilespmem:s10+$0x2A0]  }
0xff: {  	v9 =	vld [tilespmem:s10+$0x2C0]  }
0x100: {  	v10 =	vld [tilespmem:s10+$0x260]  }
0x101: {  	v11 =	vld [tilespmem:s10+$0x280]  }
0x102: {  	v12 =	vld [tilespmem:s10+$0x220]  }
0x103: {  	v13 =	vld [tilespmem:s10+$0x240]  }
0x104: {  	v14 =	vld [tilespmem:s10+$0x1E0]  }
0x105: {  	v15 =	vld [tilespmem:s10+$0x200]  }
0x106: {  	v16 =	vld [tilespmem:s10+$0x1A0]  }
0x107: {  	v17 =	vld [tilespmem:s10+$0x1C0]  }
0x108: {  	v18 =	vld [tilespmem:s10+$0x160]  }
0x109: {  	v19 =	vld [tilespmem:s10+$0x180]  }
0x10a: {  	v20 =	vld [tilespmem:s10+$0x120]  }
0x10b: {  	v21 =	vld [tilespmem:s10+$0x140]  }
0x10c: {  	v22 =	vld [tilespmem:s10+$0xE0]  }
0x10d: {  	v23 =	vld [tilespmem:s10+$0x100]  }
0x10e: {  	v24 =	vld [tilespmem:s10+$0xA0]  }
0x10f: {  	v25 =	vld [tilespmem:s10+$0xC0]  }
0x110: {  	v26 =	vld [tilespmem:s10+$0x60]  }
0x111: {  	v27 =	vld [tilespmem:s10+$0x80]  }
0x112: {  	v28 =	vld [tilespmem:s10+$0x20]  }
0x113: {  	v29 =	vld [tilespmem:s10+$0x40]  }
0x114: {  	v30 =	vld [tilespmem:s10+$0xFFFFFFE0]  }
0x115: {  	v31 =	vld [tilespmem:s10+$0x0]  }
0x116: {  	v32 =	vld [tilespmem:s10+$0xFFFFFFA0]  }
0x117: {  	v33 =	vld [tilespmem:s10+$0xFFFFFFC0]  }
0x118: {  	v34 =	vld [tilespmem:s10+$0xFFFFFF60]  }
0x119: {  	v35 =	vld [tilespmem:s10+$0xFFFFFF80]  }
0x11a: {  	v36 =	vld [tilespmem:s10+$0xFFFFFF20]  }
0x11b: {  	v37 =	vld [tilespmem:s10+$0xFFFFFF40]  }
0x11c: {  	v38 =	vld [tilespmem:s10+$0xFFFFFEE0]  }
0x11d: {  	v39 =	vld [tilespmem:s10+$0xFFFFFF00]  }
0x11e: {  	v40 =	vld [tilespmem:s10+$0xFFFFFEA0]  }
0x11f: {  	v41 =	vld [tilespmem:s10+$0xFFFFFEC0]  }
0x120: {  	v42 =	vld [tilespmem:s10+$0xFFFFFE60]  }
0x121: {  	v43 =	vld [tilespmem:s10+$0xFFFFFE80]  }
0x122: {  	v44 =	vld [tilespmem:s10+$0xFFFFFE20]  }
0x123: {  	v45 =	vld [tilespmem:s10+$0xFFFFFE40]  }
0x124: {  	v46 =	vld [tilespmem:s10+$0xFFFFFDE0]  }
0x125: {  	v47 =	vld [tilespmem:s10+$0xFFFFFE00]  }
0x126: {  	v48 =	vld [tilespmem:s10+$0xFFFFFDA0]  }
0x127: {  	v49 =	vld [tilespmem:s10+$0xFFFFFDC0]  }
0x128: {  	v50 =	vld [tilespmem:s10+$0xFFFFFD60]  }
0x129: {  	v51 =	vld [tilespmem:s10+$0xFFFFFD80]  }
0x12a: {  	v52 =	vld [tilespmem:s10+$0xFFFFFD20]  }
0x12b: {  	v53 =	vld [tilespmem:s10+$0xFFFFFCE0]  }
0x12c: {  	v54 =	vld [tilespmem:s10+$0xFFFFFD00]  }
0x12d: {  	v55 =	vld [tilespmem:s10+$0xFFFFFD40]  }
0x12e: {  	v56 =	vld [tilespmem:s10+$0xFFFFFCF0]  }
0x12f: {  	v57 =	vld [tilespmem:s10+$0xFFFFFD30]  }
0x130: {  	v58 =	vld [tilespmem:s10+$0xFFFFFD10]  }
0x131: {  	s8 =	sadd.s32 $0x1, s8;
	v59 =	vld [tilespmem:s10+$0xFFFFFD50]  }
0x132: {  	p0 =	sne.s32 s8, $0x20;
	v60 =	vld [tilespmem:s10+$0xFFFFFD70]  }
0x133: {  	v61 =	vld [tilespmem:s10+$0xFFFFFD90]  }
0x134: {  	v62 =	vld [tilespmem:s10+$0xFFFFFDB0]  }
0x135: {  	v52 =	vadd.f32 v52, v53;
	v53 =	vadd.f32 v55, v54;
	v54 =	vld [tilespmem:s10+$0xFFFFFDD0]  }
0x136: {  	v55 =	vadd.f32 v57, v56;
	v56 =	vadd.f32 v59, v58;
	v57 =	vld [tilespmem:s10+$0xFFFFFDF0]  }
0x137: {  	v50 =	vadd.f32 v50, v52;
	v51 =	vadd.f32 v51, v53;
	v52 =	vld [tilespmem:s10+$0xFFFFFE10]  }
0x138: {  	v53 =	vadd.f32 v60, v55;
	v55 =	vadd.f32 v61, v56;
	v56 =	vld [tilespmem:s10+$0xFFFFFE30]  }
0x139: {  	v48 =	vadd.f32 v48, v50;
	v49 =	vadd.f32 v49, v51;
	v50 =	vld [tilespmem:s10+$0xFFFFFE50]  }
0x13a: {  	v51 =	vadd.f32 v62, v53;
	v53 =	vadd.f32 v54, v55;
	v54 =	vld [tilespmem:s10+$0xFFFFFE70]  }
0x13b: {  	v46 =	vadd.f32 v46, v48;
	v47 =	vadd.f32 v47, v49;
	v48 =	vld [tilespmem:s10+$0xFFFFFE90]  }
0x13c: {  	v49 =	vadd.f32 v57, v51;
	v51 =	vadd.f32 v52, v53;
	v52 =	vld [tilespmem:s10+$0xFFFFFEB0]  }
0x13d: {  	v44 =	vadd.f32 v44, v46;
	v45 =	vadd.f32 v45, v47;
	v46 =	vld [tilespmem:s10+$0xFFFFFED0]  }
0x13e: {  	v47 =	vadd.f32 v56, v49;
	v49 =	vadd.f32 v50, v51;
	v50 =	vld [tilespmem:s10+$0xFFFFFEF0]  }
0x13f: {  	v42 =	vadd.f32 v42, v44;
	v43 =	vadd.f32 v43, v45;
	v44 =	vld [tilespmem:s10+$0xFFFFFF10]  }
0x140: {  	v45 =	vadd.f32 v54, v47;
	v47 =	vadd.f32 v48, v49;
	v48 =	vld [tilespmem:s10+$0xFFFFFF30]  }
0x141: {  	v40 =	vadd.f32 v40, v42;
	v41 =	vadd.f32 v41, v43;
	v42 =	vld [tilespmem:s10+$0xFFFFFF50]  }
0x142: {  	v43 =	vadd.f32 v52, v45;
	v45 =	vadd.f32 v46, v47;
	v46 =	vld [tilespmem:s10+$0xFFFFFF70]  }
0x143: {  	v38 =	vadd.f32 v38, v40;
	v39 =	vadd.f32 v39, v41;
	v40 =	vld [tilespmem:s10+$0xFFFFFF90]  }
0x144: {  	v41 =	vadd.f32 v50, v43;
	v43 =	vadd.f32 v44, v45;
	v44 =	vld [tilespmem:s10+$0xFFFFFFB0]  }
0x145: {  	v36 =	vadd.f32 v36, v38;
	v37 =	vadd.f32 v37, v39;
	v38 =	vld [tilespmem:s10+$0xFFFFFFD0]  }
0x146: {  	v39 =	vadd.f32 v48, v41;
	v41 =	vadd.f32 v42, v43;
	v42 =	vld [tilespmem:s10+$0xFFFFFFF0]  }
0x147: {  	v34 =	vadd.f32 v34, v36;
	v35 =	vadd.f32 v35, v37;
	v36 =	vld [tilespmem:s10+$0x10]  }
0x148: {  	v37 =	vadd.f32 v46, v39;
	v39 =	vadd.f32 v40, v41;
	v40 =	vld [tilespmem:s10+$0x30]  }
0x149: {  	v32 =	vadd.f32 v32, v34;
	v33 =	vadd.f32 v33, v35;
	v34 =	vld [tilespmem:s10+$0x50]  }
0x14a: {  	v35 =	vadd.f32 v44, v37;
	v37 =	vadd.f32 v38, v39;
	v38 =	vld [tilespmem:s10+$0x70]  }
0x14b: {  	v30 =	vadd.f32 v30, v32;
	v31 =	vadd.f32 v31, v33;
	v32 =	vld [tilespmem:s10+$0x90]  }
0x14c: {  	v33 =	vadd.f32 v42, v35;
	v35 =	vadd.f32 v36, v37;
	v36 =	vld [tilespmem:s10+$0xB0]  }
0x14d: {  	v28 =	vadd.f32 v28, v30;
	v29 =	vadd.f32 v29, v31;
	v30 =	vld [tilespmem:s10+$0xD0]  }
0x14e: {  	v31 =	vadd.f32 v40, v33;
	v33 =	vadd.f32 v34, v35;
	v34 =	vld [tilespmem:s10+$0xF0]  }
0x14f: {  	v26 =	vadd.f32 v26, v28;
	v27 =	vadd.f32 v27, v29;
	v28 =	vld [tilespmem:s10+$0x110]  }
0x150: {  	v29 =	vadd.f32 v38, v31;
	v31 =	vadd.f32 v32, v33;
	v32 =	vld [tilespmem:s10+$0x130]  }
0x151: {  	v24 =	vadd.f32 v24, v26;
	v25 =	vadd.f32 v25, v27;
	v26 =	vld [tilespmem:s10+$0x150]  }
0x152: {  	v27 =	vadd.f32 v36, v29;
	v29 =	vadd.f32 v30, v31;
	v30 =	vld [tilespmem:s10+$0x170]  }
0x153: {  	v22 =	vadd.f32 v22, v24;
	v23 =	vadd.f32 v23, v25;
	v24 =	vld [tilespmem:s10+$0x190]  }
0x154: {  	v25 =	vadd.f32 v34, v27;
	v27 =	vadd.f32 v28, v29;
	v28 =	vld [tilespmem:s10+$0x1B0]  }
0x155: {  	v20 =	vadd.f32 v20, v22;
	v21 =	vadd.f32 v21, v23;
	v22 =	vld [tilespmem:s10+$0x1D0]  }
0x156: {  	v23 =	vadd.f32 v32, v25;
	v25 =	vadd.f32 v26, v27;
	v26 =	vld [tilespmem:s10+$0x1F0]  }
0x157: {  	v18 =	vadd.f32 v18, v20;
	v19 =	vadd.f32 v19, v21;
	v20 =	vld [tilespmem:s10+$0x210]  }
0x158: {  	v21 =	vadd.f32 v30, v23;
	v23 =	vadd.f32 v24, v25;
	v24 =	vld [tilespmem:s10+$0x230]  }
0x159: {  	v16 =	vadd.f32 v16, v18;
	v17 =	vadd.f32 v17, v19;
	v18 =	vld [tilespmem:s10+$0x250]  }
0x15a: {  	v19 =	vadd.f32 v28, v21;
	v21 =	vadd.f32 v22, v23;
	v22 =	vld [tilespmem:s10+$0x270]  }
0x15b: {  	v14 =	vadd.f32 v14, v16;
	v15 =	vadd.f32 v15, v17;
	v16 =	vld [tilespmem:s10+$0x290]  }
0x15c: {  	v17 =	vadd.f32 v26, v19;
	v19 =	vadd.f32 v20, v21;
	v20 =	vld [tilespmem:s10+$0x2B0]  }
0x15d: {  	v12 =	vadd.f32 v12, v14;
	v13 =	vadd.f32 v13, v15;
	v14 =	vld [tilespmem:s10+$0x2D0]  }
0x15e: {  	v15 =	vadd.f32 v24, v17;
	v17 =	vadd.f32 v18, v19;
	v18 =	vld [tilespmem:s10+$0x2F0]  }
0x15f: {  	v10 =	vadd.f32 v10, v12;
	v11 =	vadd.f32 v11, v13;
	v12 =	vld [tilespmem:s10+$0x310]  }
0x160: {  	v13 =	vadd.f32 v22, v15;
	v15 =	vadd.f32 v16, v17  }
0x161: {  	s20 =	sadd.s32 $0x20, s20;
	v8 =	vadd.f32 v8, v10;
	v9 =	vadd.f32 v9, v11  }
0x162: {  	v10 =	vadd.f32 v20, v13;
	v11 =	vadd.f32 v14, v15;
	v13 =	vld [tilespmem:s20+$0xFFFFFFF0]  }
0x163: {  	v6 =	vadd.f32 v6, v8;
	v7 =	vadd.f32 v7, v9;
	v8 =	vld [tilespmem:s20+$0x0]  }
0x164: {  	v9 =	vadd.f32 v18, v10;
	v10 =	vadd.f32 v12, v11;
	_ =	sdelay $0x1  }
0x165: {  	v6 =	vadd.f32 v7, v6;
	v7 =	vadd.f32 v10, v9;
	_ =	sdelay $0x1  }
0x166: {  	v6 =	vmul.f32 v13, v6;
	v7 =	vmul.f32 v8, v7;
	_ =	sdelay $0x1  }
0x167: {  	v6 =	vadd.f32 v7, v6;
	_ =	sdelay $0x1  }
0x168: {  	v7 =	vperm.xlane v6, v0;
	_ =	sdelay $0x1  }
0x169: {  	v6 =	vadd.f32 v6, v7;
	_ =	sdelay $0x1  }
0x16a: {  	v7 =	vperm.xlane v6, v1;
	_ =	sdelay $0x1  }
0x16b: {  	v6 =	vadd.f32 v6, v7;
	_ =	sdelay $0x1  }
0x16c: {  	v7 =	vperm.xlane v6, v2;
	_ =	sdelay $0x1  }
0x16d: {  	v6 =	vadd.f32 v6, v7;
	_ =	sdelay $0x1  }
0x16e: {  	v7 =	vperm.xlane v6, v3  }
.Ltmp0:
0x16f: {  	s14 =	sand.u32 $0xF, s14;
	(pc) =	sbr.rel @p0 .LBB2_3-.Ltmp0, $4  }
0x170: {  	v6 =	vadd.f32 v6, v7;
	v7 =	vmov s14  }
0x171: {  	vm0 =	veq.s32 v7, v4  }
0x172: {  	s19 =	sadd.s32 $0x1, s19;
	p1 =	sne.s32 s14, $0xF;
	v5 =	vsel vm0, v6, v5  }
0x173: {  	s10 =	sadd.s32 $0x640, s10;
	[tilespmem:s19+$0x0] =	vst @!p1 v5  }
0x174: {  	p0 =	seq.s32 s7, $0x7  }
0x175: {  	s8 =	sshll.u32 @!p0 s7, $0x5  }
0x176: {  	s8 =	sadd.s32 @!p0 s8, s13  }
0x177: {  	s8 =	smul.u32 @!p0 $0xD, s8;
	_ =	sdelay $0x1  }
0x178: {  	s10 =	simm.s32 @!p0 $0x0;
	s8 =	sadd.s32 @!p0 s3, s8  }
0x179: {  	[tilespmem:s10], [sflag:$0x4] =	stream.linear.gather @!p0 [hbm4b:s8+s10], $0x680, $0x38;
	[tilespmem:$0x1E300] =	vst v63  }
0x17a: {  	s8 =	simm.s32 @!p0 $0x4  }
0x17b: {  	_ =	swait.ge @!p0 [sflag:s8], $0x680  }
0x17c: {  	[sflag:s8] =	ssyncset.done @!p0 $0x0  }
0x17d: {  	s14 =	simm.s32 @!p0 $0xD00;
	[sflag:s8] =	ssyncadd.s32 @!p0 $0xFFFFF980;
	s8 =	simm.s32 @!p0 $0x64  }
0x17e: {  	[tilespmem:s14], [sflag:$0x1] =	stream.indirect.gather @!p0 [hbm4b:s5+s8], $0x20, s10, s8, $0xb8;
	[tilespmem:$0x1E300] =	vst v63  }
0x17f: {  	s10 =	simm.s32 @!p0 $0x68;
	s14 =	simm.s32 @!p0 $0x1980  }
0x180: {  	[tilespmem:s14], [sflag:$0x1] =	stream.indirect.gather @!p0 [hbm4b:s5+s8], $0x20, s10, s8, $0xb8;
	[tilespmem:$0x1E300] =	vst v63  }
0x181: {  	s10 =	simm.s32 @!p0 $0xD0;
	s14 =	simm.s32 @!p0 $0x2600  }
0x182: {  	[tilespmem:s14], [sflag:$0x1] =	stream.indirect.gather @!p0 [hbm4b:s5+s8], $0x20, s10, s8, $0xb8;
	[tilespmem:$0x1E300] =	vst v63  }
0x183: {  	s10 =	simm.s32 @!p0 $0x138;
	s14 =	simm.s32 @!p0 $0x3280  }
0x184: {  	[tilespmem:s14], [sflag:$0x1] =	stream.indirect.gather @!p0 [hbm4b:s5+s8], $0x20, s10, s8, $0xb8;
	[tilespmem:$0x1E300] =	vst v63  }
0x185: {  	s10 =	simm.s32 @!p0 $0x1A0;
	s14 =	simm.s32 @!p0 $0x3F00  }
0x186: {  	[tilespmem:s14], [sflag:$0x1] =	stream.indirect.gather @!p0 [hbm4b:s5+s8], $0x20, s10, s8, $0xb8;
	[tilespmem:$0x1E300] =	vst v63  }
0x187: {  	s10 =	simm.s32 @!p0 $0x208;
	s14 =	simm.s32 @!p0 $0x4B80  }
0x188: {  	[tilespmem:s14], [sflag:$0x1] =	stream.indirect.gather @!p0 [hbm4b:s5+s8], $0x20, s10, s8, $0xb8;
	[tilespmem:$0x1E300] =	vst v63  }
0x189: {  	s10 =	simm.s32 @!p0 $0x270;
	s14 =	simm.s32 @!p0 $0x5800  }
0x18a: {  	[tilespmem:s14], [sflag:$0x1] =	stream.indirect.gather @!p0 [hbm4b:s5+s8], $0x20, s10, s8, $0xb8;
	[tilespmem:$0x1E300] =	vst v63  }
0x18b: {  	s10 =	simm.s32 @!p0 $0x2D8;
	s14 =	simm.s32 @!p0 $0x6480  }
0x18c: {  	[tilespmem:s14], [sflag:$0x1] =	stream.indirect.gather @!p0 [hbm4b:s5+s8], $0x20, s10, s8, $0xb8;
	[tilespmem:$0x1E300] =	vst v63  }
0x18d: {  	s10 =	simm.s32 @!p0 $0x340;
	s14 =	simm.s32 @!p0 $0x7100  }
0x18e: {  	[tilespmem:s14], [sflag:$0x1] =	stream.indirect.gather @!p0 [hbm4b:s5+s8], $0x20, s10, s8, $0xb8;
	[tilespmem:$0x1E300] =	vst v63  }
0x18f: {  	s10 =	simm.s32 @!p0 $0x3A8;
	s14 =	simm.s32 @!p0 $0x7D80  }
0x190: {  	[tilespmem:s14], [sflag:$0x1] =	stream.indirect.gather @!p0 [hbm4b:s5+s8], $0x20, s10, s8, $0xb8;
	[tilespmem:$0x1E300] =	vst v63  }
0x191: {  	s10 =	simm.s32 @!p0 $0x410;
	s14 =	simm.s32 @!p0 $0x8A00  }
0x192: {  	[tilespmem:s14], [sflag:$0x1] =	stream.indirect.gather @!p0 [hbm4b:s5+s8], $0x20, s10, s8, $0xb8;
	[tilespmem:$0x1E300] =	vst v63  }
0x193: {  	s10 =	simm.s32 @!p0 $0x478;
	s14 =	simm.s32 @!p0 $0x9680  }
0x194: {  	[tilespmem:s14], [sflag:$0x1] =	stream.indirect.gather @!p0 [hbm4b:s5+s8], $0x20, s10, s8, $0xb8;
	[tilespmem:$0x1E300] =	vst v63  }
0x195: {  	s10 =	simm.s32 @!p0 $0x4E0;
	s14 =	simm.s32 @!p0 $0xA300  }
0x196: {  	[tilespmem:s14], [sflag:$0x1] =	stream.indirect.gather @!p0 [hbm4b:s5+s8], $0x20, s10, s8, $0xb8;
	[tilespmem:$0x1E300] =	vst v63  }
0x197: {  	s10 =	simm.s32 @!p0 $0x548;
	s14 =	simm.s32 @!p0 $0xAF80  }
0x198: {  	[tilespmem:s14], [sflag:$0x1] =	stream.indirect.gather @!p0 [hbm4b:s5+s8], $0x20, s10, s8, $0xb8;
	[tilespmem:$0x1E300] =	vst v63  }
0x199: {  	s10 =	simm.s32 @!p0 $0x5B0;
	s14 =	simm.s32 @!p0 $0xBC00  }
0x19a: {  	[tilespmem:s14], [sflag:$0x1] =	stream.indirect.gather @!p0 [hbm4b:s5+s8], $0x20, s10, s8, $0xb8;
	[tilespmem:$0x1E300] =	vst v63  }
0x19b: {  	s10 =	simm.s32 @!p0 $0x618;
	s14 =	simm.s32 @!p0 $0xC880  }
0x19c: {  	[tilespmem:s14], [sflag:$0x1] =	stream.indirect.gather @!p0 [hbm4b:s5+s8], $0x20, s10, s8, $0xb8;
	[tilespmem:$0x1E300] =	vst v63  }
0x19d: {  	_ =	swait.ge [sflag:s16], $0xC800  }
0x19e: {  	[sflag:s16] =	ssyncset.done $0x0  }
0x19f: {  	s19 =	simm.s32 $0x0;
	[sflag:s16] =	ssyncadd.s32 $0xFFFF3800  }
0x1a0: {  	v5 =	vld [tilespmem:s19+$0xDB00]  }
0x1a1: {  	v6 =	vld [tilespmem:s19+$0xDB20]  }
0x1a2: {  	v7 =	vld [tilespmem:s19+$0xDAC0]  }
0x1a3: {  	v8 =	vld [tilespmem:s19+$0xDAE0]  }
0x1a4: {  	v9 =	vld [tilespmem:s19+$0xDA80]  }
0x1a5: {  	v10 =	vld [tilespmem:s19+$0xDAA0]  }
0x1a6: {  	v11 =	vld [tilespmem:s19+$0xDA40]  }
0x1a7: {  	v12 =	vld [tilespmem:s19+$0xDA60]  }
0x1a8: {  	v13 =	vld [tilespmem:s19+$0xDA00]  }
0x1a9: {  	v14 =	vld [tilespmem:s19+$0xDA20]  }
0x1aa: {  	v15 =	vld [tilespmem:s19+$0xD9C0]  }
0x1ab: {  	v16 =	vld [tilespmem:s19+$0xD9E0]  }
0x1ac: {  	v17 =	vld [tilespmem:s19+$0xD980]  }
0x1ad: {  	v18 =	vld [tilespmem:s19+$0xD9A0]  }
0x1ae: {  	v19 =	vld [tilespmem:s19+$0xD940]  }
0x1af: {  	v20 =	vld [tilespmem:s19+$0xD960]  }
0x1b0: {  	v21 =	vld [tilespmem:s19+$0xD900]  }
0x1b1: {  	v22 =	vld [tilespmem:s19+$0xD920]  }
0x1b2: {  	v23 =	vld [tilespmem:s19+$0xD8C0]  }
0x1b3: {  	v24 =	vld [tilespmem:s19+$0xD8E0]  }
0x1b4: {  	v25 =	vld [tilespmem:s19+$0xD880]  }
0x1b5: {  	v26 =	vld [tilespmem:s19+$0xD8A0]  }
0x1b6: {  	v27 =	vld [tilespmem:s19+$0xD840]  }
0x1b7: {  	v28 =	vld [tilespmem:s19+$0xD860]  }
0x1b8: {  	v29 =	vld [tilespmem:s19+$0xD800]  }
0x1b9: {  	v30 =	vld [tilespmem:s19+$0xD820]  }
0x1ba: {  	v31 =	vld [tilespmem:s19+$0xD7C0]  }
0x1bb: {  	v32 =	vld [tilespmem:s19+$0xD7E0]  }
0x1bc: {  	v33 =	vld [tilespmem:s19+$0xD780]  }
0x1bd: {  	v34 =	vld [tilespmem:s19+$0xD7A0]  }
0x1be: {  	v35 =	vld [tilespmem:s19+$0xD740]  }
0x1bf: {  	v36 =	vld [tilespmem:s19+$0xD760]  }
0x1c0: {  	v37 =	vld [tilespmem:s19+$0xD700]  }
0x1c1: {  	v38 =	vld [tilespmem:s19+$0xD720]  }
0x1c2: {  	v39 =	vld [tilespmem:s19+$0xD6C0]  }
0x1c3: {  	v40 =	vld [tilespmem:s19+$0xD6E0]  }
0x1c4: {  	v41 =	vld [tilespmem:s19+$0xD680]  }
0x1c5: {  	v42 =	vld [tilespmem:s19+$0xD6A0]  }
0x1c6: {  	v43 =	vld [tilespmem:s19+$0xD640]  }
0x1c7: {  	v44 =	vld [tilespmem:s19+$0xD660]  }
0x1c8: {  	v45 =	vld [tilespmem:s19+$0xD600]  }
0x1c9: {  	v46 =	vld [tilespmem:s19+$0xD620]  }
0x1ca: {  	v47 =	vld [tilespmem:s19+$0xD5C0]  }
0x1cb: {  	v48 =	vld [tilespmem:s19+$0xD5E0]  }
0x1cc: {  	v49 =	vld [tilespmem:s19+$0xD580]  }
0x1cd: {  	v50 =	vld [tilespmem:s19+$0xD5A0]  }
0x1ce: {  	v51 =	vld [tilespmem:s19+$0xD540]  }
0x1cf: {  	v52 =	vld [tilespmem:s19+$0xD500]  }
0x1d0: {  	v53 =	vld [tilespmem:s19+$0xD520]  }
0x1d1: {  	v54 =	vld [tilespmem:s19+$0xD560]  }
0x1d2: {  	v55 =	vld [tilespmem:s19+$0xD510]  }
0x1d3: {  	v56 =	vld [tilespmem:s19+$0xD550]  }
0x1d4: {  	v57 =	vld [tilespmem:s19+$0xD530]  }
0x1d5: {  	v58 =	vld [tilespmem:s19+$0xD570]  }
0x1d6: {  	v59 =	vld [tilespmem:s19+$0xD590]  }
0x1d7: {  	v60 =	vld [tilespmem:s19+$0xD5B0]  }
0x1d8: {  	v61 =	vld [tilespmem:s19+$0xD5D0]  }
0x1d9: {  	v51 =	vadd.f32 v51, v52;
	v52 =	vadd.f32 v54, v53;
	v53 =	vld [tilespmem:s19+$0xD5F0]  }
0x1da: {  	v62 =	vadd.f32 v56, v55;
	v63 =	vadd.f32 v58, v57;
	v56 =	vld [tilespmem:s19+$0xD610]  }
0x1db: {  	v49 =	vadd.f32 v49, v51;
	v50 =	vadd.f32 v50, v52;
	v51 =	vld [tilespmem:s19+$0xD630]  }
0x1dc: {  	v57 =	vld [tilespmem:s19+$0xD650];
	v62 =	vadd.f32 v59, v62;
	v63 =	vadd.f32 v60, v63  }
0x1dd: {  	v58 =	vld [tilespmem:s19+$0xD670];
	v47 =	vadd.f32 v47, v49;
	v48 =	vadd.f32 v48, v50  }
0x1de: {  	v59 =	vadd.f32 v61, v62;
	v61 =	vld [tilespmem:s19+$0xD690];
	v60 =	vadd.f32 v53, v63  }
0x1df: {  	v45 =	vadd.f32 v45, v47;
	v46 =	vadd.f32 v46, v48;
	v47 =	vld [tilespmem:s19+$0xD6B0]  }
0x1e0: {  	v54 =	vld [tilespmem:s19+$0xD6D0];
	v62 =	vadd.f32 v56, v59;
	v63 =	vadd.f32 v51, v60  }
0x1e1: {  	v56 =	vld [tilespmem:s19+$0xD6F0];
	v43 =	vadd.f32 v43, v45;
	v44 =	vadd.f32 v44, v46  }
0x1e2: {  	v59 =	vld [tilespmem:s19+$0xD710];
	v57 =	vadd.f32 v57, v62;
	v58 =	vadd.f32 v58, v63  }
0x1e3: {  	v60 =	vld [tilespmem:s19+$0xD730];
	v41 =	vadd.f32 v41, v43;
	v42 =	vadd.f32 v42, v44  }
0x1e4: {  	v48 =	vld [tilespmem:s19+$0xD770];
	v61 =	vadd.f32 v61, v57;
	v62 =	vadd.f32 v47, v58  }
0x1e5: {  	v63 =	vld [tilespmem:s19+$0xD750];
	v39 =	vadd.f32 v39, v41;
	v40 =	vadd.f32 v40, v42  }
0x1e6: {  	v52 =	vld [tilespmem:s19+$0xD790];
	v50 =	vadd.f32 v54, v61;
	v51 =	vadd.f32 v56, v62  }
0x1e7: {  	v53 =	vld [tilespmem:s19+$0xD7B0];
	v37 =	vadd.f32 v37, v39;
	v38 =	vadd.f32 v38, v40  }
0x1e8: {  	v57 =	vld [tilespmem:s19+$0xD7F0];
	v54 =	vadd.f32 v59, v50;
	v55 =	vadd.f32 v60, v51  }
0x1e9: {  	v56 =	vld [tilespmem:s19+$0xD7D0];
	v35 =	vadd.f32 v35, v37;
	v36 =	vadd.f32 v36, v38  }
0x1ea: {  	v61 =	vld [tilespmem:s19+$0xD830];
	v58 =	vadd.f32 v63, v54;
	v59 =	vadd.f32 v48, v55  }
0x1eb: {  	v60 =	vld [tilespmem:s19+$0xD810];
	v33 =	vadd.f32 v33, v35;
	v34 =	vadd.f32 v34, v36  }
0x1ec: {  	v44 =	vld [tilespmem:s19+$0xD870];
	v62 =	vadd.f32 v52, v58;
	v63 =	vadd.f32 v53, v59  }
0x1ed: {  	v42 =	vld [tilespmem:s19+$0xD850];
	v31 =	vadd.f32 v31, v33;
	v32 =	vadd.f32 v32, v34  }
0x1ee: {  	v47 =	vld [tilespmem:s19+$0xD890];
	v45 =	vadd.f32 v56, v62;
	v46 =	vadd.f32 v57, v63  }
0x1ef: {  	v48 =	vld [tilespmem:s19+$0xD8B0];
	v29 =	vadd.f32 v29, v31;
	v30 =	vadd.f32 v30, v32  }
0x1f0: {  	v51 =	vld [tilespmem:s19+$0xD8D0];
	v49 =	vadd.f32 v60, v45;
	v50 =	vadd.f32 v61, v46  }
0x1f1: {  	v52 =	vld [tilespmem:s19+$0xD8F0];
	v27 =	vadd.f32 v27, v29;
	v28 =	vadd.f32 v28, v30  }
0x1f2: {  	v55 =	vld [tilespmem:s19+$0xD910];
	v53 =	vadd.f32 v42, v49;
	v54 =	vadd.f32 v44, v50  }
0x1f3: {  	v56 =	vld [tilespmem:s19+$0xD930];
	v25 =	vadd.f32 v25, v27;
	v26 =	vadd.f32 v26, v28  }
0x1f4: {  	v59 =	vld [tilespmem:s19+$0xD950];
	v57 =	vadd.f32 v47, v53;
	v58 =	vadd.f32 v48, v54  }
0x1f5: {  	v60 =	vld [tilespmem:s19+$0xD970];
	v23 =	vadd.f32 v23, v25;
	v24 =	vadd.f32 v24, v26  }
0x1f6: {  	v63 =	vld [tilespmem:s19+$0xD990];
	v61 =	vadd.f32 v51, v57;
	v62 =	vadd.f32 v52, v58  }
0x1f7: {  	v32 =	vld [tilespmem:s19+$0xD9B0];
	v21 =	vadd.f32 v21, v23;
	v22 =	vadd.f32 v22, v24  }
0x1f8: {  	v35 =	vld [tilespmem:s19+$0xD9D0];
	v33 =	vadd.f32 v55, v61;
	v34 =	vadd.f32 v56, v62  }
0x1f9: {  	v36 =	vld [tilespmem:s19+$0xD9F0];
	v19 =	vadd.f32 v19, v21;
	v20 =	vadd.f32 v20, v22  }
0x1fa: {  	v39 =	vld [tilespmem:s19+$0xDA10];
	v37 =	vadd.f32 v59, v33;
	v38 =	vadd.f32 v60, v34  }
0x1fb: {  	v40 =	vld [tilespmem:s19+$0xDA30];
	v17 =	vadd.f32 v17, v19;
	v18 =	vadd.f32 v18, v20  }
0x1fc: {  	v43 =	vld [tilespmem:s19+$0xDA50];
	v41 =	vadd.f32 v63, v37;
	v42 =	vadd.f32 v32, v38  }
0x1fd: {  	v44 =	vld [tilespmem:s19+$0xDA70];
	v15 =	vadd.f32 v15, v17;
	v16 =	vadd.f32 v16, v18  }
0x1fe: {  	v47 =	vld [tilespmem:s19+$0xDA90];
	v45 =	vadd.f32 v35, v41;
	v46 =	vadd.f32 v36, v42  }
0x1ff: {  	v48 =	vld [tilespmem:s19+$0xDAB0];
	v13 =	vadd.f32 v13, v15;
	v14 =	vadd.f32 v14, v16  }
0x200: {  	v51 =	vld [tilespmem:s19+$0xDAD0];
	v49 =	vadd.f32 v39, v45;
	v50 =	vadd.f32 v40, v46  }
0x201: {  	v52 =	vld [tilespmem:s19+$0xDAF0];
	v11 =	vadd.f32 v11, v13;
	v12 =	vadd.f32 v12, v14  }
0x202: {  	v55 =	vld [tilespmem:s19+$0xDB10];
	v53 =	vadd.f32 v43, v49;
	v54 =	vadd.f32 v44, v50  }
0x203: {  	v56 =	vld [tilespmem:s19+$0xDB30];
	v9 =	vadd.f32 v9, v11;
	v10 =	vadd.f32 v10, v12  }
0x204: {  	v57 =	vadd.f32 v47, v53;
	v58 =	vadd.f32 v48, v54  }
0x205: {  	v7 =	vadd.f32 v7, v9;
	v8 =	vadd.f32 v8, v10  }
0x206: {  	v61 =	vld [tilespmem:s6+$0xFFFFFFF0];
	v59 =	vadd.f32 v51, v57;
	v60 =	vadd.f32 v52, v58  }
0x207: {  	v5 =	vadd.f32 v5, v7;
	v6 =	vadd.f32 v6, v8;
	v7 =	vld [tilespmem:s6+$0x0]  }
0x208: {  	v62 =	vadd.f32 v55, v59;
	v63 =	vadd.f32 v56, v60;
	_ =	sdelay $0x1  }
0x209: {  	v5 =	vadd.f32 v6, v5;
	v6 =	vadd.f32 v63, v62;
	_ =	sdelay $0x1  }
0x20a: {  	v5 =	vmul.f32 v61, v5;
	v6 =	vmul.f32 v7, v6;
	_ =	sdelay $0x1  }
0x20b: {  	v5 =	vadd.f32 v6, v5;
	_ =	sdelay $0x1  }
0x20c: {  	v6 =	vperm.xlane v5, v0;
	_ =	sdelay $0x1  }
0x20d: {  	v5 =	vadd.f32 v5, v6;
	_ =	sdelay $0x1  }
0x20e: {  	v6 =	vperm.xlane v5, v1;
	_ =	sdelay $0x1  }
0x20f: {  	v5 =	vadd.f32 v5, v6;
	_ =	sdelay $0x1  }
0x210: {  	v6 =	vperm.xlane v5, v2;
	_ =	sdelay $0x1  }
0x211: {  	v5 =	vadd.f32 v5, v6;
	_ =	sdelay $0x1  }
0x212: {  	s8 =	simm.s32 $0x0;
	v6 =	vperm.xlane v5, v3  }
0x213: {  	s20 =	sand.u32 $0xF, s8  }
0x214: {  	v5 =	vadd.f32 v5, v6;
	v6 =	vmov s20  }
0x215: {  	s10 =	simm.s32 $0x1900;
	v7 =	vimm.f32 $0.0e+00;
	vm0 =	veq.s32 v6, v4  }
0x216: {  	p1 =	sne.s32 s20, $0xF;
	s19 =	smov.u32 s6;
	s20 =	smov.u32 s9;
	v5 =	vsel vm0, v5, v7  }
.LBB2_5:
0x217: {  	s14 =	sshra.s32 s10, $0x2;
	[tilespmem:s20+$0x0] =	vst @!p1 v5  }
0x218: {  	v6 =	vld [tilespmem:s14+$0xDB00]  }
0x219: {  	v7 =	vld [tilespmem:s14+$0xDB20]  }
0x21a: {  	v8 =	vld [tilespmem:s14+$0xDAC0]  }
0x21b: {  	v9 =	vld [tilespmem:s14+$0xDAE0]  }
0x21c: {  	v10 =	vld [tilespmem:s14+$0xDA80]  }
0x21d: {  	v11 =	vld [tilespmem:s14+$0xDAA0]  }
0x21e: {  	v12 =	vld [tilespmem:s14+$0xDA40]  }
0x21f: {  	v13 =	vld [tilespmem:s14+$0xDA60]  }
0x220: {  	v14 =	vld [tilespmem:s14+$0xDA00]  }
0x221: {  	v15 =	vld [tilespmem:s14+$0xDA20]  }
0x222: {  	v16 =	vld [tilespmem:s14+$0xD9C0]  }
0x223: {  	v17 =	vld [tilespmem:s14+$0xD9E0]  }
0x224: {  	v18 =	vld [tilespmem:s14+$0xD980]  }
0x225: {  	v19 =	vld [tilespmem:s14+$0xD9A0]  }
0x226: {  	v20 =	vld [tilespmem:s14+$0xD940]  }
0x227: {  	v21 =	vld [tilespmem:s14+$0xD960]  }
0x228: {  	v22 =	vld [tilespmem:s14+$0xD900]  }
0x229: {  	v23 =	vld [tilespmem:s14+$0xD920]  }
0x22a: {  	v24 =	vld [tilespmem:s14+$0xD8C0]  }
0x22b: {  	v25 =	vld [tilespmem:s14+$0xD8E0]  }
0x22c: {  	v26 =	vld [tilespmem:s14+$0xD880]  }
0x22d: {  	v27 =	vld [tilespmem:s14+$0xD8A0]  }
0x22e: {  	v28 =	vld [tilespmem:s14+$0xD840]  }
0x22f: {  	v29 =	vld [tilespmem:s14+$0xD860]  }
0x230: {  	v30 =	vld [tilespmem:s14+$0xD800]  }
0x231: {  	v31 =	vld [tilespmem:s14+$0xD820]  }
0x232: {  	v32 =	vld [tilespmem:s14+$0xD7C0]  }
0x233: {  	v33 =	vld [tilespmem:s14+$0xD7E0]  }
0x234: {  	v34 =	vld [tilespmem:s14+$0xD780]  }
0x235: {  	v35 =	vld [tilespmem:s14+$0xD7A0]  }
0x236: {  	v36 =	vld [tilespmem:s14+$0xD740]  }
0x237: {  	v37 =	vld [tilespmem:s14+$0xD760]  }
0x238: {  	v38 =	vld [tilespmem:s14+$0xD700]  }
0x239: {  	v39 =	vld [tilespmem:s14+$0xD720]  }
0x23a: {  	v40 =	vld [tilespmem:s14+$0xD6C0]  }
0x23b: {  	v41 =	vld [tilespmem:s14+$0xD6E0]  }
0x23c: {  	v42 =	vld [tilespmem:s14+$0xD680]  }
0x23d: {  	v43 =	vld [tilespmem:s14+$0xD6A0]  }
0x23e: {  	v44 =	vld [tilespmem:s14+$0xD640]  }
0x23f: {  	v45 =	vld [tilespmem:s14+$0xD660]  }
0x240: {  	v46 =	vld [tilespmem:s14+$0xD600]  }
0x241: {  	v47 =	vld [tilespmem:s14+$0xD620]  }
0x242: {  	v48 =	vld [tilespmem:s14+$0xD5C0]  }
0x243: {  	v49 =	vld [tilespmem:s14+$0xD5E0]  }
0x244: {  	v50 =	vld [tilespmem:s14+$0xD580]  }
0x245: {  	v51 =	vld [tilespmem:s14+$0xD5A0]  }
0x246: {  	v52 =	vld [tilespmem:s14+$0xD540]  }
0x247: {  	v53 =	vld [tilespmem:s14+$0xD500]  }
0x248: {  	v54 =	vld [tilespmem:s14+$0xD520]  }
0x249: {  	v55 =	vld [tilespmem:s14+$0xD560]  }
0x24a: {  	v56 =	vld [tilespmem:s14+$0xD510]  }
0x24b: {  	v57 =	vld [tilespmem:s14+$0xD550]  }
0x24c: {  	s10 =	sadd.s32 $0x1900, s10;
	v58 =	vld [tilespmem:s14+$0xD530]  }
0x24d: {  	p0 =	sne.s32 s10, $0x32000;
	v59 =	vld [tilespmem:s14+$0xD570]  }
0x24e: {  	v60 =	vld [tilespmem:s14+$0xD590]  }
0x24f: {  	v61 =	vld [tilespmem:s14+$0xD5B0]  }
0x250: {  	v62 =	vld [tilespmem:s14+$0xD5D0]  }
0x251: {  	v52 =	vadd.f32 v52, v53;
	v53 =	vadd.f32 v55, v54;
	v54 =	vld [tilespmem:s14+$0xD5F0]  }
0x252: {  	v55 =	vadd.f32 v57, v56;
	v56 =	vadd.f32 v59, v58;
	v57 =	vld [tilespmem:s14+$0xD610]  }
0x253: {  	v50 =	vadd.f32 v50, v52;
	v51 =	vadd.f32 v51, v53;
	v52 =	vld [tilespmem:s14+$0xD630]  }
0x254: {  	v53 =	vadd.f32 v60, v55;
	v55 =	vadd.f32 v61, v56;
	v56 =	vld [tilespmem:s14+$0xD650]  }
0x255: {  	v48 =	vadd.f32 v48, v50;
	v49 =	vadd.f32 v49, v51;
	v50 =	vld [tilespmem:s14+$0xD670]  }
0x256: {  	v51 =	vadd.f32 v62, v53;
	v53 =	vadd.f32 v54, v55;
	v54 =	vld [tilespmem:s14+$0xD690]  }
0x257: {  	v46 =	vadd.f32 v46, v48;
	v47 =	vadd.f32 v47, v49;
	v48 =	vld [tilespmem:s14+$0xD6B0]  }
0x258: {  	v49 =	vadd.f32 v57, v51;
	v51 =	vadd.f32 v52, v53;
	v52 =	vld [tilespmem:s14+$0xD6D0]  }
0x259: {  	v44 =	vadd.f32 v44, v46;
	v45 =	vadd.f32 v45, v47;
	v46 =	vld [tilespmem:s14+$0xD6F0]  }
0x25a: {  	v47 =	vadd.f32 v56, v49;
	v49 =	vadd.f32 v50, v51;
	v50 =	vld [tilespmem:s14+$0xD710]  }
0x25b: {  	v42 =	vadd.f32 v42, v44;
	v43 =	vadd.f32 v43, v45;
	v44 =	vld [tilespmem:s14+$0xD730]  }
0x25c: {  	v45 =	vadd.f32 v54, v47;
	v47 =	vadd.f32 v48, v49;
	v48 =	vld [tilespmem:s14+$0xD750]  }
0x25d: {  	v40 =	vadd.f32 v40, v42;
	v41 =	vadd.f32 v41, v43;
	v42 =	vld [tilespmem:s14+$0xD770]  }
0x25e: {  	v43 =	vadd.f32 v52, v45;
	v45 =	vadd.f32 v46, v47;
	v46 =	vld [tilespmem:s14+$0xD790]  }
0x25f: {  	v38 =	vadd.f32 v38, v40;
	v39 =	vadd.f32 v39, v41;
	v40 =	vld [tilespmem:s14+$0xD7B0]  }
0x260: {  	v41 =	vadd.f32 v50, v43;
	v43 =	vadd.f32 v44, v45;
	v44 =	vld [tilespmem:s14+$0xD7D0]  }
0x261: {  	v36 =	vadd.f32 v36, v38;
	v37 =	vadd.f32 v37, v39;
	v38 =	vld [tilespmem:s14+$0xD7F0]  }
0x262: {  	v39 =	vadd.f32 v48, v41;
	v41 =	vadd.f32 v42, v43;
	v42 =	vld [tilespmem:s14+$0xD810]  }
0x263: {  	v34 =	vadd.f32 v34, v36;
	v35 =	vadd.f32 v35, v37;
	v36 =	vld [tilespmem:s14+$0xD830]  }
0x264: {  	v37 =	vadd.f32 v46, v39;
	v39 =	vadd.f32 v40, v41;
	v40 =	vld [tilespmem:s14+$0xD850]  }
0x265: {  	v32 =	vadd.f32 v32, v34;
	v33 =	vadd.f32 v33, v35;
	v34 =	vld [tilespmem:s14+$0xD870]  }
0x266: {  	v35 =	vadd.f32 v44, v37;
	v37 =	vadd.f32 v38, v39;
	v38 =	vld [tilespmem:s14+$0xD890]  }
0x267: {  	v30 =	vadd.f32 v30, v32;
	v31 =	vadd.f32 v31, v33;
	v32 =	vld [tilespmem:s14+$0xD8B0]  }
0x268: {  	v33 =	vadd.f32 v42, v35;
	v35 =	vadd.f32 v36, v37;
	v36 =	vld [tilespmem:s14+$0xD8D0]  }
0x269: {  	v28 =	vadd.f32 v28, v30;
	v29 =	vadd.f32 v29, v31;
	v30 =	vld [tilespmem:s14+$0xD8F0]  }
0x26a: {  	v31 =	vadd.f32 v40, v33;
	v33 =	vadd.f32 v34, v35;
	v34 =	vld [tilespmem:s14+$0xD910]  }
0x26b: {  	v26 =	vadd.f32 v26, v28;
	v27 =	vadd.f32 v27, v29;
	v28 =	vld [tilespmem:s14+$0xD930]  }
0x26c: {  	v29 =	vadd.f32 v38, v31;
	v31 =	vadd.f32 v32, v33;
	v32 =	vld [tilespmem:s14+$0xD950]  }
0x26d: {  	v24 =	vadd.f32 v24, v26;
	v25 =	vadd.f32 v25, v27;
	v26 =	vld [tilespmem:s14+$0xD970]  }
0x26e: {  	v27 =	vadd.f32 v36, v29;
	v29 =	vadd.f32 v30, v31;
	v30 =	vld [tilespmem:s14+$0xD990]  }
0x26f: {  	v22 =	vadd.f32 v22, v24;
	v23 =	vadd.f32 v23, v25;
	v24 =	vld [tilespmem:s14+$0xD9B0]  }
0x270: {  	v25 =	vadd.f32 v34, v27;
	v27 =	vadd.f32 v28, v29;
	v28 =	vld [tilespmem:s14+$0xD9D0]  }
0x271: {  	v20 =	vadd.f32 v20, v22;
	v21 =	vadd.f32 v21, v23;
	v22 =	vld [tilespmem:s14+$0xD9F0]  }
0x272: {  	v23 =	vadd.f32 v32, v25;
	v25 =	vadd.f32 v26, v27;
	v26 =	vld [tilespmem:s14+$0xDA10]  }
0x273: {  	v18 =	vadd.f32 v18, v20;
	v19 =	vadd.f32 v19, v21;
	v20 =	vld [tilespmem:s14+$0xDA30]  }
0x274: {  	v21 =	vadd.f32 v30, v23;
	v23 =	vadd.f32 v24, v25;
	v24 =	vld [tilespmem:s14+$0xDA50]  }
0x275: {  	v16 =	vadd.f32 v16, v18;
	v17 =	vadd.f32 v17, v19;
	v18 =	vld [tilespmem:s14+$0xDA70]  }
0x276: {  	v19 =	vadd.f32 v28, v21;
	v21 =	vadd.f32 v22, v23;
	v22 =	vld [tilespmem:s14+$0xDA90]  }
0x277: {  	v14 =	vadd.f32 v14, v16;
	v15 =	vadd.f32 v15, v17;
	v16 =	vld [tilespmem:s14+$0xDAB0]  }
0x278: {  	v17 =	vadd.f32 v26, v19;
	v19 =	vadd.f32 v20, v21;
	v20 =	vld [tilespmem:s14+$0xDAD0]  }
0x279: {  	v12 =	vadd.f32 v12, v14;
	v13 =	vadd.f32 v13, v15;
	v14 =	vld [tilespmem:s14+$0xDAF0]  }
0x27a: {  	v15 =	vadd.f32 v24, v17;
	v17 =	vadd.f32 v18, v19;
	v18 =	vld [tilespmem:s14+$0xDB10]  }
0x27b: {  	v10 =	vadd.f32 v10, v12;
	v11 =	vadd.f32 v11, v13;
	v12 =	vld [tilespmem:s14+$0xDB30]  }
0x27c: {  	v13 =	vadd.f32 v22, v15;
	v15 =	vadd.f32 v16, v17  }
0x27d: {  	s19 =	sadd.s32 $0x20, s19;
	v8 =	vadd.f32 v8, v10;
	v9 =	vadd.f32 v9, v11  }
0x27e: {  	v10 =	vadd.f32 v20, v13;
	v11 =	vadd.f32 v14, v15;
	v13 =	vld [tilespmem:s19+$0xFFFFFFF0]  }
0x27f: {  	v6 =	vadd.f32 v6, v8;
	v7 =	vadd.f32 v7, v9;
	v8 =	vld [tilespmem:s19+$0x0]  }
0x280: {  	v9 =	vadd.f32 v18, v10;
	v10 =	vadd.f32 v12, v11;
	_ =	sdelay $0x1  }
0x281: {  	v6 =	vadd.f32 v7, v6;
	v7 =	vadd.f32 v10, v9;
	_ =	sdelay $0x1  }
0x282: {  	v6 =	vmul.f32 v13, v6;
	v7 =	vmul.f32 v8, v7;
	_ =	sdelay $0x1  }
0x283: {  	v6 =	vadd.f32 v7, v6;
	_ =	sdelay $0x1  }
0x284: {  	v7 =	vperm.xlane v6, v0;
	_ =	sdelay $0x1  }
0x285: {  	v6 =	vadd.f32 v6, v7;
	_ =	sdelay $0x1  }
0x286: {  	v7 =	vperm.xlane v6, v1;
	_ =	sdelay $0x1  }
0x287: {  	v6 =	vadd.f32 v6, v7;
	_ =	sdelay $0x1  }
0x288: {  	v7 =	vperm.xlane v6, v2;
	_ =	sdelay $0x1  }
0x289: {  	v6 =	vadd.f32 v6, v7;
	_ =	sdelay $0x1  }
.Ltmp1:
0x28a: {  	s8 =	sadd.s32 $0x1, s8;
	v7 =	vperm.xlane v6, v3;
	(pc) =	sbr.rel @p0 .LBB2_5-.Ltmp1, $4  }
0x28b: {  	s14 =	sand.u32 $0xF, s8  }
0x28c: {  	v6 =	vadd.f32 v6, v7;
	v7 =	vmov s14  }
0x28d: {  	vm0 =	veq.s32 v7, v4  }
0x28e: {  	s20 =	sadd.s32 $0x1, s20;
	p1 =	sne.s32 s14, $0xF;
	v5 =	vsel vm0, v6, v5  }
0x28f: {  	s7 =	sadd.s32 $0x1, s7  }
0x290: {  	p0 =	sne.s32 s7, $0x8  }
.Ltmp2:
0x291: {  	_ = 	snop;
	(pc) =	sbr.rel @p0 .LBB2_2-.Ltmp2, $3  }
0x292: {  	_ =	sdelay $0x1  }
0x293: {  	s18 =	sadd.s32 $0x800, s18  }
0x294: {  	[tilespmem:s20+$0x0] =	vst @!p1 v5;
	s12 =	sadd.s32 $0x40, s12;
	s9 =	sadd.s32 $0x40, s9;
	s6 =	sadd.s32 $0x800, s6  }
0x295: {  	s7 =	simm.s32 $0x0  }
0x296: {  	v5 =	vld [tilespmem:s7+$0x1DF00];
	_ =	sdelay $0x4  }
0x297: {  	v5 =	vcvt.s32.f32 v5  }
0x298: {  	s6 =	simm.s32 $0x10  }
0x299: {  	v6 =	vld [tilespmem:s6+$0x1DF00];
	(erf) = vrcp.f32 v5;
	_ =	sdelay $0x4  }
0x29a: {  	v6 =	vcvt.s32.f32 v6;
	v5 =	vld [tilespmem:s7+$0x1E100];
	_ =	sdelay $0x1  }
0x29b: {  	(erf) = vrcp.f32 v6  }
0x29c: {  	s8 =	simm.s32 $0x20;
	s9 =	simm.s32 $0xC0  }
.LBB2_8:
0x29d: {  	p0 =	sne.s32 s9, $0x7C0;
	v6 =	vld [tilespmem:s8+$0x1DF00];
	v7 =	vpop (erf)  }
0x29e: {  	v5 =	vmul.f32 v7, v5;
	_ =	sdelay $0x1  }
.Ltmp3:
0x29f: {  	[tilespmem:s7+$0x1E100] =	vst v5;
	s7 =	smov.u32 s6;
	s6 =	smov.u32 s8;
	(pc) =	sbr.rel @p0 .LBB2_8-.Ltmp3, $3  }
0x2a0: {  	v5 =	vld [tilespmem:s7+$0x1E100]  }
0x2a1: {  	v6 =	vcvt.s32.f32 v6;
	_ =	sdelay $0x1  }
0x2a2: {  	s8 =	sshra.s32 s9, $0x2;
	s9 =	sadd.s32 $0x40, s9;
	(erf) = vrcp.f32 v6  }
0x2a3: {  	v6 =	vld [tilespmem:s8+$0x1DF00]  }
0x2a4: {  	v7 =	vpop (erf)  }
0x2a5: {  	v5 =	vmul.f32 v7, v5;
	_ =	sdelay $0x1  }
0x2a6: {  	[tilespmem:s7+$0x1E100] =	vst v5  }
0x2a7: {  	v5 =	vld [tilespmem:s6+$0x1E100];
	v6 =	vcvt.s32.f32 v6;
	_ =	sdelay $0x2  }
0x2a8: {  	(erf) = vrcp.f32 v6  }
0x2a9: {  	v6 =	vpop (erf)  }
0x2aa: {  	v5 =	vmul.f32 v6, v5;
	_ =	sdelay $0x1  }
0x2ab: {  	[tilespmem:s6+$0x1E100] =	vst v5  }
0x2ac: {  	v5 =	vld [tilespmem:s8+$0x1E100];
	_ =	sdelay $0x3  }
0x2ad: {  	v6 =	vpop (erf)  }
0x2ae: {  	v5 =	vmul.f32 v6, v5;
	_ =	sdelay $0x1  }
0x2af: {  	s10 =	simm.s32 $0x0;
	s14 =	rddreg [dreg:$0xb];
	s18 =	simm.s32 $0x1E100;
	[tilespmem:s8+$0x1E100] =	vst v5  }
0x2b0: {  	[hbm4b:s14+s10] =	stream.linear.scatter [tilespmem:s18], [sflag:$0x4], $0x200, $0x38;
	[tilespmem:$0x1E300] =	vst v63  }
0x2b1: {  	_ =	swait.ge [sflag:s17], $0x200  }
0x2b2: {  	s19 =	rddreg [dreg:$0xd]  }
0x2b3: {  	s20 =	rddreg [dreg:$0xc];
	s7 =	sadd.s32 $0x1, s19  }
0x2b4: {  	p0 =	sne.s32 s7, s20  }
.Ltmp4:
0x2b5: {  	_ = 	snop;
	(pc) =	sbr.rel @p0 .LBB2_1-.Ltmp4, $3  }
0x2b6: {  	_ =	sdelay $0x1  }
0x2b7: {  	[sflag:s17] =	ssyncset.done $0x0  }
0x2b8: {  	[sflag:s17] =	ssyncadd.s32 $0xFFFFFE00  }
0x2b9: {  	_ =	sfence.sel $0x180000  }
0x2ba: {  	[bflag:$0x0] =	sbarrier.arrive $0xFFFF  }
0x2bb: {  	_ =	strace $0x90000047  }
0x2bc: {  	s0 =	stileid.u32;
	[bflag:$0x2] =	sbarrier.arrive $0xFFFF  }
0x2bd: {  	p0 =	sne.s32 s0, $0x0;
	s0 =	rddreg [dreg:$0x3]  }
0x2be: {  	s0 =	sadd.s32 @!p0 $0x100000, s0  }
0x2bf: {  	[sflag:s0] =	ssyncadd.tile.s32 @!p0 $0x1;
	_ =	shalt  }
.Lfunc_end2:
_tile_overlayer_lowered:
.L_overlay_start_2:
0x2c0: {  	(tag) =	ssettag $0x2  }
0x2c1: {  	s0 =	rddreg [dreg:$0x0];
	s2 =	stileid.u32  }
0x2c2: {  	s1 =	rddreg [dreg:$0x1];
	p0 =	sne.s32 s2, $0x0  }
0x2c3: {  	s3 =	rddreg [dreg:$0x2];
	[bflag:$0x3] =	sbarrier.arrive $0xFFFF;
	s2 =	simm.s32 @!p0 $0x1C04  }
0x2c4: {  	[timem:s3], [sflag:s2] =	dma.local @!p0 [hbm:s0], s1  }
0x2c5: {  	s0 =	simm.s32 @!p0 $0x4  }
0x2c6: {  	_ =	swait.ge @!p0 [sflag:s0], s1  }
0x2c7: {  	s1 =	ssub.s32 @!p0 $0x0, s1;
	[sflag:s0] =	ssyncset.done @!p0 $0x0  }
0x2c8: {  	[sflag:s0] =	ssyncadd.s32 @!p0 s1  }
0x2c9: {  	[bflag:$0x3] =	sbarrier.arrive $0xFFFF  }
0x2ca: {  	_ =	shalt  }

</sc_bundles>
